<compile_context>
chip_gen: v7x
topology: tpu7x:2x2x1
jax: 0.10.2.dev20260603
libtpu: 0.0.44.dev20260713+nightly
codegen_flags: <defaults>
</compile_context>

<pallas_src>
import functools

import jax
import jax.numpy as jnp
from jax import lax
from jax.experimental import pallas as pl
from jax.experimental.pallas import tpu as pltpu
from jax.experimental.pallas import tpu_sc as plsc

_T, _N, _HID, _HEADS = 12, 10000, 32, 8
_DH = _HID // _HEADS
_TF = _T * _HID
_ROWS = 1000
_DEC_PAD = 128

_E = 160000
_EPAD = 162816
_CE = 48
_CHUNKS = _EPAD // (32 * _CE)
_NROW = 10008
_ACCN = 10112
_QC = 96
_QCP = 128
_KVC = 256
_UC = 128
_NPAIRS = _CHUNKS // 2



def _mp_sc_body(q_hbm, kv_hbm, src_hbm, dst_hbm, w_hbm, out_hbm,
                srcb0, srcb1, dstb0, dstb1, wb0, wb1, qb0, qb1, kvb0, kvb1,
                updb, zbuf, acc, sem0, sem1):
    c = lax.axis_index("c")
    s = lax.axis_index("s")

    srcb = (srcb0, srcb1)
    dstb = (dstb0, dstb1)
    wb = (wb0, wb1)
    qb = (qb0, qb1)
    kvb = (kvb0, kvb1)
    sem = (sem0, sem1)

    for r in range(8):
        for j in range(8):
            zbuf[r, pl.ds(j * 16, 16)] = jnp.zeros((16,), jnp.float32)

    def _padz(e, carry):
        updb[e, pl.ds(112, 16)] = jnp.zeros((16,), jnp.float32)
        return carry
    lax.fori_loop(0, _CE, _padz, 0)

    def _zero(j, carry):
        pltpu.sync_copy(zbuf, acc.at[pl.ds(s * 632 + j * 8, 8)])
        return carry
    lax.fori_loop(0, 79, _zero, 0)
    plsc.subcore_barrier()

    tile_base = (c * 16 + s) * (_CHUNKS * _CE)

    def _fire(b, ch):
        base = tile_base + ch * _CE
        pltpu.sync_copy(src_hbm.at[pl.ds(base, _CE)], srcb[b])
        pltpu.sync_copy(dst_hbm.at[pl.ds(base, _CE)], dstb[b])
        pltpu.sync_copy(w_hbm.at[pl.ds(base, _CE)], wb[b].at[pl.ds(0, _CE)])
        pltpu.async_copy(q_hbm.at[dstb[b]], qb[b], sem[b])
        pltpu.async_copy(kv_hbm.at[srcb[b]], kvb[b], sem[b])

    def _drain(b):
        pltpu.make_async_copy(q_hbm.at[dstb[b]], qb[b], sem[b]).wait()
        pltpu.make_async_copy(kv_hbm.at[srcb[b]], kvb[b], sem[b]).wait()

    def _compute(b):
        q, kv, w_ = qb[b], kvb[b], wb[b]

        def _edge(i, carry2):
            for u in range(2):
                e = i * 2 + u
                w = w_[pl.ds(e, 16)][0]
                sa = q[e, pl.ds(0, 16)] * kv[e, pl.ds(0, 16)]
                sb = q[e, pl.ds(8, 16)] * kv[e, pl.ds(8, 16)]
                for d in range(1, 4):
                    sa = sa + q[e, pl.ds(d * 24, 16)] * kv[e, pl.ds(d * 24, 16)]
                    sb = sb + q[e, pl.ds(d * 24 + 8, 16)] * kv[e, pl.ds(d * 24 + 8, 16)]
                pa = jnp.exp(sa * w)
                pb = jnp.exp(sb * w)
                for d in range(4):
                    updb[e, pl.ds(d * 24, 16)] = pa * kv[e, pl.ds(128 + d * 24, 16)]
                    updb[e, pl.ds(d * 24 + 8, 16)] = pb * kv[e, pl.ds(136 + d * 24, 16)]
                updb[e, pl.ds(96, 16)] = pa
                updb[e, pl.ds(104, 16)] = pb
            return carry2
        lax.fori_loop(0, _CE // 2, _edge, 0)
        pltpu.sync_copy(updb, acc.at[dstb[b]], add=True)

    _fire(0, 0)

    def _pair(p, carry):
        _fire(1, p * 2 + 1)
        _drain(0)
        _compute(0)

        @pl.when(p + 1 < _NPAIRS)
        def _():
            _fire(0, p * 2 + 2)
        _drain(1)
        _compute(1)
        return carry
    lax.fori_loop(0, _NPAIRS, _pair, 0)
    plsc.subcore_barrier()

    @pl.when(s < 10)
    def _():
        pltpu.sync_copy(acc.at[pl.ds(s * 1000, 1000)],
                        out_hbm.at[c, pl.ds(s * 1000, 1000)])


@functools.partial(jax.jit, static_argnums=())
def _mp_sc(qt, kvt, srcp, dstp, wp):
    mesh = plsc.VectorSubcoreMesh(core_axis_name="c", subcore_axis_name="s")
    f = pl.kernel(
        _mp_sc_body,
        mesh=mesh,
        out_type=jax.ShapeDtypeStruct((2, _N, _UC), jnp.float32),
        scratch_types=[
            pltpu.VMEM((_CE,), jnp.int32),
            pltpu.VMEM((_CE,), jnp.int32),
            pltpu.VMEM((_CE,), jnp.int32),
            pltpu.VMEM((_CE,), jnp.int32),
            pltpu.VMEM((_CE + 16,), jnp.float32),
            pltpu.VMEM((_CE + 16,), jnp.float32),
            pltpu.VMEM((_CE, _QCP), jnp.float32),
            pltpu.VMEM((_CE, _QCP), jnp.float32),
            pltpu.VMEM((_CE, _KVC), jnp.float32),
            pltpu.VMEM((_CE, _KVC), jnp.float32),
            pltpu.VMEM((_CE, _UC), jnp.float32),
            pltpu.VMEM((8, _UC), jnp.float32),
            pltpu.VMEM_SHARED((_ACCN, _UC), jnp.float32),
            pltpu.SemaphoreType.DMA,
            pltpu.SemaphoreType.DMA,
        ],
    )
    return f(qt, kvt, srcp, dstp, wp)



def _ffn_dec_body(xres_ref, pv0_ref, pv1_ref, dn0_ref, dn1_ref,
                  g1_ref, bb1_ref, W1_ref, bf1_ref, W2_ref, bf2_ref,
                  g2_ref, bb2_ref, Wd_ref, bd_ref, out_ref):
    den = dn0_ref[...] + dn1_ref[...]
    y = xres_ref[...] + (pv0_ref[...] + pv1_ref[...]) / (den + 1e-9)
    mu = jnp.mean(y, axis=-1, keepdims=True)
    v = jnp.mean((y - mu) ** 2, axis=-1, keepdims=True)
    y = (y - mu) / jnp.sqrt(v + 1e-5) * g1_ref[...] + bb1_ref[...]
    h = jnp.dot(y, W1_ref[...], preferred_element_type=jnp.float32) + bf1_ref[...]
    h = jnp.maximum(h, 0.0)
    y = jnp.dot(h, W2_ref[...], preferred_element_type=jnp.float32) + bf2_ref[...]
    mu = jnp.mean(y, axis=-1, keepdims=True)
    v = jnp.mean((y - mu) ** 2, axis=-1, keepdims=True)
    y = (y - mu) / jnp.sqrt(v + 1e-5) * g2_ref[...] + bb2_ref[...]
    out_ref[...] = jnp.dot(y, Wd_ref[...], preferred_element_type=jnp.float32) + bd_ref[...]


def _ffn_dec(xres, pv0, pv1, dn0, dn1, g1, bb1, W1, bf1, W2, bf2, g2, bb2,
             Wd_p, bd_p):
    nb = _N // _ROWS
    row_spec = pl.BlockSpec((_ROWS, _TF), lambda i: (i, 0))
    vec_spec = pl.BlockSpec((1, _TF), lambda i: (0, 0))
    mat_spec = pl.BlockSpec((_TF, _TF), lambda i: (0, 0))
    return pl.pallas_call(
        _ffn_dec_body,
        grid=(nb,),
        in_specs=[row_spec, row_spec, row_spec, row_spec, row_spec,
                  vec_spec, vec_spec, mat_spec, vec_spec, mat_spec,
                  vec_spec, vec_spec, vec_spec,
                  pl.BlockSpec((_TF, _DEC_PAD), lambda i: (0, 0)),
                  pl.BlockSpec((1, _DEC_PAD), lambda i: (0, 0))],
        out_specs=pl.BlockSpec((_ROWS, _DEC_PAD), lambda i: (i, 0)),
        out_shape=jax.ShapeDtypeStruct((_N, _DEC_PAD), jnp.float32),
    )(xres, pv0, pv1, dn0, dn1, g1, bb1, W1, bf1, W2, bf2, g2, bb2, Wd_p, bd_p)


def _rope_tables():
    half = _HID // 2
    inv = 1.0 / (10000.0 ** (jnp.arange(half, dtype=jnp.float32) / half))
    ang = jnp.arange(_T, dtype=jnp.float32)[:, None] * inv[None, :]
    return jnp.cos(ang), jnp.sin(ang)


def _quarter_tables(proj):
    p = proj.reshape(_T, _N, _HEADS, _DH).transpose(1, 0, 2, 3)
    p = p.reshape(_N, 4, 3, _HEADS, _DH).transpose(0, 1, 4, 2, 3)
    p = p.reshape(_N, 4, _QC)
    p = jnp.pad(p, ((0, _NROW - _N), (0, 0), (0, _QCP - _QC)))
    return [p[:, tq, :] for tq in range(4)]


def kernel(x, edge_index, edge_weight, W_enc, b_enc, Wq, Wk, Wv, g1, bb1,
           W1, bf1, W2, bf2, g2, bb2, Wd, bd):
    cos, sin = _rope_tables()
    xe = x @ W_enc + b_enc
    x1 = xe[..., :16]
    x2 = xe[..., 16:]
    c = cos[None, :, None, :]
    s = sin[None, :, None, :]
    xe = jnp.concatenate([x1 * c - x2 * s, x1 * s + x2 * c], axis=-1)

    q = (xe @ Wq[0])[0]
    k = (xe @ Wk[0])[0]
    v = (xe @ Wv[0])[0]
    qts = _quarter_tables(q)
    kts = _quarter_tables(k)
    vts = _quarter_tables(v)
    kvts = [jnp.concatenate([kts[tq], vts[tq]], axis=1) for tq in range(4)]

    srcp = jnp.pad(edge_index[0].astype(jnp.int32), (0, _EPAD - _E))
    dstp = jnp.pad(edge_index[1].astype(jnp.int32), (0, _EPAD - _E),
                   constant_values=_N)
    wp = jnp.pad(edge_weight * 0.5, (0, _EPAD - _E))

    accs = [_mp_sc(qts[tq], kvts[tq], srcp, dstp, wp)
            for tq in range(4)]

    pvs, dns = [], []
    for core in range(2):
        pv = jnp.stack([a[core, :, :_QC] for a in accs], axis=1)
        pv = pv.reshape(_N, 4, _DH, 3, _HEADS).transpose(0, 1, 3, 4, 2)
        pvs.append(pv.reshape(_N, _TF))
        dn = jnp.stack([a[core, :, _QC:_QC + 24] for a in accs], axis=1)
        dn = jnp.repeat(dn.reshape(_N, _T * _HEADS), _DH, axis=-1)
        dns.append(dn)

    xres = jnp.transpose(xe[0], (1, 0, 2)).reshape(_N, _TF)
    Wd_p = jnp.zeros((_TF, _DEC_PAD), jnp.float32).at[:, :36].set(Wd)
    bd_p = jnp.zeros((1, _DEC_PAD), jnp.float32).at[:, :36].set(bd)
    dec = _ffn_dec(xres, pvs[0], pvs[1], dns[0], dns[1],
                   g1[0:1], bb1[0:1], W1[0], bf1[0:1], W2[0], bf2[0:1],
                   g2[0:1], bb2[0:1], Wd_p, bd_p)
    out = dec[:, :36].reshape(1, _N, _T, 3)
    return jnp.transpose(out, (0, 2, 1, 3))

# --- scband reference (transcript-rebuilt; emitter-appended) ---
"""Pipeline reference for scband-graph-transformer-dsta-21071109554593 (READ-ONLY COPY).

The authoritative reference and input builder live on the scoring server;
editing this copy changes nothing except your own understanding.
"""

import jax, jax.numpy as jnp
import numpy as np

B = 1; T = 12; N = 10000; E = 160000; F_IN = 3; HID = 32; HEADS = 8; L = 1; HOR = 12
TF = T * HID


def _ln(x, g, b):
    mu = jnp.mean(x, axis=-1, keepdims=True)
    v = jnp.var(x, axis=-1, keepdims=True)
    return (x - mu) / jnp.sqrt(v + 1e-5) * g + b


def _rope(x):
    b, t, n, h = x.shape
    half = h // 2
    inv = 1.0 / (10000.0 ** (jnp.arange(half, dtype=jnp.float32) / half))
    ang = jnp.arange(t, dtype=jnp.float32)[:, None] * inv[None, :]
    cos = jnp.cos(ang)[None, :, None, :]
    sin = jnp.sin(ang)[None, :, None, :]
    x1 = x[..., :half]
    x2 = x[..., half:]
    return jnp.concatenate([x1 * cos - x2 * sin, x1 * sin + x2 * cos], axis=-1)


def _mp(x, edge_index, edge_weight, Wq, Wk, Wv):
    # DSTA-style multi-head edge attention message passing (dropout disabled / eval)
    b, t, n, h = x.shape
    dh = h // HEADS
    src = edge_index[0]
    dst = edge_index[1]
    q = (x @ Wq).reshape(b, t, n, HEADS, dh)
    k = (x @ Wk).reshape(b, t, n, HEADS, dh)
    v = (x @ Wv).reshape(b, t, n, HEADS, dh)
    qe = jnp.moveaxis(q[:, :, dst], 2, 0)  # [E,b,t,H,dh]
    ke = jnp.moveaxis(k[:, :, src], 2, 0)
    ve = jnp.moveaxis(v[:, :, src], 2, 0)
    s = jnp.sum(qe * ke, axis=-1) / jnp.sqrt(float(dh))  # [E,b,t,H]
    s = s * edge_weight[:, None, None, None]
    m = jax.ops.segment_max(s, dst, num_segments=n)
    s = jnp.exp(s - m[dst])
    den = jax.ops.segment_sum(s, dst, num_segments=n)
    alpha = s / (den[dst] + 1e-9)
    agg = jax.ops.segment_sum(ve * alpha[..., None], dst, num_segments=n)  # [n,b,t,H,dh]
    out = jnp.moveaxis(agg, 0, 2).reshape(b, t, n, h)
    return x + out


def setup_inputs(seed: int = 0) -> dict:
    key = jax.random.key(seed)
    ks = jax.random.split(key, 16)
    x = jax.random.normal(ks[0], (B, T, N, F_IN), dtype=jnp.float32)
    edge_index = jax.random.randint(ks[1], (2, E), 0, N)
    edge_weight = jax.random.uniform(ks[2], (E,), dtype=jnp.float32)
    inp = {
        'x': x,
        'edge_index': edge_index,
        'edge_weight': edge_weight,
        'W_enc': jax.random.normal(ks[3], (F_IN, HID), dtype=jnp.float32) * 0.2,
        'b_enc': jnp.zeros((HID,), dtype=jnp.float32),
        'Wq': jax.random.normal(ks[4], (L, HID, HID), dtype=jnp.float32) * 0.15,
        'Wk': jax.random.normal(ks[5], (L, HID, HID), dtype=jnp.float32) * 0.15,
        'Wv': jax.random.normal(ks[6], (L, HID, HID), dtype=jnp.float32) * 0.15,
        'g1': jnp.ones((L, TF), dtype=jnp.float32),
        'bb1': jnp.zeros((L, TF), dtype=jnp.float32),
        'W1': jax.random.normal(ks[7], (L, TF, TF), dtype=jnp.float32) * 0.05,
        'bf1': jnp.zeros((L, TF), dtype=jnp.float32),
        'W2': jax.random.normal(ks[8], (L, TF, TF), dtype=jnp.float32) * 0.05,
        'bf2': jnp.zeros((L, TF), dtype=jnp.float32),
        'g2': jnp.ones((L, TF), dtype=jnp.float32),
        'bb2': jnp.zeros((L, TF), dtype=jnp.float32),
        'Wd': jax.random.normal(ks[9], (TF, F_IN * HOR), dtype=jnp.float32) * 0.05,
        'bd': jnp.zeros((F_IN * HOR,), dtype=jnp.float32),
    }
    return inp


def reference(x, edge_index, edge_weight, W_enc, b_enc, Wq, Wk, Wv, g1, bb1, W1, bf1, W2, bf2, g2, bb2, Wd, bd):
    x = x @ W_enc + b_enc  # encoder
    x = _rope(x)
    for l in range(L):
        x = _mp(x, edge_index, edge_weight, Wq[l], Wk[l], Wv[l])
        b, t, n, h = x.shape
        y = jnp.transpose(x, (0, 2, 1, 3)).reshape(b, n, t * h)  # b t n f -> b n (t f)
        y = _ln(y, g1[l], bb1[l])
        y = jax.nn.relu(y @ W1[l] + bf1[l])
        y = y @ W2[l] + bf2[l]
        y = _ln(y, g2[l], bb2[l])
        x = jnp.transpose(y.reshape(b, n, t, h), (0, 2, 1, 3))  # b n (t f) -> b t n f
    y = jnp.transpose(x, (0, 2, 1, 3)).reshape(B, N, T * HID)
    out = y @ Wd + bd  # [B, N, F_IN*HOR]
    out = jnp.transpose(out.reshape(B, N, HOR, F_IN), (0, 2, 1, 3))  # b n (t f) -> b t n f
    return out

if __name__ == "__main__":
    import jax
    _d = setup_inputs()
    print(jax.jit(kernel)(*tuple(_d.values())))

</pallas_src>

<mosaic_0001>
#map = affine_map<(d0, d1) -> (0, 0)>
#map1 = affine_map<(d0, d1) -> (0)>
#map2 = affine_map<(d0, d1) -> (0, 0, 0)>
module attributes {stable_mosaic.version = 14 : i64} {
  func.func @_mp_sc_body(%arg0: i32, %arg1: i32, %arg2: memref<10008x128xf32, #tpu.memory_space<hbm>>, %arg3: memref<10008x256xf32, #tpu.memory_space<hbm>>, %arg4: memref<162816xi32, #tpu.memory_space<hbm>>, %arg5: memref<162816xi32, #tpu.memory_space<hbm>>, %arg6: memref<162816xf32, #tpu.memory_space<hbm>>, %arg7: memref<2x10000x128xf32, #tpu.memory_space<hbm>>, %arg8: memref<48xi32, #tpu.memory_space<vmem>>, %arg9: memref<48xi32, #tpu.memory_space<vmem>>, %arg10: memref<48xi32, #tpu.memory_space<vmem>>, %arg11: memref<48xi32, #tpu.memory_space<vmem>>, %arg12: memref<64xf32, #tpu.memory_space<vmem>>, %arg13: memref<64xf32, #tpu.memory_space<vmem>>, %arg14: memref<48x128xf32, #tpu.memory_space<vmem>>, %arg15: memref<48x128xf32, #tpu.memory_space<vmem>>, %arg16: memref<48x256xf32, #tpu.memory_space<vmem>>, %arg17: memref<48x256xf32, #tpu.memory_space<vmem>>, %arg18: memref<48x128xf32, #tpu.memory_space<vmem>>, %arg19: memref<8x128xf32, #tpu.memory_space<vmem>>, %arg20: memref<10112x128xf32, #tpu.memory_space<vmem_shared>>, %arg21: memref<!tpu.dma_semaphore, #tpu.memory_space<semaphore_mem>>, %arg22: memref<!tpu.dma_semaphore, #tpu.memory_space<semaphore_mem>>) attributes {dimension_semantics = [#tpu.dimension_semantics<core_parallel>, #tpu.dimension_semantics<subcore_parallel>], iteration_bounds = array<i64: 2, 16>, scalar_prefetch = 0 : i64, scratch_operands = 15 : i64, tpu.core_type = #tpu.core_type<sc_vector_subcore>, window_params = [{transform_indices = #map}, {transform_indices = #map}, {transform_indices = #map1}, {transform_indices = #map1}, {transform_indices = #map1}, {transform_indices = #map2}]} {
    %broadcast_in_dim3A = arith.constant 0.000000e+00 : f32
    %broadcast_in_dim3A_0 = vector.broadcast %broadcast_in_dim3A : f32 to vector<16xf32>
    %swap3A = arith.constant 0 : i32
    %swap3A_1 = arith.index_cast %swap3A : i32 to index
    %swap3A_2 = arith.constant 0 : index
    %swap3A_3 = tpu.vector_load %arg19[%swap3A_1, %swap3A_2] {strides = array<i32>} : memref<8x128xf32, #tpu.memory_space<vmem>>, vector<1x16xf32>,
    %swap3A_4 = vector.shape_cast %swap3A_3 : vector<1x16xf32> to vector<16xf32>
    %swap3A_5 = vector.shape_cast %broadcast_in_dim3A_0 : vector<16xf32> to vector<1x16xf32>
    tpu.vector_store %arg19[%swap3A_1, %swap3A_2], %swap3A_5 {strides = array<i32>} : memref<8x128xf32, #tpu.memory_space<vmem>>, vector<1x16xf32>,
    %broadcast_in_dim3A_6 = arith.constant 0.000000e+00 : f32
    %broadcast_in_dim3A_7 = vector.broadcast %broadcast_in_dim3A_6 : f32 to vector<16xf32>
    %swap3A_8 = arith.constant 0 : i32
    %swap3A_9 = arith.index_cast %swap3A_8 : i32 to index
    %swap3A_10 = arith.constant 16 : index
    %swap3A_11 = tpu.vector_load %arg19[%swap3A_9, %swap3A_10] {strides = array<i32>} : memref<8x128xf32, #tpu.memory_space<vmem>>, vector<1x16xf32>,
    %swap3A_12 = vector.shape_cast %swap3A_11 : vector<1x16xf32> to vector<16xf32>
    %swap3A_13 = vector.shape_cast %broadcast_in_dim3A_7 : vector<16xf32> to vector<1x16xf32>
    tpu.vector_store %arg19[%swap3A_9, %swap3A_10], %swap3A_13 {strides = array<i32>} : memref<8x128xf32, #tpu.memory_space<vmem>>, vector<1x16xf32>,
    %broadcast_in_dim3A_14 = arith.constant 0.000000e+00 : f32
    %broadcast_in_dim3A_15 = vector.broadcast %broadcast_in_dim3A_14 : f32 to vector<16xf32>
    %swap3A_16 = arith.constant 0 : i32
    %swap3A_17 = arith.index_cast %swap3A_16 : i32 to index
    %swap3A_18 = arith.constant 32 : index
    %swap3A_19 = tpu.vector_load %arg19[%swap3A_17, %swap3A_18] {strides = array<i32>} : memref<8x128xf32, #tpu.memory_space<vmem>>, vector<1x16xf32>,
    %swap3A_20 = vector.shape_cast %swap3A_19 : vector<1x16xf32> to vector<16xf32>
    %swap3A_21 = vector.shape_cast %broadcast_in_dim3A_15 : vector<16xf32> to vector<1x16xf32>
    tpu.vector_store %arg19[%swap3A_17, %swap3A_18], %swap3A_21 {strides = array<i32>} : memref<8x128xf32, #tpu.memory_space<vmem>>, vector<1x16xf32>,
    %broadcast_in_dim3A_22 = arith.constant 0.000000e+00 : f32
    %broadcast_in_dim3A_23 = vector.broadcast %broadcast_in_dim3A_22 : f32 to vector<16xf32>
    %swap3A_24 = arith.constant 0 : i32
    %swap3A_25 = arith.index_cast %swap3A_24 : i32 to index
    %swap3A_26 = arith.constant 48 : index
    %swap3A_27 = tpu.vector_load %arg19[%swap3A_25, %swap3A_26] {strides = array<i32>} : memref<8x128xf32, #tpu.memory_space<vmem>>, vector<1x16xf32>,
    %swap3A_28 = vector.shape_cast %swap3A_27 : vector<1x16xf32> to vector<16xf32>
    %swap3A_29 = vector.shape_cast %broadcast_in_dim3A_23 : vector<16xf32> to vector<1x16xf32>
    tpu.vector_store %arg19[%swap3A_25, %swap3A_26], %swap3A_29 {strides = array<i32>} : memref<8x128xf32, #tpu.memory_space<vmem>>, vector<1x16xf32>,
    %broadcast_in_dim3A_30 = arith.constant 0.000000e+00 : f32
    %broadcast_in_dim3A_31 = vector.broadcast %broadcast_in_dim3A_30 : f32 to vector<16xf32>
    %swap3A_32 = arith.constant 0 : i32
    %swap3A_33 = arith.index_cast %swap3A_32 : i32 to index
    %swap3A_34 = arith.constant 64 : index
    %swap3A_35 = tpu.vector_load %arg19[%swap3A_33, %swap3A_34] {strides = array<i32>} : memref<8x128xf32, #tpu.memory_space<vmem>>, vector<1x16xf32>,
    %swap3A_36 = vector.shape_cast %swap3A_35 : vector<1x16xf32> to vector<16xf32>
    %swap3A_37 = vector.shape_cast %broadcast_in_dim3A_31 : vector<16xf32> to vector<1x16xf32>
    tpu.vector_store %arg19[%swap3A_33, %swap3A_34], %swap3A_37 {strides = array<i32>} : memref<8x128xf32, #tpu.memory_space<vmem>>, vector<1x16xf32>,
    %broadcast_in_dim3A_38 = arith.constant 0.000000e+00 : f32
    %broadcast_in_dim3A_39 = vector.broadcast %broadcast_in_dim3A_38 : f32 to vector<16xf32>
    %swap3A_40 = arith.constant 0 : i32
    %swap3A_41 = arith.index_cast %swap3A_40 : i32 to index
    %swap3A_42 = arith.constant 80 : index
    %swap3A_43 = tpu.vector_load %arg19[%swap3A_41, %swap3A_42] {strides = array<i32>} : memref<8x128xf32, #tpu.memory_space<vmem>>, vector<1x16xf32>,
    %swap3A_44 = vector.shape_cast %swap3A_43 : vector<1x16xf32> to vector<16xf32>
    %swap3A_45 = vector.shape_cast %broadcast_in_dim3A_39 : vector<16xf32> to vector<1x16xf32>
    tpu.vector_store %arg19[%swap3A_41, %swap3A_42], %swap3A_45 {strides = array<i32>} : memref<8x128xf32, #tpu.memory_space<vmem>>, vector<1x16xf32>,
    %broadcast_in_dim3A_46 = arith.constant 0.000000e+00 : f32
    %broadcast_in_dim3A_47 = vector.broadcast %broadcast_in_dim3A_46 : f32 to vector<16xf32>
    %swap3A_48 = arith.constant 0 : i32
    %swap3A_49 = arith.index_cast %swap3A_48 : i32 to index
    %swap3A_50 = arith.constant 96 : index
    %swap3A_51 = tpu.vector_load %arg19[%swap3A_49, %swap3A_50] {strides = array<i32>} : memref<8x128xf32, #tpu.memory_space<vmem>>, vector<1x16xf32>,
    %swap3A_52 = vector.shape_cast %swap3A_51 : vector<1x16xf32> to vector<16xf32>
    %swap3A_53 = vector.shape_cast %broadcast_in_dim3A_47 : vector<16xf32> to vector<1x16xf32>
    tpu.vector_store %arg19[%swap3A_49, %swap3A_50], %swap3A_53 {strides = array<i32>} : memref<8x128xf32, #tpu.memory_space<vmem>>, vector<1x16xf32>,
    %broadcast_in_dim3A_54 = arith.constant 0.000000e+00 : f32
    %broadcast_in_dim3A_55 = vector.broadcast %broadcast_in_dim3A_54 : f32 to vector<16xf32>
    %swap3A_56 = arith.constant 0 : i32
    %swap3A_57 = arith.index_cast %swap3A_56 : i32 to index
    %swap3A_58 = arith.constant 112 : index
    %swap3A_59 = tpu.vector_load %arg19[%swap3A_57, %swap3A_58] {strides = array<i32>} : memref<8x128xf32, #tpu.memory_space<vmem>>, vector<1x16xf32>,
    %swap3A_60 = vector.shape_cast %swap3A_59 : vector<1x16xf32> to vector<16xf32>
    %swap3A_61 = vector.shape_cast %broadcast_in_dim3A_55 : vector<16xf32> to vector<1x16xf32>
    tpu.vector_store %arg19[%swap3A_57, %swap3A_58], %swap3A_61 {strides = array<i32>} : memref<8x128xf32, #tpu.memory_space<vmem>>, vector<1x16xf32>,
    %broadcast_in_dim3A_62 = arith.constant 0.000000e+00 : f32
    %broadcast_in_dim3A_63 = vector.broadcast %broadcast_in_dim3A_62 : f32 to vector<16xf32>
    %swap3A_64 = arith.constant 1 : i32
    %swap3A_65 = arith.index_cast %swap3A_64 : i32 to index
    %swap3A_66 = arith.constant 0 : index
    %swap3A_67 = tpu.vector_load %arg19[%swap3A_65, %swap3A_66] {strides = array<i32>} : memref<8x128xf32, #tpu.memory_space<vmem>>, vector<1x16xf32>,
    %swap3A_68 = vector.shape_cast %swap3A_67 : vector<1x16xf32> to vector<16xf32>
    %swap3A_69 = vector.shape_cast %broadcast_in_dim3A_63 : vector<16xf32> to vector<1x16xf32>
    tpu.vector_store %arg19[%swap3A_65, %swap3A_66], %swap3A_69 {strides = array<i32>} : memref<8x128xf32, #tpu.memory_space<vmem>>, vector<1x16xf32>,
    %broadcast_in_dim3A_70 = arith.constant 0.000000e+00 : f32
    %broadcast_in_dim3A_71 = vector.broadcast %broadcast_in_dim3A_70 : f32 to vector<16xf32>
    %swap3A_72 = arith.constant 1 : i32
    %swap3A_73 = arith.index_cast %swap3A_72 : i32 to index
    %swap3A_74 = arith.constant 16 : index
    %swap3A_75 = tpu.vector_load %arg19[%swap3A_73, %swap3A_74] {strides = array<i32>} : memref<8x128xf32, #tpu.memory_space<vmem>>, vector<1x16xf32>,
    %swap3A_76 = vector.shape_cast %swap3A_75 : vector<1x16xf32> to vector<16xf32>
    %swap3A_77 = vector.shape_cast %broadcast_in_dim3A_71 : vector<16xf32> to vector<1x16xf32>
    tpu.vector_store %arg19[%swap3A_73, %swap3A_74], %swap3A_77 {strides = array<i32>} : memref<8x128xf32, #tpu.memory_space<vmem>>, vector<1x16xf32>,
    %broadcast_in_dim3A_78 = arith.constant 0.000000e+00 : f32
    %broadcast_in_dim3A_79 = vector.broadcast %broadcast_in_dim3A_78 : f32 to vector<16xf32>
    %swap3A_80 = arith.constant 1 : i32
    %swap3A_81 = arith.index_cast %swap3A_80 : i32 to index
    %swap3A_82 = arith.constant 32 : index
    %swap3A_83 = tpu.vector_load %arg19[%swap3A_81, %swap3A_82] {strides = array<i32>} : memref<8x128xf32, #tpu.memory_space<vmem>>, vector<1x16xf32>,
    %swap3A_84 = vector.shape_cast %swap3A_83 : vector<1x16xf32> to vector<16xf32>
    %swap3A_85 = vector.shape_cast %broadcast_in_dim3A_79 : vector<16xf32> to vector<1x16xf32>
    tpu.vector_store %arg19[%swap3A_81, %swap3A_82], %swap3A_85 {strides = array<i32>} : memref<8x128xf32, #tpu.memory_space<vmem>>, vector<1x16xf32>,
    %broadcast_in_dim3A_86 = arith.constant 0.000000e+00 : f32
    %broadcast_in_dim3A_87 = vector.broadcast %broadcast_in_dim3A_86 : f32 to vector<16xf32>
    %swap3A_88 = arith.constant 1 : i32
    %swap3A_89 = arith.index_cast %swap3A_88 : i32 to index
    %swap3A_90 = arith.constant 48 : index
    %swap3A_91 = tpu.vector_load %arg19[%swap3A_89, %swap3A_90] {strides = array<i32>} : memref<8x128xf32, #tpu.memory_space<vmem>>, vector<1x16xf32>,
    %swap3A_92 = vector.shape_cast %swap3A_91 : vector<1x16xf32> to vector<16xf32>
    %swap3A_93 = vector.shape_cast %broadcast_in_dim3A_87 : vector<16xf32> to vector<1x16xf32>
    tpu.vector_store %arg19[%swap3A_89, %swap3A_90], %swap3A_93 {strides = array<i32>} : memref<8x128xf32, #tpu.memory_space<vmem>>, vector<1x16xf32>,
    %broadcast_in_dim3A_94 = arith.constant 0.000000e+00 : f32
    %broadcast_in_dim3A_95 = vector.broadcast %broadcast_in_dim3A_94 : f32 to vector<16xf32>
    %swap3A_96 = arith.constant 1 : i32
    %swap3A_97 = arith.index_cast %swap3A_96 : i32 to index
    %swap3A_98 = arith.constant 64 : index
    %swap3A_99 = tpu.vector_load %arg19[%swap3A_97, %swap3A_98] {strides = array<i32>} : memref<8x128xf32, #tpu.memory_space<vmem>>, vector<1x16xf32>,
    %swap3A_100 = vector.shape_cast %swap3A_99 : vector<1x16xf32> to vector<16xf32>
    %swap3A_101 = vector.shape_cast %broadcast_in_dim3A_95 : vector<16xf32> to vector<1x16xf32>
    tpu.vector_store %arg19[%swap3A_97, %swap3A_98], %swap3A_101 {strides = array<i32>} : memref<8x128xf32, #tpu.memory_space<vmem>>, vector<1x16xf32>,
    %broadcast_in_dim3A_102 = arith.constant 0.000000e+00 : f32
    %broadcast_in_dim3A_103 = vector.broadcast %broadcast_in_dim3A_102 : f32 to vector<16xf32>
    %swap3A_104 = arith.constant 1 : i32
    %swap3A_105 = arith.index_cast %swap3A_104 : i32 to index
    %swap3A_106 = arith.constant 80 : index
    %swap3A_107 = tpu.vector_load %arg19[%swap3A_105, %swap3A_106] {strides = array<i32>} : memref<8x128xf32, #tpu.memory_space<vmem>>, vector<1x16xf32>,
    %swap3A_108 = vector.shape_cast %swap3A_107 : vector<1x16xf32> to vector<16xf32>
    %swap3A_109 = vector.shape_cast %broadcast_in_dim3A_103 : vector<16xf32> to vector<1x16xf32>
    tpu.vector_store %arg19[%swap3A_105, %swap3A_106], %swap3A_109 {strides = array<i32>} : memref<8x128xf32, #tpu.memory_space<vmem>>, vector<1x16xf32>,
    %broadcast_in_dim3A_110 = arith.constant 0.000000e+00 : f32
    %broadcast_in_dim3A_111 = vector.broadcast %broadcast_in_dim3A_110 : f32 to vector<16xf32>
    %swap3A_112 = arith.constant 1 : i32
    %swap3A_113 = arith.index_cast %swap3A_112 : i32 to index
    %swap3A_114 = arith.constant 96 : index
    %swap3A_115 = tpu.vector_load %arg19[%swap3A_113, %swap3A_114] {strides = array<i32>} : memref<8x128xf32, #tpu.memory_space<vmem>>, vector<1x16xf32>,
    %swap3A_116 = vector.shape_cast %swap3A_115 : vector<1x16xf32> to vector<16xf32>
    %swap3A_117 = vector.shape_cast %broadcast_in_dim3A_111 : vector<16xf32> to vector<1x16xf32>
    tpu.vector_store %arg19[%swap3A_113, %swap3A_114], %swap3A_117 {strides = array<i32>} : memref<8x128xf32, #tpu.memory_space<vmem>>, vector<1x16xf32>,
    %broadcast_in_dim3A_118 = arith.constant 0.000000e+00 : f32
    %broadcast_in_dim3A_119 = vector.broadcast %broadcast_in_dim3A_118 : f32 to vector<16xf32>
    %swap3A_120 = arith.constant 1 : i32
    %swap3A_121 = arith.index_cast %swap3A_120 : i32 to index
    %swap3A_122 = arith.constant 112 : index
    %swap3A_123 = tpu.vector_load %arg19[%swap3A_121, %swap3A_122] {strides = array<i32>} : memref<8x128xf32, #tpu.memory_space<vmem>>, vector<1x16xf32>,
    %swap3A_124 = vector.shape_cast %swap3A_123 : vector<1x16xf32> to vector<16xf32>
    %swap3A_125 = vector.shape_cast %broadcast_in_dim3A_119 : vector<16xf32> to vector<1x16xf32>
    tpu.vector_store %arg19[%swap3A_121, %swap3A_122], %swap3A_125 {strides = array<i32>} : memref<8x128xf32, #tpu.memory_space<vmem>>, vector<1x16xf32>,
    %broadcast_in_dim3A_126 = arith.constant 0.000000e+00 : f32
    %broadcast_in_dim3A_127 = vector.broadcast %broadcast_in_dim3A_126 : f32 to vector<16xf32>
    %swap3A_128 = arith.constant 2 : i32
    %swap3A_129 = arith.index_cast %swap3A_128 : i32 to index
    %swap3A_130 = arith.constant 0 : index
    %swap3A_131 = tpu.vector_load %arg19[%swap3A_129, %swap3A_130] {strides = array<i32>} : memref<8x128xf32, #tpu.memory_space<vmem>>, vector<1x16xf32>,
    %swap3A_132 = vector.shape_cast %swap3A_131 : vector<1x16xf32> to vector<16xf32>
    %swap3A_133 = vector.shape_cast %broadcast_in_dim3A_127 : vector<16xf32> to vector<1x16xf32>
    tpu.vector_store %arg19[%swap3A_129, %swap3A_130], %swap3A_133 {strides = array<i32>} : memref<8x128xf32, #tpu.memory_space<vmem>>, vector<1x16xf32>,
    %broadcast_in_dim3A_134 = arith.constant 0.000000e+00 : f32
    %broadcast_in_dim3A_135 = vector.broadcast %broadcast_in_dim3A_134 : f32 to vector<16xf32>
    %swap3A_136 = arith.constant 2 : i32
    %swap3A_137 = arith.index_cast %swap3A_136 : i32 to index
    %swap3A_138 = arith.constant 16 : index
    %swap3A_139 = tpu.vector_load %arg19[%swap3A_137, %swap3A_138] {strides = array<i32>} : memref<8x128xf32, #tpu.memory_space<vmem>>, vector<1x16xf32>,
    %swap3A_140 = vector.shape_cast %swap3A_139 : vector<1x16xf32> to vector<16xf32>
    %swap3A_141 = vector.shape_cast %broadcast_in_dim3A_135 : vector<16xf32> to vector<1x16xf32>
    tpu.vector_store %arg19[%swap3A_137, %swap3A_138], %swap3A_141 {strides = array<i32>} : memref<8x128xf32, #tpu.memory_space<vmem>>, vector<1x16xf32>,
    %broadcast_in_dim3A_142 = arith.constant 0.000000e+00 : f32
    %broadcast_in_dim3A_143 = vector.broadcast %broadcast_in_dim3A_142 : f32 to vector<16xf32>
    %swap3A_144 = arith.constant 2 : i32
    %swap3A_145 = arith.index_cast %swap3A_144 : i32 to index
    %swap3A_146 = arith.constant 32 : index
    %swap3A_147 = tpu.vector_load %arg19[%swap3A_145, %swap3A_146] {strides = array<i32>} : memref<8x128xf32, #tpu.memory_space<vmem>>, vector<1x16xf32>,
    %swap3A_148 = vector.shape_cast %swap3A_147 : vector<1x16xf32> to vector<16xf32>
    %swap3A_149 = vector.shape_cast %broadcast_in_dim3A_143 : vector<16xf32> to vector<1x16xf32>
    tpu.vector_store %arg19[%swap3A_145, %swap3A_146], %swap3A_149 {strides = array<i32>} : memref<8x128xf32, #tpu.memory_space<vmem>>, vector<1x16xf32>,
    %broadcast_in_dim3A_150 = arith.constant 0.000000e+00 : f32
    %broadcast_in_dim3A_151 = vector.broadcast %broadcast_in_dim3A_150 : f32 to vector<16xf32>
    %swap3A_152 = arith.constant 2 : i32
    %swap3A_153 = arith.index_cast %swap3A_152 : i32 to index
    %swap3A_154 = arith.constant 48 : index
    %swap3A_155 = tpu.vector_load %arg19[%swap3A_153, %swap3A_154] {strides = array<i32>} : memref<8x128xf32, #tpu.memory_space<vmem>>, vector<1x16xf32>,
    %swap3A_156 = vector.shape_cast %swap3A_155 : vector<1x16xf32> to vector<16xf32>
    %swap3A_157 = vector.shape_cast %broadcast_in_dim3A_151 : vector<16xf32> to vector<1x16xf32>
    tpu.vector_store %arg19[%swap3A_153, %swap3A_154], %swap3A_157 {strides = array<i32>} : memref<8x128xf32, #tpu.memory_space<vmem>>, vector<1x16xf32>,
    %broadcast_in_dim3A_158 = arith.constant 0.000000e+00 : f32
    %broadcast_in_dim3A_159 = vector.broadcast %broadcast_in_dim3A_158 : f32 to vector<16xf32>
    %swap3A_160 = arith.constant 2 : i32
    %swap3A_161 = arith.index_cast %swap3A_160 : i32 to index
    %swap3A_162 = arith.constant 64 : index
    %swap3A_163 = tpu.vector_load %arg19[%swap3A_161, %swap3A_162] {strides = array<i32>} : memref<8x128xf32, #tpu.memory_space<vmem>>, vector<1x16xf32>,
    %swap3A_164 = vector.shape_cast %swap3A_163 : vector<1x16xf32> to vector<16xf32>
    %swap3A_165 = vector.shape_cast %broadcast_in_dim3A_159 : vector<16xf32> to vector<1x16xf32>
    tpu.vector_store %arg19[%swap3A_161, %swap3A_162], %swap3A_165 {strides = array<i32>} : memref<8x128xf32, #tpu.memory_space<vmem>>, vector<1x16xf32>,
    %broadcast_in_dim3A_166 = arith.constant 0.000000e+00 : f32
    %broadcast_in_dim3A_167 = vector.broadcast %broadcast_in_dim3A_166 : f32 to vector<16xf32>
    %swap3A_168 = arith.constant 2 : i32
    %swap3A_169 = arith.index_cast %swap3A_168 : i32 to index
    %swap3A_170 = arith.constant 80 : index
    %swap3A_171 = tpu.vector_load %arg19[%swap3A_169, %swap3A_170] {strides = array<i32>} : memref<8x128xf32, #tpu.memory_space<vmem>>, vector<1x16xf32>,
    %swap3A_172 = vector.shape_cast %swap3A_171 : vector<1x16xf32> to vector<16xf32>
    %swap3A_173 = vector.shape_cast %broadcast_in_dim3A_167 : vector<16xf32> to vector<1x16xf32>
    tpu.vector_store %arg19[%swap3A_169, %swap3A_170], %swap3A_173 {strides = array<i32>} : memref<8x128xf32, #tpu.memory_space<vmem>>, vector<1x16xf32>,
    %broadcast_in_dim3A_174 = arith.constant 0.000000e+00 : f32
    %broadcast_in_dim3A_175 = vector.broadcast %broadcast_in_dim3A_174 : f32 to vector<16xf32>
    %swap3A_176 = arith.constant 2 : i32
    %swap3A_177 = arith.index_cast %swap3A_176 : i32 to index
    %swap3A_178 = arith.constant 96 : index
    %swap3A_179 = tpu.vector_load %arg19[%swap3A_177, %swap3A_178] {strides = array<i32>} : memref<8x128xf32, #tpu.memory_space<vmem>>, vector<1x16xf32>,
    %swap3A_180 = vector.shape_cast %swap3A_179 : vector<1x16xf32> to vector<16xf32>
    %swap3A_181 = vector.shape_cast %broadcast_in_dim3A_175 : vector<16xf32> to vector<1x16xf32>
    tpu.vector_store %arg19[%swap3A_177, %swap3A_178], %swap3A_181 {strides = array<i32>} : memref<8x128xf32, #tpu.memory_space<vmem>>, vector<1x16xf32>,
    %broadcast_in_dim3A_182 = arith.constant 0.000000e+00 : f32
    %broadcast_in_dim3A_183 = vector.broadcast %broadcast_in_dim3A_182 : f32 to vector<16xf32>
    %swap3A_184 = arith.constant 2 : i32
    %swap3A_185 = arith.index_cast %swap3A_184 : i32 to index
    %swap3A_186 = arith.constant 112 : index
    %swap3A_187 = tpu.vector_load %arg19[%swap3A_185, %swap3A_186] {strides = array<i32>} : memref<8x128xf32, #tpu.memory_space<vmem>>, vector<1x16xf32>,
    %swap3A_188 = vector.shape_cast %swap3A_187 : vector<1x16xf32> to vector<16xf32>
    %swap3A_189 = vector.shape_cast %broadcast_in_dim3A_183 : vector<16xf32> to vector<1x16xf32>
    tpu.vector_store %arg19[%swap3A_185, %swap3A_186], %swap3A_189 {strides = array<i32>} : memref<8x128xf32, #tpu.memory_space<vmem>>, vector<1x16xf32>,
    %broadcast_in_dim3A_190 = arith.constant 0.000000e+00 : f32
    %broadcast_in_dim3A_191 = vector.broadcast %broadcast_in_dim3A_190 : f32 to vector<16xf32>
    %swap3A_192 = arith.constant 3 : i32
    %swap3A_193 = arith.index_cast %swap3A_192 : i32 to index
    %swap3A_194 = arith.constant 0 : index
    %swap3A_195 = tpu.vector_load %arg19[%swap3A_193, %swap3A_194] {strides = array<i32>} : memref<8x128xf32, #tpu.memory_space<vmem>>, vector<1x16xf32>,
    %swap3A_196 = vector.shape_cast %swap3A_195 : vector<1x16xf32> to vector<16xf32>
    %swap3A_197 = vector.shape_cast %broadcast_in_dim3A_191 : vector<16xf32> to vector<1x16xf32>
    tpu.vector_store %arg19[%swap3A_193, %swap3A_194], %swap3A_197 {strides = array<i32>} : memref<8x128xf32, #tpu.memory_space<vmem>>, vector<1x16xf32>,
    %broadcast_in_dim3A_198 = arith.constant 0.000000e+00 : f32
    %broadcast_in_dim3A_199 = vector.broadcast %broadcast_in_dim3A_198 : f32 to vector<16xf32>
    %swap3A_200 = arith.constant 3 : i32
    %swap3A_201 = arith.index_cast %swap3A_200 : i32 to index
    %swap3A_202 = arith.constant 16 : index
    %swap3A_203 = tpu.vector_load %arg19[%swap3A_201, %swap3A_202] {strides = array<i32>} : memref<8x128xf32, #tpu.memory_space<vmem>>, vector<1x16xf32>,
    %swap3A_204 = vector.shape_cast %swap3A_203 : vector<1x16xf32> to vector<16xf32>
    %swap3A_205 = vector.shape_cast %broadcast_in_dim3A_199 : vector<16xf32> to vector<1x16xf32>
    tpu.vector_store %arg19[%swap3A_201, %swap3A_202], %swap3A_205 {strides = array<i32>} : memref<8x128xf32, #tpu.memory_space<vmem>>, vector<1x16xf32>,
    %broadcast_in_dim3A_206 = arith.constant 0.000000e+00 : f32
    %broadcast_in_dim3A_207 = vector.broadcast %broadcast_in_dim3A_206 : f32 to vector<16xf32>
    %swap3A_208 = arith.constant 3 : i32
    %swap3A_209 = arith.index_cast %swap3A_208 : i32 to index
    %swap3A_210 = arith.constant 32 : index
    %swap3A_211 = tpu.vector_load %arg19[%swap3A_209, %swap3A_210] {strides = array<i32>} : memref<8x128xf32, #tpu.memory_space<vmem>>, vector<1x16xf32>,
    %swap3A_212 = vector.shape_cast %swap3A_211 : vector<1x16xf32> to vector<16xf32>
    %swap3A_213 = vector.shape_cast %broadcast_in_dim3A_207 : vector<16xf32> to vector<1x16xf32>
    tpu.vector_store %arg19[%swap3A_209, %swap3A_210], %swap3A_213 {strides = array<i32>} : memref<8x128xf32, #tpu.memory_space<vmem>>, vector<1x16xf32>,
    %broadcast_in_dim3A_214 = arith.constant 0.000000e+00 : f32
    %broadcast_in_dim3A_215 = vector.broadcast %broadcast_in_dim3A_214 : f32 to vector<16xf32>
    %swap3A_216 = arith.constant 3 : i32
    %swap3A_217 = arith.index_cast %swap3A_216 : i32 to index
    %swap3A_218 = arith.constant 48 : index
    %swap3A_219 = tpu.vector_load %arg19[%swap3A_217, %swap3A_218] {strides = array<i32>} : memref<8x128xf32, #tpu.memory_space<vmem>>, vector<1x16xf32>,
    %swap3A_220 = vector.shape_cast %swap3A_219 : vector<1x16xf32> to vector<16xf32>
    %swap3A_221 = vector.shape_cast %broadcast_in_dim3A_215 : vector<16xf32> to vector<1x16xf32>
    tpu.vector_store %arg19[%swap3A_217, %swap3A_218], %swap3A_221 {strides = array<i32>} : memref<8x128xf32, #tpu.memory_space<vmem>>, vector<1x16xf32>,
    %broadcast_in_dim3A_222 = arith.constant 0.000000e+00 : f32
    %broadcast_in_dim3A_223 = vector.broadcast %broadcast_in_dim3A_222 : f32 to vector<16xf32>
    %swap3A_224 = arith.constant 3 : i32
    %swap3A_225 = arith.index_cast %swap3A_224 : i32 to index
    %swap3A_226 = arith.constant 64 : index
    %swap3A_227 = tpu.vector_load %arg19[%swap3A_225, %swap3A_226] {strides = array<i32>} : memref<8x128xf32, #tpu.memory_space<vmem>>, vector<1x16xf32>,
    %swap3A_228 = vector.shape_cast %swap3A_227 : vector<1x16xf32> to vector<16xf32>
    %swap3A_229 = vector.shape_cast %broadcast_in_dim3A_223 : vector<16xf32> to vector<1x16xf32>
    tpu.vector_store %arg19[%swap3A_225, %swap3A_226], %swap3A_229 {strides = array<i32>} : memref<8x128xf32, #tpu.memory_space<vmem>>, vector<1x16xf32>,
    %broadcast_in_dim3A_230 = arith.constant 0.000000e+00 : f32
    %broadcast_in_dim3A_231 = vector.broadcast %broadcast_in_dim3A_230 : f32 to vector<16xf32>
    %swap3A_232 = arith.constant 3 : i32
    %swap3A_233 = arith.index_cast %swap3A_232 : i32 to index
    %swap3A_234 = arith.constant 80 : index
    %swap3A_235 = tpu.vector_load %arg19[%swap3A_233, %swap3A_234] {strides = array<i32>} : memref<8x128xf32, #tpu.memory_space<vmem>>, vector<1x16xf32>,
    %swap3A_236 = vector.shape_cast %swap3A_235 : vector<1x16xf32> to vector<16xf32>
    %swap3A_237 = vector.shape_cast %broadcast_in_dim3A_231 : vector<16xf32> to vector<1x16xf32>
    tpu.vector_store %arg19[%swap3A_233, %swap3A_234], %swap3A_237 {strides = array<i32>} : memref<8x128xf32, #tpu.memory_space<vmem>>, vector<1x16xf32>,
    %broadcast_in_dim3A_238 = arith.constant 0.000000e+00 : f32
    %broadcast_in_dim3A_239 = vector.broadcast %broadcast_in_dim3A_238 : f32 to vector<16xf32>
    %swap3A_240 = arith.constant 3 : i32
    %swap3A_241 = arith.index_cast %swap3A_240 : i32 to index
    %swap3A_242 = arith.constant 96 : index
    %swap3A_243 = tpu.vector_load %arg19[%swap3A_241, %swap3A_242] {strides = array<i32>} : memref<8x128xf32, #tpu.memory_space<vmem>>, vector<1x16xf32>,
    %swap3A_244 = vector.shape_cast %swap3A_243 : vector<1x16xf32> to vector<16xf32>
    %swap3A_245 = vector.shape_cast %broadcast_in_dim3A_239 : vector<16xf32> to vector<1x16xf32>
    tpu.vector_store %arg19[%swap3A_241, %swap3A_242], %swap3A_245 {strides = array<i32>} : memref<8x128xf32, #tpu.memory_space<vmem>>, vector<1x16xf32>,
    %broadcast_in_dim3A_246 = arith.constant 0.000000e+00 : f32
    %broadcast_in_dim3A_247 = vector.broadcast %broadcast_in_dim3A_246 : f32 to vector<16xf32>
    %swap3A_248 = arith.constant 3 : i32
    %swap3A_249 = arith.index_cast %swap3A_248 : i32 to index
    %swap3A_250 = arith.constant 112 : index
    %swap3A_251 = tpu.vector_load %arg19[%swap3A_249, %swap3A_250] {strides = array<i32>} : memref<8x128xf32, #tpu.memory_space<vmem>>, vector<1x16xf32>,
    %swap3A_252 = vector.shape_cast %swap3A_251 : vector<1x16xf32> to vector<16xf32>
    %swap3A_253 = vector.shape_cast %broadcast_in_dim3A_247 : vector<16xf32> to vector<1x16xf32>
    tpu.vector_store %arg19[%swap3A_249, %swap3A_250], %swap3A_253 {strides = array<i32>} : memref<8x128xf32, #tpu.memory_space<vmem>>, vector<1x16xf32>,
    %broadcast_in_dim3A_254 = arith.constant 0.000000e+00 : f32
    %broadcast_in_dim3A_255 = vector.broadcast %broadcast_in_dim3A_254 : f32 to vector<16xf32>
    %swap3A_256 = arith.constant 4 : i32
    %swap3A_257 = arith.index_cast %swap3A_256 : i32 to index
    %swap3A_258 = arith.constant 0 : index
    %swap3A_259 = tpu.vector_load %arg19[%swap3A_257, %swap3A_258] {strides = array<i32>} : memref<8x128xf32, #tpu.memory_space<vmem>>, vector<1x16xf32>,
    %swap3A_260 = vector.shape_cast %swap3A_259 : vector<1x16xf32> to vector<16xf32>
    %swap3A_261 = vector.shape_cast %broadcast_in_dim3A_255 : vector<16xf32> to vector<1x16xf32>
    tpu.vector_store %arg19[%swap3A_257, %swap3A_258], %swap3A_261 {strides = array<i32>} : memref<8x128xf32, #tpu.memory_space<vmem>>, vector<1x16xf32>,
    %broadcast_in_dim3A_262 = arith.constant 0.000000e+00 : f32
    %broadcast_in_dim3A_263 = vector.broadcast %broadcast_in_dim3A_262 : f32 to vector<16xf32>
    %swap3A_264 = arith.constant 4 : i32
    %swap3A_265 = arith.index_cast %swap3A_264 : i32 to index
    %swap3A_266 = arith.constant 16 : index
    %swap3A_267 = tpu.vector_load %arg19[%swap3A_265, %swap3A_266] {strides = array<i32>} : memref<8x128xf32, #tpu.memory_space<vmem>>, vector<1x16xf32>,
    %swap3A_268 = vector.shape_cast %swap3A_267 : vector<1x16xf32> to vector<16xf32>
    %swap3A_269 = vector.shape_cast %broadcast_in_dim3A_263 : vector<16xf32> to vector<1x16xf32>
    tpu.vector_store %arg19[%swap3A_265, %swap3A_266], %swap3A_269 {strides = array<i32>} : memref<8x128xf32, #tpu.memory_space<vmem>>, vector<1x16xf32>,
    %broadcast_in_dim3A_270 = arith.constant 0.000000e+00 : f32
    %broadcast_in_dim3A_271 = vector.broadcast %broadcast_in_dim3A_270 : f32 to vector<16xf32>
    %swap3A_272 = arith.constant 4 : i32
    %swap3A_273 = arith.index_cast %swap3A_272 : i32 to index
    %swap3A_274 = arith.constant 32 : index
    %swap3A_275 = tpu.vector_load %arg19[%swap3A_273, %swap3A_274] {strides = array<i32>} : memref<8x128xf32, #tpu.memory_space<vmem>>, vector<1x16xf32>,
    %swap3A_276 = vector.shape_cast %swap3A_275 : vector<1x16xf32> to vector<16xf32>
    %swap3A_277 = vector.shape_cast %broadcast_in_dim3A_271 : vector<16xf32> to vector<1x16xf32>
    tpu.vector_store %arg19[%swap3A_273, %swap3A_274], %swap3A_277 {strides = array<i32>} : memref<8x128xf32, #tpu.memory_space<vmem>>, vector<1x16xf32>,
    %broadcast_in_dim3A_278 = arith.constant 0.000000e+00 : f32
    %broadcast_in_dim3A_279 = vector.broadcast %broadcast_in_dim3A_278 : f32 to vector<16xf32>
    %swap3A_280 = arith.constant 4 : i32
    %swap3A_281 = arith.index_cast %swap3A_280 : i32 to index
    %swap3A_282 = arith.constant 48 : index
    %swap3A_283 = tpu.vector_load %arg19[%swap3A_281, %swap3A_282] {strides = array<i32>} : memref<8x128xf32, #tpu.memory_space<vmem>>, vector<1x16xf32>,
    %swap3A_284 = vector.shape_cast %swap3A_283 : vector<1x16xf32> to vector<16xf32>
    %swap3A_285 = vector.shape_cast %broadcast_in_dim3A_279 : vector<16xf32> to vector<1x16xf32>
    tpu.vector_store %arg19[%swap3A_281, %swap3A_282], %swap3A_285 {strides = array<i32>} : memref<8x128xf32, #tpu.memory_space<vmem>>, vector<1x16xf32>,
    %broadcast_in_dim3A_286 = arith.constant 0.000000e+00 : f32
    %broadcast_in_dim3A_287 = vector.broadcast %broadcast_in_dim3A_286 : f32 to vector<16xf32>
    %swap3A_288 = arith.constant 4 : i32
    %swap3A_289 = arith.index_cast %swap3A_288 : i32 to index
    %swap3A_290 = arith.constant 64 : index
    %swap3A_291 = tpu.vector_load %arg19[%swap3A_289, %swap3A_290] {strides = array<i32>} : memref<8x128xf32, #tpu.memory_space<vmem>>, vector<1x16xf32>,
    %swap3A_292 = vector.shape_cast %swap3A_291 : vector<1x16xf32> to vector<16xf32>
    %swap3A_293 = vector.shape_cast %broadcast_in_dim3A_287 : vector<16xf32> to vector<1x16xf32>
    tpu.vector_store %arg19[%swap3A_289, %swap3A_290], %swap3A_293 {strides = array<i32>} : memref<8x128xf32, #tpu.memory_space<vmem>>, vector<1x16xf32>,
    %broadcast_in_dim3A_294 = arith.constant 0.000000e+00 : f32
    %broadcast_in_dim3A_295 = vector.broadcast %broadcast_in_dim3A_294 : f32 to vector<16xf32>
    %swap3A_296 = arith.constant 4 : i32
    %swap3A_297 = arith.index_cast %swap3A_296 : i32 to index
    %swap3A_298 = arith.constant 80 : index
    %swap3A_299 = tpu.vector_load %arg19[%swap3A_297, %swap3A_298] {strides = array<i32>} : memref<8x128xf32, #tpu.memory_space<vmem>>, vector<1x16xf32>,
    %swap3A_300 = vector.shape_cast %swap3A_299 : vector<1x16xf32> to vector<16xf32>
    %swap3A_301 = vector.shape_cast %broadcast_in_dim3A_295 : vector<16xf32> to vector<1x16xf32>
    tpu.vector_store %arg19[%swap3A_297, %swap3A_298], %swap3A_301 {strides = array<i32>} : memref<8x128xf32, #tpu.memory_space<vmem>>, vector<1x16xf32>,
    %broadcast_in_dim3A_302 = arith.constant 0.000000e+00 : f32
    %broadcast_in_dim3A_303 = vector.broadcast %broadcast_in_dim3A_302 : f32 to vector<16xf32>
    %swap3A_304 = arith.constant 4 : i32
    %swap3A_305 = arith.index_cast %swap3A_304 : i32 to index
    %swap3A_306 = arith.constant 96 : index
    %swap3A_307 = tpu.vector_load %arg19[%swap3A_305, %swap3A_306] {strides = array<i32>} : memref<8x128xf32, #tpu.memory_space<vmem>>, vector<1x16xf32>,
    %swap3A_308 = vector.shape_cast %swap3A_307 : vector<1x16xf32> to vector<16xf32>
    %swap3A_309 = vector.shape_cast %broadcast_in_dim3A_303 : vector<16xf32> to vector<1x16xf32>
    tpu.vector_store %arg19[%swap3A_305, %swap3A_306], %swap3A_309 {strides = array<i32>} : memref<8x128xf32, #tpu.memory_space<vmem>>, vector<1x16xf32>,
    %broadcast_in_dim3A_310 = arith.constant 0.000000e+00 : f32
    %broadcast_in_dim3A_311 = vector.broadcast %broadcast_in_dim3A_310 : f32 to vector<16xf32>
    %swap3A_312 = arith.constant 4 : i32
    %swap3A_313 = arith.index_cast %swap3A_312 : i32 to index
    %swap3A_314 = arith.constant 112 : index
    %swap3A_315 = tpu.vector_load %arg19[%swap3A_313, %swap3A_314] {strides = array<i32>} : memref<8x128xf32, #tpu.memory_space<vmem>>, vector<1x16xf32>,
    %swap3A_316 = vector.shape_cast %swap3A_315 : vector<1x16xf32> to vector<16xf32>
    %swap3A_317 = vector.shape_cast %broadcast_in_dim3A_311 : vector<16xf32> to vector<1x16xf32>
    tpu.vector_store %arg19[%swap3A_313, %swap3A_314], %swap3A_317 {strides = array<i32>} : memref<8x128xf32, #tpu.memory_space<vmem>>, vector<1x16xf32>,
    %broadcast_in_dim3A_318 = arith.constant 0.000000e+00 : f32
    %broadcast_in_dim3A_319 = vector.broadcast %broadcast_in_dim3A_318 : f32 to vector<16xf32>
    %swap3A_320 = arith.constant 5 : i32
    %swap3A_321 = arith.index_cast %swap3A_320 : i32 to index
    %swap3A_322 = arith.constant 0 : index
    %swap3A_323 = tpu.vector_load %arg19[%swap3A_321, %swap3A_322] {strides = array<i32>} : memref<8x128xf32, #tpu.memory_space<vmem>>, vector<1x16xf32>,
    %swap3A_324 = vector.shape_cast %swap3A_323 : vector<1x16xf32> to vector<16xf32>
    %swap3A_325 = vector.shape_cast %broadcast_in_dim3A_319 : vector<16xf32> to vector<1x16xf32>
    tpu.vector_store %arg19[%swap3A_321, %swap3A_322], %swap3A_325 {strides = array<i32>} : memref<8x128xf32, #tpu.memory_space<vmem>>, vector<1x16xf32>,
    %broadcast_in_dim3A_326 = arith.constant 0.000000e+00 : f32
    %broadcast_in_dim3A_327 = vector.broadcast %broadcast_in_dim3A_326 : f32 to vector<16xf32>
    %swap3A_328 = arith.constant 5 : i32
    %swap3A_329 = arith.index_cast %swap3A_328 : i32 to index
    %swap3A_330 = arith.constant 16 : index
    %swap3A_331 = tpu.vector_load %arg19[%swap3A_329, %swap3A_330] {strides = array<i32>} : memref<8x128xf32, #tpu.memory_space<vmem>>, vector<1x16xf32>,
    %swap3A_332 = vector.shape_cast %swap3A_331 : vector<1x16xf32> to vector<16xf32>
    %swap3A_333 = vector.shape_cast %broadcast_in_dim3A_327 : vector<16xf32> to vector<1x16xf32>
    tpu.vector_store %arg19[%swap3A_329, %swap3A_330], %swap3A_333 {strides = array<i32>} : memref<8x128xf32, #tpu.memory_space<vmem>>, vector<1x16xf32>,
    %broadcast_in_dim3A_334 = arith.constant 0.000000e+00 : f32
    %broadcast_in_dim3A_335 = vector.broadcast %broadcast_in_dim3A_334 : f32 to vector<16xf32>
    %swap3A_336 = arith.constant 5 : i32
    %swap3A_337 = arith.index_cast %swap3A_336 : i32 to index
    %swap3A_338 = arith.constant 32 : index
    %swap3A_339 = tpu.vector_load %arg19[%swap3A_337, %swap3A_338] {strides = array<i32>} : memref<8x128xf32, #tpu.memory_space<vmem>>, vector<1x16xf32>,
    %swap3A_340 = vector.shape_cast %swap3A_339 : vector<1x16xf32> to vector<16xf32>
    %swap3A_341 = vector.shape_cast %broadcast_in_dim3A_335 : vector<16xf32> to vector<1x16xf32>
    tpu.vector_store %arg19[%swap3A_337, %swap3A_338], %swap3A_341 {strides = array<i32>} : memref<8x128xf32, #tpu.memory_space<vmem>>, vector<1x16xf32>,
    %broadcast_in_dim3A_342 = arith.constant 0.000000e+00 : f32
    %broadcast_in_dim3A_343 = vector.broadcast %broadcast_in_dim3A_342 : f32 to vector<16xf32>
    %swap3A_344 = arith.constant 5 : i32
    %swap3A_345 = arith.index_cast %swap3A_344 : i32 to index
    %swap3A_346 = arith.constant 48 : index
    %swap3A_347 = tpu.vector_load %arg19[%swap3A_345, %swap3A_346] {strides = array<i32>} : memref<8x128xf32, #tpu.memory_space<vmem>>, vector<1x16xf32>,
    %swap3A_348 = vector.shape_cast %swap3A_347 : vector<1x16xf32> to vector<16xf32>
    %swap3A_349 = vector.shape_cast %broadcast_in_dim3A_343 : vector<16xf32> to vector<1x16xf32>
    tpu.vector_store %arg19[%swap3A_345, %swap3A_346], %swap3A_349 {strides = array<i32>} : memref<8x128xf32, #tpu.memory_space<vmem>>, vector<1x16xf32>,
    %broadcast_in_dim3A_350 = arith.constant 0.000000e+00 : f32
    %broadcast_in_dim3A_351 = vector.broadcast %broadcast_in_dim3A_350 : f32 to vector<16xf32>
    %swap3A_352 = arith.constant 5 : i32
    %swap3A_353 = arith.index_cast %swap3A_352 : i32 to index
    %swap3A_354 = arith.constant 64 : index
    %swap3A_355 = tpu.vector_load %arg19[%swap3A_353, %swap3A_354] {strides = array<i32>} : memref<8x128xf32, #tpu.memory_space<vmem>>, vector<1x16xf32>,
    %swap3A_356 = vector.shape_cast %swap3A_355 : vector<1x16xf32> to vector<16xf32>
    %swap3A_357 = vector.shape_cast %broadcast_in_dim3A_351 : vector<16xf32> to vector<1x16xf32>
    tpu.vector_store %arg19[%swap3A_353, %swap3A_354], %swap3A_357 {strides = array<i32>} : memref<8x128xf32, #tpu.memory_space<vmem>>, vector<1x16xf32>,
    %broadcast_in_dim3A_358 = arith.constant 0.000000e+00 : f32
    %broadcast_in_dim3A_359 = vector.broadcast %broadcast_in_dim3A_358 : f32 to vector<16xf32>
    %swap3A_360 = arith.constant 5 : i32
    %swap3A_361 = arith.index_cast %swap3A_360 : i32 to index
    %swap3A_362 = arith.constant 80 : index
    %swap3A_363 = tpu.vector_load %arg19[%swap3A_361, %swap3A_362] {strides = array<i32>} : memref<8x128xf32, #tpu.memory_space<vmem>>, vector<1x16xf32>,
    %swap3A_364 = vector.shape_cast %swap3A_363 : vector<1x16xf32> to vector<16xf32>
    %swap3A_365 = vector.shape_cast %broadcast_in_dim3A_359 : vector<16xf32> to vector<1x16xf32>
    tpu.vector_store %arg19[%swap3A_361, %swap3A_362], %swap3A_365 {strides = array<i32>} : memref<8x128xf32, #tpu.memory_space<vmem>>, vector<1x16xf32>,
    %broadcast_in_dim3A_366 = arith.constant 0.000000e+00 : f32
    %broadcast_in_dim3A_367 = vector.broadcast %broadcast_in_dim3A_366 : f32 to vector<16xf32>
    %swap3A_368 = arith.constant 5 : i32
    %swap3A_369 = arith.index_cast %swap3A_368 : i32 to index
    %swap3A_370 = arith.constant 96 : index
    %swap3A_371 = tpu.vector_load %arg19[%swap3A_369, %swap3A_370] {strides = array<i32>} : memref<8x128xf32, #tpu.memory_space<vmem>>, vector<1x16xf32>,
    %swap3A_372 = vector.shape_cast %swap3A_371 : vector<1x16xf32> to vector<16xf32>
    %swap3A_373 = vector.shape_cast %broadcast_in_dim3A_367 : vector<16xf32> to vector<1x16xf32>
    tpu.vector_store %arg19[%swap3A_369, %swap3A_370], %swap3A_373 {strides = array<i32>} : memref<8x128xf32, #tpu.memory_space<vmem>>, vector<1x16xf32>,
    %broadcast_in_dim3A_374 = arith.constant 0.000000e+00 : f32
    %broadcast_in_dim3A_375 = vector.broadcast %broadcast_in_dim3A_374 : f32 to vector<16xf32>
    %swap3A_376 = arith.constant 5 : i32
    %swap3A_377 = arith.index_cast %swap3A_376 : i32 to index
    %swap3A_378 = arith.constant 112 : index
    %swap3A_379 = tpu.vector_load %arg19[%swap3A_377, %swap3A_378] {strides = array<i32>} : memref<8x128xf32, #tpu.memory_space<vmem>>, vector<1x16xf32>,
    %swap3A_380 = vector.shape_cast %swap3A_379 : vector<1x16xf32> to vector<16xf32>
    %swap3A_381 = vector.shape_cast %broadcast_in_dim3A_375 : vector<16xf32> to vector<1x16xf32>
    tpu.vector_store %arg19[%swap3A_377, %swap3A_378], %swap3A_381 {strides = array<i32>} : memref<8x128xf32, #tpu.memory_space<vmem>>, vector<1x16xf32>,
    %broadcast_in_dim3A_382 = arith.constant 0.000000e+00 : f32
    %broadcast_in_dim3A_383 = vector.broadcast %broadcast_in_dim3A_382 : f32 to vector<16xf32>
    %swap3A_384 = arith.constant 6 : i32
    %swap3A_385 = arith.index_cast %swap3A_384 : i32 to index
    %swap3A_386 = arith.constant 0 : index
    %swap3A_387 = tpu.vector_load %arg19[%swap3A_385, %swap3A_386] {strides = array<i32>} : memref<8x128xf32, #tpu.memory_space<vmem>>, vector<1x16xf32>,
    %swap3A_388 = vector.shape_cast %swap3A_387 : vector<1x16xf32> to vector<16xf32>
    %swap3A_389 = vector.shape_cast %broadcast_in_dim3A_383 : vector<16xf32> to vector<1x16xf32>
    tpu.vector_store %arg19[%swap3A_385, %swap3A_386], %swap3A_389 {strides = array<i32>} : memref<8x128xf32, #tpu.memory_space<vmem>>, vector<1x16xf32>,
    %broadcast_in_dim3A_390 = arith.constant 0.000000e+00 : f32
    %broadcast_in_dim3A_391 = vector.broadcast %broadcast_in_dim3A_390 : f32 to vector<16xf32>
    %swap3A_392 = arith.constant 6 : i32
    %swap3A_393 = arith.index_cast %swap3A_392 : i32 to index
    %swap3A_394 = arith.constant 16 : index
    %swap3A_395 = tpu.vector_load %arg19[%swap3A_393, %swap3A_394] {strides = array<i32>} : memref<8x128xf32, #tpu.memory_space<vmem>>, vector<1x16xf32>,
    %swap3A_396 = vector.shape_cast %swap3A_395 : vector<1x16xf32> to vector<16xf32>
    %swap3A_397 = vector.shape_cast %broadcast_in_dim3A_391 : vector<16xf32> to vector<1x16xf32>
    tpu.vector_store %arg19[%swap3A_393, %swap3A_394], %swap3A_397 {strides = array<i32>} : memref<8x128xf32, #tpu.memory_space<vmem>>, vector<1x16xf32>,
    %broadcast_in_dim3A_398 = arith.constant 0.000000e+00 : f32
    %broadcast_in_dim3A_399 = vector.broadcast %broadcast_in_dim3A_398 : f32 to vector<16xf32>
    %swap3A_400 = arith.constant 6 : i32
    %swap3A_401 = arith.index_cast %swap3A_400 : i32 to index
    %swap3A_402 = arith.constant 32 : index
    %swap3A_403 = tpu.vector_load %arg19[%swap3A_401, %swap3A_402] {strides = array<i32>} : memref<8x128xf32, #tpu.memory_space<vmem>>, vector<1x16xf32>,
    %swap3A_404 = vector.shape_cast %swap3A_403 : vector<1x16xf32> to vector<16xf32>
    %swap3A_405 = vector.shape_cast %broadcast_in_dim3A_399 : vector<16xf32> to vector<1x16xf32>
    tpu.vector_store %arg19[%swap3A_401, %swap3A_402], %swap3A_405 {strides = array<i32>} : memref<8x128xf32, #tpu.memory_space<vmem>>, vector<1x16xf32>,
    %broadcast_in_dim3A_406 = arith.constant 0.000000e+00 : f32
    %broadcast_in_dim3A_407 = vector.broadcast %broadcast_in_dim3A_406 : f32 to vector<16xf32>
    %swap3A_408 = arith.constant 6 : i32
    %swap3A_409 = arith.index_cast %swap3A_408 : i32 to index
    %swap3A_410 = arith.constant 48 : index
    %swap3A_411 = tpu.vector_load %arg19[%swap3A_409, %swap3A_410] {strides = array<i32>} : memref<8x128xf32, #tpu.memory_space<vmem>>, vector<1x16xf32>,
    %swap3A_412 = vector.shape_cast %swap3A_411 : vector<1x16xf32> to vector<16xf32>
    %swap3A_413 = vector.shape_cast %broadcast_in_dim3A_407 : vector<16xf32> to vector<1x16xf32>
    tpu.vector_store %arg19[%swap3A_409, %swap3A_410], %swap3A_413 {strides = array<i32>} : memref<8x128xf32, #tpu.memory_space<vmem>>, vector<1x16xf32>,
    %broadcast_in_dim3A_414 = arith.constant 0.000000e+00 : f32
    %broadcast_in_dim3A_415 = vector.broadcast %broadcast_in_dim3A_414 : f32 to vector<16xf32>
    %swap3A_416 = arith.constant 6 : i32
    %swap3A_417 = arith.index_cast %swap3A_416 : i32 to index
    %swap3A_418 = arith.constant 64 : index
    %swap3A_419 = tpu.vector_load %arg19[%swap3A_417, %swap3A_418] {strides = array<i32>} : memref<8x128xf32, #tpu.memory_space<vmem>>, vector<1x16xf32>,
    %swap3A_420 = vector.shape_cast %swap3A_419 : vector<1x16xf32> to vector<16xf32>
    %swap3A_421 = vector.shape_cast %broadcast_in_dim3A_415 : vector<16xf32> to vector<1x16xf32>
    tpu.vector_store %arg19[%swap3A_417, %swap3A_418], %swap3A_421 {strides = array<i32>} : memref<8x128xf32, #tpu.memory_space<vmem>>, vector<1x16xf32>,
    %broadcast_in_dim3A_422 = arith.constant 0.000000e+00 : f32
    %broadcast_in_dim3A_423 = vector.broadcast %broadcast_in_dim3A_422 : f32 to vector<16xf32>
    %swap3A_424 = arith.constant 6 : i32
    %swap3A_425 = arith.index_cast %swap3A_424 : i32 to index
    %swap3A_426 = arith.constant 80 : index
    %swap3A_427 = tpu.vector_load %arg19[%swap3A_425, %swap3A_426] {strides = array<i32>} : memref<8x128xf32, #tpu.memory_space<vmem>>, vector<1x16xf32>,
    %swap3A_428 = vector.shape_cast %swap3A_427 : vector<1x16xf32> to vector<16xf32>
    %swap3A_429 = vector.shape_cast %broadcast_in_dim3A_423 : vector<16xf32> to vector<1x16xf32>
    tpu.vector_store %arg19[%swap3A_425, %swap3A_426], %swap3A_429 {strides = array<i32>} : memref<8x128xf32, #tpu.memory_space<vmem>>, vector<1x16xf32>,
    %broadcast_in_dim3A_430 = arith.constant 0.000000e+00 : f32
    %broadcast_in_dim3A_431 = vector.broadcast %broadcast_in_dim3A_430 : f32 to vector<16xf32>
    %swap3A_432 = arith.constant 6 : i32
    %swap3A_433 = arith.index_cast %swap3A_432 : i32 to index
    %swap3A_434 = arith.constant 96 : index
    %swap3A_435 = tpu.vector_load %arg19[%swap3A_433, %swap3A_434] {strides = array<i32>} : memref<8x128xf32, #tpu.memory_space<vmem>>, vector<1x16xf32>,
    %swap3A_436 = vector.shape_cast %swap3A_435 : vector<1x16xf32> to vector<16xf32>
    %swap3A_437 = vector.shape_cast %broadcast_in_dim3A_431 : vector<16xf32> to vector<1x16xf32>
    tpu.vector_store %arg19[%swap3A_433, %swap3A_434], %swap3A_437 {strides = array<i32>} : memref<8x128xf32, #tpu.memory_space<vmem>>, vector<1x16xf32>,
    %broadcast_in_dim3A_438 = arith.constant 0.000000e+00 : f32
    %broadcast_in_dim3A_439 = vector.broadcast %broadcast_in_dim3A_438 : f32 to vector<16xf32>
    %swap3A_440 = arith.constant 6 : i32
    %swap3A_441 = arith.index_cast %swap3A_440 : i32 to index
    %swap3A_442 = arith.constant 112 : index
    %swap3A_443 = tpu.vector_load %arg19[%swap3A_441, %swap3A_442] {strides = array<i32>} : memref<8x128xf32, #tpu.memory_space<vmem>>, vector<1x16xf32>,
    %swap3A_444 = vector.shape_cast %swap3A_443 : vector<1x16xf32> to vector<16xf32>
    %swap3A_445 = vector.shape_cast %broadcast_in_dim3A_439 : vector<16xf32> to vector<1x16xf32>
    tpu.vector_store %arg19[%swap3A_441, %swap3A_442], %swap3A_445 {strides = array<i32>} : memref<8x128xf32, #tpu.memory_space<vmem>>, vector<1x16xf32>,
    %broadcast_in_dim3A_446 = arith.constant 0.000000e+00 : f32
    %broadcast_in_dim3A_447 = vector.broadcast %broadcast_in_dim3A_446 : f32 to vector<16xf32>
    %swap3A_448 = arith.constant 7 : i32
    %swap3A_449 = arith.index_cast %swap3A_448 : i32 to index
    %swap3A_450 = arith.constant 0 : index
    %swap3A_451 = tpu.vector_load %arg19[%swap3A_449, %swap3A_450] {strides = array<i32>} : memref<8x128xf32, #tpu.memory_space<vmem>>, vector<1x16xf32>,
    %swap3A_452 = vector.shape_cast %swap3A_451 : vector<1x16xf32> to vector<16xf32>
    %swap3A_453 = vector.shape_cast %broadcast_in_dim3A_447 : vector<16xf32> to vector<1x16xf32>
    tpu.vector_store %arg19[%swap3A_449, %swap3A_450], %swap3A_453 {strides = array<i32>} : memref<8x128xf32, #tpu.memory_space<vmem>>, vector<1x16xf32>,
    %broadcast_in_dim3A_454 = arith.constant 0.000000e+00 : f32
    %broadcast_in_dim3A_455 = vector.broadcast %broadcast_in_dim3A_454 : f32 to vector<16xf32>
    %swap3A_456 = arith.constant 7 : i32
    %swap3A_457 = arith.index_cast %swap3A_456 : i32 to index
    %swap3A_458 = arith.constant 16 : index
    %swap3A_459 = tpu.vector_load %arg19[%swap3A_457, %swap3A_458] {strides = array<i32>} : memref<8x128xf32, #tpu.memory_space<vmem>>, vector<1x16xf32>,
    %swap3A_460 = vector.shape_cast %swap3A_459 : vector<1x16xf32> to vector<16xf32>
    %swap3A_461 = vector.shape_cast %broadcast_in_dim3A_455 : vector<16xf32> to vector<1x16xf32>
    tpu.vector_store %arg19[%swap3A_457, %swap3A_458], %swap3A_461 {strides = array<i32>} : memref<8x128xf32, #tpu.memory_space<vmem>>, vector<1x16xf32>,
    %broadcast_in_dim3A_462 = arith.constant 0.000000e+00 : f32
    %broadcast_in_dim3A_463 = vector.broadcast %broadcast_in_dim3A_462 : f32 to vector<16xf32>
    %swap3A_464 = arith.constant 7 : i32
    %swap3A_465 = arith.index_cast %swap3A_464 : i32 to index
    %swap3A_466 = arith.constant 32 : index
    %swap3A_467 = tpu.vector_load %arg19[%swap3A_465, %swap3A_466] {strides = array<i32>} : memref<8x128xf32, #tpu.memory_space<vmem>>, vector<1x16xf32>,
    %swap3A_468 = vector.shape_cast %swap3A_467 : vector<1x16xf32> to vector<16xf32>
    %swap3A_469 = vector.shape_cast %broadcast_in_dim3A_463 : vector<16xf32> to vector<1x16xf32>
    tpu.vector_store %arg19[%swap3A_465, %swap3A_466], %swap3A_469 {strides = array<i32>} : memref<8x128xf32, #tpu.memory_space<vmem>>, vector<1x16xf32>,
    %broadcast_in_dim3A_470 = arith.constant 0.000000e+00 : f32
    %broadcast_in_dim3A_471 = vector.broadcast %broadcast_in_dim3A_470 : f32 to vector<16xf32>
    %swap3A_472 = arith.constant 7 : i32
    %swap3A_473 = arith.index_cast %swap3A_472 : i32 to index
    %swap3A_474 = arith.constant 48 : index
    %swap3A_475 = tpu.vector_load %arg19[%swap3A_473, %swap3A_474] {strides = array<i32>} : memref<8x128xf32, #tpu.memory_space<vmem>>, vector<1x16xf32>,
    %swap3A_476 = vector.shape_cast %swap3A_475 : vector<1x16xf32> to vector<16xf32>
    %swap3A_477 = vector.shape_cast %broadcast_in_dim3A_471 : vector<16xf32> to vector<1x16xf32>
    tpu.vector_store %arg19[%swap3A_473, %swap3A_474], %swap3A_477 {strides = array<i32>} : memref<8x128xf32, #tpu.memory_space<vmem>>, vector<1x16xf32>,
    %broadcast_in_dim3A_478 = arith.constant 0.000000e+00 : f32
    %broadcast_in_dim3A_479 = vector.broadcast %broadcast_in_dim3A_478 : f32 to vector<16xf32>
    %swap3A_480 = arith.constant 7 : i32
    %swap3A_481 = arith.index_cast %swap3A_480 : i32 to index
    %swap3A_482 = arith.constant 64 : index
    %swap3A_483 = tpu.vector_load %arg19[%swap3A_481, %swap3A_482] {strides = array<i32>} : memref<8x128xf32, #tpu.memory_space<vmem>>, vector<1x16xf32>,
    %swap3A_484 = vector.shape_cast %swap3A_483 : vector<1x16xf32> to vector<16xf32>
    %swap3A_485 = vector.shape_cast %broadcast_in_dim3A_479 : vector<16xf32> to vector<1x16xf32>
    tpu.vector_store %arg19[%swap3A_481, %swap3A_482], %swap3A_485 {strides = array<i32>} : memref<8x128xf32, #tpu.memory_space<vmem>>, vector<1x16xf32>,
    %broadcast_in_dim3A_486 = arith.constant 0.000000e+00 : f32
    %broadcast_in_dim3A_487 = vector.broadcast %broadcast_in_dim3A_486 : f32 to vector<16xf32>
    %swap3A_488 = arith.constant 7 : i32
    %swap3A_489 = arith.index_cast %swap3A_488 : i32 to index
    %swap3A_490 = arith.constant 80 : index
    %swap3A_491 = tpu.vector_load %arg19[%swap3A_489, %swap3A_490] {strides = array<i32>} : memref<8x128xf32, #tpu.memory_space<vmem>>, vector<1x16xf32>,
    %swap3A_492 = vector.shape_cast %swap3A_491 : vector<1x16xf32> to vector<16xf32>
    %swap3A_493 = vector.shape_cast %broadcast_in_dim3A_487 : vector<16xf32> to vector<1x16xf32>
    tpu.vector_store %arg19[%swap3A_489, %swap3A_490], %swap3A_493 {strides = array<i32>} : memref<8x128xf32, #tpu.memory_space<vmem>>, vector<1x16xf32>,
    %broadcast_in_dim3A_494 = arith.constant 0.000000e+00 : f32
    %broadcast_in_dim3A_495 = vector.broadcast %broadcast_in_dim3A_494 : f32 to vector<16xf32>
    %swap3A_496 = arith.constant 7 : i32
    %swap3A_497 = arith.index_cast %swap3A_496 : i32 to index
    %swap3A_498 = arith.constant 96 : index
    %swap3A_499 = tpu.vector_load %arg19[%swap3A_497, %swap3A_498] {strides = array<i32>} : memref<8x128xf32, #tpu.memory_space<vmem>>, vector<1x16xf32>,
    %swap3A_500 = vector.shape_cast %swap3A_499 : vector<1x16xf32> to vector<16xf32>
    %swap3A_501 = vector.shape_cast %broadcast_in_dim3A_495 : vector<16xf32> to vector<1x16xf32>
    tpu.vector_store %arg19[%swap3A_497, %swap3A_498], %swap3A_501 {strides = array<i32>} : memref<8x128xf32, #tpu.memory_space<vmem>>, vector<1x16xf32>,
    %broadcast_in_dim3A_502 = arith.constant 0.000000e+00 : f32
    %broadcast_in_dim3A_503 = vector.broadcast %broadcast_in_dim3A_502 : f32 to vector<16xf32>
    %swap3A_504 = arith.constant 7 : i32
    %swap3A_505 = arith.index_cast %swap3A_504 : i32 to index
    %swap3A_506 = arith.constant 112 : index
    %swap3A_507 = tpu.vector_load %arg19[%swap3A_505, %swap3A_506] {strides = array<i32>} : memref<8x128xf32, #tpu.memory_space<vmem>>, vector<1x16xf32>,
    %swap3A_508 = vector.shape_cast %swap3A_507 : vector<1x16xf32> to vector<16xf32>
    %swap3A_509 = vector.shape_cast %broadcast_in_dim3A_503 : vector<16xf32> to vector<1x16xf32>
    tpu.vector_store %arg19[%swap3A_505, %swap3A_506], %swap3A_509 {strides = array<i32>} : memref<8x128xf32, #tpu.memory_space<vmem>>, vector<1x16xf32>,
    %scan3A = arith.constant 0 : i32
    %scan3A_510 = arith.constant 0 : i32
    %scan3A_511 = arith.constant 48 : i32
    %scan3A_512 = arith.addi %scan3A_510, %scan3A_511 : i32
    %scan3A_513 = arith.constant 1 : i32
    scf.for %scan3A_540 = %scan3A_510 to %scan3A_512 step %scan3A_513  : i32 {
      %broadcast_in_dim3A_541 = arith.constant 0.000000e+00 : f32
      %broadcast_in_dim3A_542 = vector.broadcast %broadcast_in_dim3A_541 : f32 to vector<16xf32>
      %swap3A_543 = arith.index_cast %scan3A_540 : i32 to index
      %swap3A_544 = arith.constant 112 : index
      %swap3A_545 = tpu.vector_load %arg18[%swap3A_543, %swap3A_544] {strides = array<i32>} : memref<48x128xf32, #tpu.memory_space<vmem>>, vector<1x16xf32>,
      %swap3A_546 = vector.shape_cast %swap3A_545 : vector<1x16xf32> to vector<16xf32>
      %swap3A_547 = vector.shape_cast %broadcast_in_dim3A_542 : vector<16xf32> to vector<1x16xf32>
      tpu.vector_store %arg18[%swap3A_543, %swap3A_544], %swap3A_547 {strides = array<i32>} : memref<48x128xf32, #tpu.memory_space<vmem>>, vector<1x16xf32>,
    }
    %scan3A_514 = arith.constant 48 : i32
    %scan3A_515 = arith.constant 0 : i32
    %scan3A_516 = arith.constant 0 : i32
    %scan3A_517 = arith.constant 79 : i32
    %scan3A_518 = arith.addi %scan3A_516, %scan3A_517 : i32
    %scan3A_519 = arith.constant 1 : i32
    scf.for %scan3A_540 = %scan3A_516 to %scan3A_518 step %scan3A_519  : i32 {
      %mul3A_541 = arith.constant 632 : i32
      %mul3A_542 = arith.muli %arg1, %mul3A_541 : i32
      %mul3A_543 = arith.constant 8 : i32
      %mul3A_544 = arith.muli %scan3A_540, %mul3A_543 : i32
      %add3A_545 = arith.addi %mul3A_542, %mul3A_544 : i32
      "tpu.region"() ({
        %run_scoped3A = tpu.sem_alloc : memref<!tpu.dma_semaphore, #tpu.memory_space<semaphore_mem>>
        %dma_start3A_546 = arith.constant 0 : i32
        %dma_start3A_547 = tpu.memref_slice %arg20[%add3A_545, %dma_start3A_546] : memref<10112x128xf32, #tpu.memory_space<vmem_shared>> -> memref<8x128xf32, #tpu.memory_space<vmem_shared>>
        %dma_start3A_548 = arith.constant 0 : i32
        %dma_start3A_549 = tpu.memref_slice %arg20[%add3A_545, %dma_start3A_548] : memref<10112x128xf32, #tpu.memory_space<vmem_shared>> -> memref<8x128xf32, #tpu.memory_space<vmem_shared>>
        tpu.enqueue_dma source(%arg19 : memref<8x128xf32, #tpu.memory_space<vmem>>) target(%dma_start3A_549 : memref<8x128xf32, #tpu.memory_space<vmem_shared>>) target_semaphore(%run_scoped3A : memref<!tpu.dma_semaphore, #tpu.memory_space<semaphore_mem>>)
        %dma_wait3A = arith.constant 0 : i32
        %dma_wait3A_550 = tpu.memref_slice %arg20[%add3A_545, %dma_wait3A] : memref<10112x128xf32, #tpu.memory_space<vmem_shared>> -> memref<8x128xf32, #tpu.memory_space<vmem_shared>>
        %dma_wait3A_551 = arith.constant 0 : i32
        %dma_wait3A_552 = tpu.memref_slice %arg20[%add3A_545, %dma_wait3A_551] : memref<10112x128xf32, #tpu.memory_space<vmem_shared>> -> memref<8x128xf32, #tpu.memory_space<vmem_shared>>
        tpu.wait_dma2 semaphore(%run_scoped3A : memref<!tpu.dma_semaphore, #tpu.memory_space<semaphore_mem>>) src(%arg19 : memref<8x128xf32, #tpu.memory_space<vmem>>) dst(%dma_wait3A_552 : memref<8x128xf32, #tpu.memory_space<vmem_shared>>)
        tpu.yield
      }) : () -> ()
    }
    %scan3A_520 = arith.constant 79 : i32
    %barrier3A = arith.constant 0 : index
    tpu.barrier barrier_id(%barrier3A)
    %mul3A = arith.constant 16 : i32
    %mul3A_521 = arith.muli %arg0, %mul3A : i32
    %add3A = arith.addi %mul3A_521, %arg1 : i32
    %mul3A_522 = arith.constant 5088 : i32
    %mul3A_523 = arith.muli %add3A, %mul3A_522 : i32
    %add3A_524 = arith.constant 0 : i32
    %add3A_525 = arith.addi %mul3A_523, %add3A_524 : i32
    "tpu.region"() ({
      %run_scoped3A = tpu.sem_alloc : memref<!tpu.dma_semaphore, #tpu.memory_space<semaphore_mem>>
      %dma_start3A_540 = tpu.memref_slice %arg4[%add3A_525] : memref<162816xi32, #tpu.memory_space<hbm>> -> memref<48xi32, #tpu.memory_space<hbm>>
      %dma_start3A_541 = tpu.memref_slice %arg4[%add3A_525] : memref<162816xi32, #tpu.memory_space<hbm>> -> memref<48xi32, #tpu.memory_space<hbm>>
      tpu.enqueue_dma source(%dma_start3A_541 : memref<48xi32, #tpu.memory_space<hbm>>) target(%arg8 : memref<48xi32, #tpu.memory_space<vmem>>) target_semaphore(%run_scoped3A : memref<!tpu.dma_semaphore, #tpu.memory_space<semaphore_mem>>)
      %dma_wait3A = tpu.memref_slice %arg4[%add3A_525] : memref<162816xi32, #tpu.memory_space<hbm>> -> memref<48xi32, #tpu.memory_space<hbm>>
      %dma_wait3A_542 = tpu.memref_slice %arg4[%add3A_525] : memref<162816xi32, #tpu.memory_space<hbm>> -> memref<48xi32, #tpu.memory_space<hbm>>
      tpu.wait_dma2 semaphore(%run_scoped3A : memref<!tpu.dma_semaphore, #tpu.memory_space<semaphore_mem>>) src(%dma_wait3A_542 : memref<48xi32, #tpu.memory_space<hbm>>) dst(%arg8 : memref<48xi32, #tpu.memory_space<vmem>>)
      tpu.yield
    }) : () -> ()
    "tpu.region"() ({
      %run_scoped3A = tpu.sem_alloc : memref<!tpu.dma_semaphore, #tpu.memory_space<semaphore_mem>>
      %dma_start3A_540 = tpu.memref_slice %arg5[%add3A_525] : memref<162816xi32, #tpu.memory_space<hbm>> -> memref<48xi32, #tpu.memory_space<hbm>>
      %dma_start3A_541 = tpu.memref_slice %arg5[%add3A_525] : memref<162816xi32, #tpu.memory_space<hbm>> -> memref<48xi32, #tpu.memory_space<hbm>>
      tpu.enqueue_dma source(%dma_start3A_541 : memref<48xi32, #tpu.memory_space<hbm>>) target(%arg10 : memref<48xi32, #tpu.memory_space<vmem>>) target_semaphore(%run_scoped3A : memref<!tpu.dma_semaphore, #tpu.memory_space<semaphore_mem>>)
      %dma_wait3A = tpu.memref_slice %arg5[%add3A_525] : memref<162816xi32, #tpu.memory_space<hbm>> -> memref<48xi32, #tpu.memory_space<hbm>>
      %dma_wait3A_542 = tpu.memref_slice %arg5[%add3A_525] : memref<162816xi32, #tpu.memory_space<hbm>> -> memref<48xi32, #tpu.memory_space<hbm>>
      tpu.wait_dma2 semaphore(%run_scoped3A : memref<!tpu.dma_semaphore, #tpu.memory_space<semaphore_mem>>) src(%dma_wait3A_542 : memref<48xi32, #tpu.memory_space<hbm>>) dst(%arg10 : memref<48xi32, #tpu.memory_space<vmem>>)
      tpu.yield
    }) : () -> ()
    "tpu.region"() ({
      %run_scoped3A = tpu.sem_alloc : memref<!tpu.dma_semaphore, #tpu.memory_space<semaphore_mem>>
      %dma_start3A_540 = arith.constant 0 : i32
      %dma_start3A_541 = tpu.memref_slice %arg12[%dma_start3A_540] : memref<64xf32, #tpu.memory_space<vmem>> -> memref<48xf32, #tpu.memory_space<vmem>>
      %dma_start3A_542 = tpu.memref_slice %arg6[%add3A_525] : memref<162816xf32, #tpu.memory_space<hbm>> -> memref<48xf32, #tpu.memory_space<hbm>>
      %dma_start3A_543 = arith.constant 0 : i32
      %dma_start3A_544 = tpu.memref_slice %arg12[%dma_start3A_543] : memref<64xf32, #tpu.memory_space<vmem>> -> memref<48xf32, #tpu.memory_space<vmem>>
      %dma_start3A_545 = tpu.memref_slice %arg6[%add3A_525] : memref<162816xf32, #tpu.memory_space<hbm>> -> memref<48xf32, #tpu.memory_space<hbm>>
      tpu.enqueue_dma source(%dma_start3A_545 : memref<48xf32, #tpu.memory_space<hbm>>) target(%dma_start3A_544 : memref<48xf32, #tpu.memory_space<vmem>>) target_semaphore(%run_scoped3A : memref<!tpu.dma_semaphore, #tpu.memory_space<semaphore_mem>>)
      %dma_wait3A = arith.constant 0 : i32
      %dma_wait3A_546 = tpu.memref_slice %arg12[%dma_wait3A] : memref<64xf32, #tpu.memory_space<vmem>> -> memref<48xf32, #tpu.memory_space<vmem>>
      %dma_wait3A_547 = tpu.memref_slice %arg6[%add3A_525] : memref<162816xf32, #tpu.memory_space<hbm>> -> memref<48xf32, #tpu.memory_space<hbm>>
      %dma_wait3A_548 = arith.constant 0 : i32
      %dma_wait3A_549 = tpu.memref_slice %arg12[%dma_wait3A_548] : memref<64xf32, #tpu.memory_space<vmem>> -> memref<48xf32, #tpu.memory_space<vmem>>
      %dma_wait3A_550 = tpu.memref_slice %arg6[%add3A_525] : memref<162816xf32, #tpu.memory_space<hbm>> -> memref<48xf32, #tpu.memory_space<hbm>>
      tpu.wait_dma2 semaphore(%run_scoped3A : memref<!tpu.dma_semaphore, #tpu.memory_space<semaphore_mem>>) src(%dma_wait3A_550 : memref<48xf32, #tpu.memory_space<hbm>>) dst(%dma_wait3A_549 : memref<48xf32, #tpu.memory_space<vmem>>)
      tpu.yield
    }) : () -> ()
    %dma_start3A = arith.constant 0 : i32
    %dma_start3A_526 = arith.constant 0 : i32
    %dma_start3A_527 = tpu.memref_slice %arg2[%dma_start3A, %dma_start3A_526] : memref<10008x128xf32, #tpu.memory_space<hbm>> -> memref<10008x128xf32, #tpu.memory_space<hbm>>
    tpu.enqueue_indirect_dma source(%dma_start3A_527 : memref<10008x128xf32, #tpu.memory_space<hbm>>) target(%arg14 : memref<48x128xf32, #tpu.memory_space<vmem>>) offsets(%arg10 : memref<48xi32, #tpu.memory_space<vmem>>) semaphore(%arg21 : memref<!tpu.dma_semaphore, #tpu.memory_space<semaphore_mem>>)
    %dma_start3A_528 = arith.constant 0 : i32
    %dma_start3A_529 = arith.constant 0 : i32
    %dma_start3A_530 = tpu.memref_slice %arg3[%dma_start3A_528, %dma_start3A_529] : memref<10008x256xf32, #tpu.memory_space<hbm>> -> memref<10008x256xf32, #tpu.memory_space<hbm>>
    tpu.enqueue_indirect_dma source(%dma_start3A_530 : memref<10008x256xf32, #tpu.memory_space<hbm>>) target(%arg16 : memref<48x256xf32, #tpu.memory_space<vmem>>) offsets(%arg8 : memref<48xi32, #tpu.memory_space<vmem>>) semaphore(%arg21 : memref<!tpu.dma_semaphore, #tpu.memory_space<semaphore_mem>>)
    %scan3A_531 = arith.constant 0 : i32
    %scan3A_532 = arith.constant 0 : i32
    %scan3A_533 = arith.constant 53 : i32
    %scan3A_534 = arith.addi %scan3A_532, %scan3A_533 : i32
    %scan3A_535 = arith.constant 1 : i32
    scf.for %scan3A_540 = %scan3A_532 to %scan3A_534 step %scan3A_535  : i32 {
      %mul3A_541 = arith.constant 2 : i32
      %mul3A_542 = arith.muli %scan3A_540, %mul3A_541 : i32
      %add3A_543 = arith.constant 1 : i32
      %add3A_544 = arith.addi %mul3A_542, %add3A_543 : i32
      %mul3A_545 = arith.constant 48 : i32
      %mul3A_546 = arith.muli %add3A_544, %mul3A_545 : i32
      %add3A_547 = arith.addi %mul3A_523, %mul3A_546 : i32
      "tpu.region"() ({
        %run_scoped3A = tpu.sem_alloc : memref<!tpu.dma_semaphore, #tpu.memory_space<semaphore_mem>>
        %dma_start3A_584 = tpu.memref_slice %arg4[%add3A_547] : memref<162816xi32, #tpu.memory_space<hbm>> -> memref<48xi32, #tpu.memory_space<hbm>>
        %dma_start3A_585 = tpu.memref_slice %arg4[%add3A_547] : memref<162816xi32, #tpu.memory_space<hbm>> -> memref<48xi32, #tpu.memory_space<hbm>>
        tpu.enqueue_dma source(%dma_start3A_585 : memref<48xi32, #tpu.memory_space<hbm>>) target(%arg9 : memref<48xi32, #tpu.memory_space<vmem>>) target_semaphore(%run_scoped3A : memref<!tpu.dma_semaphore, #tpu.memory_space<semaphore_mem>>)
        %dma_wait3A_586 = tpu.memref_slice %arg4[%add3A_547] : memref<162816xi32, #tpu.memory_space<hbm>> -> memref<48xi32, #tpu.memory_space<hbm>>
        %dma_wait3A_587 = tpu.memref_slice %arg4[%add3A_547] : memref<162816xi32, #tpu.memory_space<hbm>> -> memref<48xi32, #tpu.memory_space<hbm>>
        tpu.wait_dma2 semaphore(%run_scoped3A : memref<!tpu.dma_semaphore, #tpu.memory_space<semaphore_mem>>) src(%dma_wait3A_587 : memref<48xi32, #tpu.memory_space<hbm>>) dst(%arg9 : memref<48xi32, #tpu.memory_space<vmem>>)
        tpu.yield
      }) : () -> ()
      "tpu.region"() ({
        %run_scoped3A = tpu.sem_alloc : memref<!tpu.dma_semaphore, #tpu.memory_space<semaphore_mem>>
        %dma_start3A_584 = tpu.memref_slice %arg5[%add3A_547] : memref<162816xi32, #tpu.memory_space<hbm>> -> memref<48xi32, #tpu.memory_space<hbm>>
        %dma_start3A_585 = tpu.memref_slice %arg5[%add3A_547] : memref<162816xi32, #tpu.memory_space<hbm>> -> memref<48xi32, #tpu.memory_space<hbm>>
        tpu.enqueue_dma source(%dma_start3A_585 : memref<48xi32, #tpu.memory_space<hbm>>) target(%arg11 : memref<48xi32, #tpu.memory_space<vmem>>) target_semaphore(%run_scoped3A : memref<!tpu.dma_semaphore, #tpu.memory_space<semaphore_mem>>)
        %dma_wait3A_586 = tpu.memref_slice %arg5[%add3A_547] : memref<162816xi32, #tpu.memory_space<hbm>> -> memref<48xi32, #tpu.memory_space<hbm>>
        %dma_wait3A_587 = tpu.memref_slice %arg5[%add3A_547] : memref<162816xi32, #tpu.memory_space<hbm>> -> memref<48xi32, #tpu.memory_space<hbm>>
        tpu.wait_dma2 semaphore(%run_scoped3A : memref<!tpu.dma_semaphore, #tpu.memory_space<semaphore_mem>>) src(%dma_wait3A_587 : memref<48xi32, #tpu.memory_space<hbm>>) dst(%arg11 : memref<48xi32, #tpu.memory_space<vmem>>)
        tpu.yield
      }) : () -> ()
      "tpu.region"() ({
        %run_scoped3A = tpu.sem_alloc : memref<!tpu.dma_semaphore, #tpu.memory_space<semaphore_mem>>
        %dma_start3A_584 = arith.constant 0 : i32
        %dma_start3A_585 = tpu.memref_slice %arg13[%dma_start3A_584] : memref<64xf32, #tpu.memory_space<vmem>> -> memref<48xf32, #tpu.memory_space<vmem>>
        %dma_start3A_586 = tpu.memref_slice %arg6[%add3A_547] : memref<162816xf32, #tpu.memory_space<hbm>> -> memref<48xf32, #tpu.memory_space<hbm>>
        %dma_start3A_587 = arith.constant 0 : i32
        %dma_start3A_588 = tpu.memref_slice %arg13[%dma_start3A_587] : memref<64xf32, #tpu.memory_space<vmem>> -> memref<48xf32, #tpu.memory_space<vmem>>
        %dma_start3A_589 = tpu.memref_slice %arg6[%add3A_547] : memref<162816xf32, #tpu.memory_space<hbm>> -> memref<48xf32, #tpu.memory_space<hbm>>
        tpu.enqueue_dma source(%dma_start3A_589 : memref<48xf32, #tpu.memory_space<hbm>>) target(%dma_start3A_588 : memref<48xf32, #tpu.memory_space<vmem>>) target_semaphore(%run_scoped3A : memref<!tpu.dma_semaphore, #tpu.memory_space<semaphore_mem>>)
        %dma_wait3A_590 = arith.constant 0 : i32
        %dma_wait3A_591 = tpu.memref_slice %arg13[%dma_wait3A_590] : memref<64xf32, #tpu.memory_space<vmem>> -> memref<48xf32, #tpu.memory_space<vmem>>
        %dma_wait3A_592 = tpu.memref_slice %arg6[%add3A_547] : memref<162816xf32, #tpu.memory_space<hbm>> -> memref<48xf32, #tpu.memory_space<hbm>>
        %dma_wait3A_593 = arith.constant 0 : i32
        %dma_wait3A_594 = tpu.memref_slice %arg13[%dma_wait3A_593] : memref<64xf32, #tpu.memory_space<vmem>> -> memref<48xf32, #tpu.memory_space<vmem>>
        %dma_wait3A_595 = tpu.memref_slice %arg6[%add3A_547] : memref<162816xf32, #tpu.memory_space<hbm>> -> memref<48xf32, #tpu.memory_space<hbm>>
        tpu.wait_dma2 semaphore(%run_scoped3A : memref<!tpu.dma_semaphore, #tpu.memory_space<semaphore_mem>>) src(%dma_wait3A_595 : memref<48xf32, #tpu.memory_space<hbm>>) dst(%dma_wait3A_594 : memref<48xf32, #tpu.memory_space<vmem>>)
        tpu.yield
      }) : () -> ()
      %dma_start3A_548 = arith.constant 0 : i32
      %dma_start3A_549 = arith.constant 0 : i32
      %dma_start3A_550 = tpu.memref_slice %arg2[%dma_start3A_548, %dma_start3A_549] : memref<10008x128xf32, #tpu.memory_space<hbm>> -> memref<10008x128xf32, #tpu.memory_space<hbm>>
      tpu.enqueue_indirect_dma source(%dma_start3A_550 : memref<10008x128xf32, #tpu.memory_space<hbm>>) target(%arg15 : memref<48x128xf32, #tpu.memory_space<vmem>>) offsets(%arg11 : memref<48xi32, #tpu.memory_space<vmem>>) semaphore(%arg22 : memref<!tpu.dma_semaphore, #tpu.memory_space<semaphore_mem>>)
      %dma_start3A_551 = arith.constant 0 : i32
      %dma_start3A_552 = arith.constant 0 : i32
      %dma_start3A_553 = tpu.memref_slice %arg3[%dma_start3A_551, %dma_start3A_552] : memref<10008x256xf32, #tpu.memory_space<hbm>> -> memref<10008x256xf32, #tpu.memory_space<hbm>>
      tpu.enqueue_indirect_dma source(%dma_start3A_553 : memref<10008x256xf32, #tpu.memory_space<hbm>>) target(%arg17 : memref<48x256xf32, #tpu.memory_space<vmem>>) offsets(%arg9 : memref<48xi32, #tpu.memory_space<vmem>>) semaphore(%arg22 : memref<!tpu.dma_semaphore, #tpu.memory_space<semaphore_mem>>)
      %dma_wait3A = arith.constant 0 : i32
      %dma_wait3A_554 = arith.constant 0 : i32
      %dma_wait3A_555 = tpu.memref_slice %arg2[%dma_wait3A, %dma_wait3A_554] : memref<10008x128xf32, #tpu.memory_space<hbm>> -> memref<10008x128xf32, #tpu.memory_space<hbm>>
      tpu.wait_indirect_dma semaphore(%arg21 : memref<!tpu.dma_semaphore, #tpu.memory_space<semaphore_mem>>) src(%dma_wait3A_555 : memref<10008x128xf32, #tpu.memory_space<hbm>>) dst(%arg14 : memref<48x128xf32, #tpu.memory_space<vmem>>)
      %dma_wait3A_556 = arith.constant 0 : i32
      %dma_wait3A_557 = arith.constant 0 : i32
      %dma_wait3A_558 = tpu.memref_slice %arg3[%dma_wait3A_556, %dma_wait3A_557] : memref<10008x256xf32, #tpu.memory_space<hbm>> -> memref<10008x256xf32, #tpu.memory_space<hbm>>
      tpu.wait_indirect_dma semaphore(%arg21 : memref<!tpu.dma_semaphore, #tpu.memory_space<semaphore_mem>>) src(%dma_wait3A_558 : memref<10008x256xf32, #tpu.memory_space<hbm>>) dst(%arg16 : memref<48x256xf32, #tpu.memory_space<vmem>>)
      %scan3A_559 = arith.constant 0 : i32
      %scan3A_560 = arith.constant 0 : i32
      %scan3A_561 = arith.constant 24 : i32
      %scan3A_562 = arith.addi %scan3A_560, %scan3A_561 : i32
      %scan3A_563 = arith.constant 1 : i32
      scf.for %scan3A_584 = %scan3A_560 to %scan3A_562 step %scan3A_563  : i32 {
        %mul3A_585 = arith.constant 2 : i32
        %mul3A_586 = arith.muli %scan3A_584, %mul3A_585 : i32
        %add3A_587 = arith.constant 0 : i32
        %add3A_588 = arith.addi %mul3A_586, %add3A_587 : i32
        %get3A = arith.index_cast %add3A_588 : i32 to index
        %get3A_589 = tpu.vector_load %arg12[%get3A] {strides = array<i32>} : memref<64xf32, #tpu.memory_space<vmem>>, vector<16xf32>,
        %get3A_590 = vector.shape_cast %get3A_589 : vector<16xf32> to vector<16xf32>
        %slice3A = vector.extract_strided_slice %get3A_590 {offsets = [0], sizes = [1], strides = [1]} : vector<16xf32> to vector<1xf32>
        %squeeze3A = vector.extract %slice3A[0] : f32 from vector<1xf32>
        %get3A_591 = arith.index_cast %add3A_588 : i32 to index
        %get3A_592 = arith.constant 0 : index
        %get3A_593 = tpu.vector_load %arg14[%get3A_591, %get3A_592] {strides = array<i32>} : memref<48x128xf32, #tpu.memory_space<vmem>>, vector<1x16xf32>,
        %get3A_594 = vector.shape_cast %get3A_593 : vector<1x16xf32> to vector<16xf32>
        %get3A_595 = arith.index_cast %add3A_588 : i32 to index
        %get3A_596 = arith.constant 0 : index
        %get3A_597 = tpu.vector_load %arg16[%get3A_595, %get3A_596] {strides = array<i32>} : memref<48x256xf32, #tpu.memory_space<vmem>>, vector<1x16xf32>,
        %get3A_598 = vector.shape_cast %get3A_597 : vector<1x16xf32> to vector<16xf32>
        %mul3A_599 = arith.mulf %get3A_594, %get3A_598 : vector<16xf32>
        %get3A_600 = arith.index_cast %add3A_588 : i32 to index
        %get3A_601 = arith.constant 8 : index
        %get3A_602 = tpu.vector_load %arg14[%get3A_600, %get3A_601] {strides = array<i32>} : memref<48x128xf32, #tpu.memory_space<vmem>>, vector<1x16xf32>,
        %get3A_603 = vector.shape_cast %get3A_602 : vector<1x16xf32> to vector<16xf32>
        %get3A_604 = arith.index_cast %add3A_588 : i32 to index
        %get3A_605 = arith.constant 8 : index
        %get3A_606 = tpu.vector_load %arg16[%get3A_604, %get3A_605] {strides = array<i32>} : memref<48x256xf32, #tpu.memory_space<vmem>>, vector<1x16xf32>,
        %get3A_607 = vector.shape_cast %get3A_606 : vector<1x16xf32> to vector<16xf32>
        %mul3A_608 = arith.mulf %get3A_603, %get3A_607 : vector<16xf32>
        %get3A_609 = arith.index_cast %add3A_588 : i32 to index
        %get3A_610 = arith.constant 24 : index
        %get3A_611 = tpu.vector_load %arg14[%get3A_609, %get3A_610] {strides = array<i32>} : memref<48x128xf32, #tpu.memory_space<vmem>>, vector<1x16xf32>,
        %get3A_612 = vector.shape_cast %get3A_611 : vector<1x16xf32> to vector<16xf32>
        %get3A_613 = arith.index_cast %add3A_588 : i32 to index
        %get3A_614 = arith.constant 24 : index
        %get3A_615 = tpu.vector_load %arg16[%get3A_613, %get3A_614] {strides = array<i32>} : memref<48x256xf32, #tpu.memory_space<vmem>>, vector<1x16xf32>,
        %get3A_616 = vector.shape_cast %get3A_615 : vector<1x16xf32> to vector<16xf32>
        %mul3A_617 = arith.mulf %get3A_612, %get3A_616 : vector<16xf32>
        %add3A_618 = arith.addf %mul3A_599, %mul3A_617 : vector<16xf32>
        %get3A_619 = arith.index_cast %add3A_588 : i32 to index
        %get3A_620 = arith.constant 32 : index
        %get3A_621 = tpu.vector_load %arg14[%get3A_619, %get3A_620] {strides = array<i32>} : memref<48x128xf32, #tpu.memory_space<vmem>>, vector<1x16xf32>,
        %get3A_622 = vector.shape_cast %get3A_621 : vector<1x16xf32> to vector<16xf32>
        %get3A_623 = arith.index_cast %add3A_588 : i32 to index
        %get3A_624 = arith.constant 32 : index
        %get3A_625 = tpu.vector_load %arg16[%get3A_623, %get3A_624] {strides = array<i32>} : memref<48x256xf32, #tpu.memory_space<vmem>>, vector<1x16xf32>,
        %get3A_626 = vector.shape_cast %get3A_625 : vector<1x16xf32> to vector<16xf32>
        %mul3A_627 = arith.mulf %get3A_622, %get3A_626 : vector<16xf32>
        %add3A_628 = arith.addf %mul3A_608, %mul3A_627 : vector<16xf32>
        %get3A_629 = arith.index_cast %add3A_588 : i32 to index
        %get3A_630 = arith.constant 48 : index
        %get3A_631 = tpu.vector_load %arg14[%get3A_629, %get3A_630] {strides = array<i32>} : memref<48x128xf32, #tpu.memory_space<vmem>>, vector<1x16xf32>,
        %get3A_632 = vector.shape_cast %get3A_631 : vector<1x16xf32> to vector<16xf32>
        %get3A_633 = arith.index_cast %add3A_588 : i32 to index
        %get3A_634 = arith.constant 48 : index
        %get3A_635 = tpu.vector_load %arg16[%get3A_633, %get3A_634] {strides = array<i32>} : memref<48x256xf32, #tpu.memory_space<vmem>>, vector<1x16xf32>,
        %get3A_636 = vector.shape_cast %get3A_635 : vector<1x16xf32> to vector<16xf32>
        %mul3A_637 = arith.mulf %get3A_632, %get3A_636 : vector<16xf32>
        %add3A_638 = arith.addf %add3A_618, %mul3A_637 : vector<16xf32>
        %get3A_639 = arith.index_cast %add3A_588 : i32 to index
        %get3A_640 = arith.constant 56 : index
        %get3A_641 = tpu.vector_load %arg14[%get3A_639, %get3A_640] {strides = array<i32>} : memref<48x128xf32, #tpu.memory_space<vmem>>, vector<1x16xf32>,
        %get3A_642 = vector.shape_cast %get3A_641 : vector<1x16xf32> to vector<16xf32>
        %get3A_643 = arith.index_cast %add3A_588 : i32 to index
        %get3A_644 = arith.constant 56 : index
        %get3A_645 = tpu.vector_load %arg16[%get3A_643, %get3A_644] {strides = array<i32>} : memref<48x256xf32, #tpu.memory_space<vmem>>, vector<1x16xf32>,
        %get3A_646 = vector.shape_cast %get3A_645 : vector<1x16xf32> to vector<16xf32>
        %mul3A_647 = arith.mulf %get3A_642, %get3A_646 : vector<16xf32>
        %add3A_648 = arith.addf %add3A_628, %mul3A_647 : vector<16xf32>
        %get3A_649 = arith.index_cast %add3A_588 : i32 to index
        %get3A_650 = arith.constant 72 : index
        %get3A_651 = tpu.vector_load %arg14[%get3A_649, %get3A_650] {strides = array<i32>} : memref<48x128xf32, #tpu.memory_space<vmem>>, vector<1x16xf32>,
        %get3A_652 = vector.shape_cast %get3A_651 : vector<1x16xf32> to vector<16xf32>
        %get3A_653 = arith.index_cast %add3A_588 : i32 to index
        %get3A_654 = arith.constant 72 : index
        %get3A_655 = tpu.vector_load %arg16[%get3A_653, %get3A_654] {strides = array<i32>} : memref<48x256xf32, #tpu.memory_space<vmem>>, vector<1x16xf32>,
        %get3A_656 = vector.shape_cast %get3A_655 : vector<1x16xf32> to vector<16xf32>
        %mul3A_657 = arith.mulf %get3A_652, %get3A_656 : vector<16xf32>
        %add3A_658 = arith.addf %add3A_638, %mul3A_657 : vector<16xf32>
        %get3A_659 = arith.index_cast %add3A_588 : i32 to index
        %get3A_660 = arith.constant 80 : index
        %get3A_661 = tpu.vector_load %arg14[%get3A_659, %get3A_660] {strides = array<i32>} : memref<48x128xf32, #tpu.memory_space<vmem>>, vector<1x16xf32>,
        %get3A_662 = vector.shape_cast %get3A_661 : vector<1x16xf32> to vector<16xf32>
        %get3A_663 = arith.index_cast %add3A_588 : i32 to index
        %get3A_664 = arith.constant 80 : index
        %get3A_665 = tpu.vector_load %arg16[%get3A_663, %get3A_664] {strides = array<i32>} : memref<48x256xf32, #tpu.memory_space<vmem>>, vector<1x16xf32>,
        %get3A_666 = vector.shape_cast %get3A_665 : vector<1x16xf32> to vector<16xf32>
        %mul3A_667 = arith.mulf %get3A_662, %get3A_666 : vector<16xf32>
        %add3A_668 = arith.addf %add3A_648, %mul3A_667 : vector<16xf32>
        %mul3A_669 = vector.broadcast %squeeze3A : f32 to vector<16xf32>
        %mul3A_670 = arith.mulf %add3A_658, %mul3A_669 : vector<16xf32>
        %exp3A = math.exp %mul3A_670 : vector<16xf32>
        %mul3A_671 = vector.broadcast %squeeze3A : f32 to vector<16xf32>
        %mul3A_672 = arith.mulf %add3A_668, %mul3A_671 : vector<16xf32>
        %exp3A_673 = math.exp %mul3A_672 : vector<16xf32>
        %get3A_674 = arith.index_cast %add3A_588 : i32 to index
        %get3A_675 = arith.constant 128 : index
        %get3A_676 = tpu.vector_load %arg16[%get3A_674, %get3A_675] {strides = array<i32>} : memref<48x256xf32, #tpu.memory_space<vmem>>, vector<1x16xf32>,
        %get3A_677 = vector.shape_cast %get3A_676 : vector<1x16xf32> to vector<16xf32>
        %mul3A_678 = arith.mulf %exp3A, %get3A_677 : vector<16xf32>
        %swap3A_679 = arith.index_cast %add3A_588 : i32 to index
        %swap3A_680 = arith.constant 0 : index
        %swap3A_681 = tpu.vector_load %arg18[%swap3A_679, %swap3A_680] {strides = array<i32>} : memref<48x128xf32, #tpu.memory_space<vmem>>, vector<1x16xf32>,
        %swap3A_682 = vector.shape_cast %swap3A_681 : vector<1x16xf32> to vector<16xf32>
        %swap3A_683 = vector.shape_cast %mul3A_678 : vector<16xf32> to vector<1x16xf32>
        tpu.vector_store %arg18[%swap3A_679, %swap3A_680], %swap3A_683 {strides = array<i32>} : memref<48x128xf32, #tpu.memory_space<vmem>>, vector<1x16xf32>,
        %get3A_684 = arith.index_cast %add3A_588 : i32 to index
        %get3A_685 = arith.constant 136 : index
        %get3A_686 = tpu.vector_load %arg16[%get3A_684, %get3A_685] {strides = array<i32>} : memref<48x256xf32, #tpu.memory_space<vmem>>, vector<1x16xf32>,
        %get3A_687 = vector.shape_cast %get3A_686 : vector<1x16xf32> to vector<16xf32>
        %mul3A_688 = arith.mulf %exp3A_673, %get3A_687 : vector<16xf32>
        %swap3A_689 = arith.index_cast %add3A_588 : i32 to index
        %swap3A_690 = arith.constant 8 : index
        %swap3A_691 = tpu.vector_load %arg18[%swap3A_689, %swap3A_690] {strides = array<i32>} : memref<48x128xf32, #tpu.memory_space<vmem>>, vector<1x16xf32>,
        %swap3A_692 = vector.shape_cast %swap3A_691 : vector<1x16xf32> to vector<16xf32>
        %swap3A_693 = vector.shape_cast %mul3A_688 : vector<16xf32> to vector<1x16xf32>
        tpu.vector_store %arg18[%swap3A_689, %swap3A_690], %swap3A_693 {strides = array<i32>} : memref<48x128xf32, #tpu.memory_space<vmem>>, vector<1x16xf32>,
        %get3A_694 = arith.index_cast %add3A_588 : i32 to index
        %get3A_695 = arith.constant 152 : index
        %get3A_696 = tpu.vector_load %arg16[%get3A_694, %get3A_695] {strides = array<i32>} : memref<48x256xf32, #tpu.memory_space<vmem>>, vector<1x16xf32>,
        %get3A_697 = vector.shape_cast %get3A_696 : vector<1x16xf32> to vector<16xf32>
        %mul3A_698 = arith.mulf %exp3A, %get3A_697 : vector<16xf32>
        %swap3A_699 = arith.index_cast %add3A_588 : i32 to index
        %swap3A_700 = arith.constant 24 : index
        %swap3A_701 = tpu.vector_load %arg18[%swap3A_699, %swap3A_700] {strides = array<i32>} : memref<48x128xf32, #tpu.memory_space<vmem>>, vector<1x16xf32>,
        %swap3A_702 = vector.shape_cast %swap3A_701 : vector<1x16xf32> to vector<16xf32>
        %swap3A_703 = vector.shape_cast %mul3A_698 : vector<16xf32> to vector<1x16xf32>
        tpu.vector_store %arg18[%swap3A_699, %swap3A_700], %swap3A_703 {strides = array<i32>} : memref<48x128xf32, #tpu.memory_space<vmem>>, vector<1x16xf32>,
        %get3A_704 = arith.index_cast %add3A_588 : i32 to index
        %get3A_705 = arith.constant 160 : index
        %get3A_706 = tpu.vector_load %arg16[%get3A_704, %get3A_705] {strides = array<i32>} : memref<48x256xf32, #tpu.memory_space<vmem>>, vector<1x16xf32>,
        %get3A_707 = vector.shape_cast %get3A_706 : vector<1x16xf32> to vector<16xf32>
        %mul3A_708 = arith.mulf %exp3A_673, %get3A_707 : vector<16xf32>
        %swap3A_709 = arith.index_cast %add3A_588 : i32 to index
        %swap3A_710 = arith.constant 32 : index
        %swap3A_711 = tpu.vector_load %arg18[%swap3A_709, %swap3A_710] {strides = array<i32>} : memref<48x128xf32, #tpu.memory_space<vmem>>, vector<1x16xf32>,
        %swap3A_712 = vector.shape_cast %swap3A_711 : vector<1x16xf32> to vector<16xf32>
        %swap3A_713 = vector.shape_cast %mul3A_708 : vector<16xf32> to vector<1x16xf32>
        tpu.vector_store %arg18[%swap3A_709, %swap3A_710], %swap3A_713 {strides = array<i32>} : memref<48x128xf32, #tpu.memory_space<vmem>>, vector<1x16xf32>,
        %get3A_714 = arith.index_cast %add3A_588 : i32 to index
        %get3A_715 = arith.constant 176 : index
        %get3A_716 = tpu.vector_load %arg16[%get3A_714, %get3A_715] {strides = array<i32>} : memref<48x256xf32, #tpu.memory_space<vmem>>, vector<1x16xf32>,
        %get3A_717 = vector.shape_cast %get3A_716 : vector<1x16xf32> to vector<16xf32>
        %mul3A_718 = arith.mulf %exp3A, %get3A_717 : vector<16xf32>
        %swap3A_719 = arith.index_cast %add3A_588 : i32 to index
        %swap3A_720 = arith.constant 48 : index
        %swap3A_721 = tpu.vector_load %arg18[%swap3A_719, %swap3A_720] {strides = array<i32>} : memref<48x128xf32, #tpu.memory_space<vmem>>, vector<1x16xf32>,
        %swap3A_722 = vector.shape_cast %swap3A_721 : vector<1x16xf32> to vector<16xf32>
        %swap3A_723 = vector.shape_cast %mul3A_718 : vector<16xf32> to vector<1x16xf32>
        tpu.vector_store %arg18[%swap3A_719, %swap3A_720], %swap3A_723 {strides = array<i32>} : memref<48x128xf32, #tpu.memory_space<vmem>>, vector<1x16xf32>,
        %get3A_724 = arith.index_cast %add3A_588 : i32 to index
        %get3A_725 = arith.constant 184 : index
        %get3A_726 = tpu.vector_load %arg16[%get3A_724, %get3A_725] {strides = array<i32>} : memref<48x256xf32, #tpu.memory_space<vmem>>, vector<1x16xf32>,
        %get3A_727 = vector.shape_cast %get3A_726 : vector<1x16xf32> to vector<16xf32>
        %mul3A_728 = arith.mulf %exp3A_673, %get3A_727 : vector<16xf32>
        %swap3A_729 = arith.index_cast %add3A_588 : i32 to index
        %swap3A_730 = arith.constant 56 : index
        %swap3A_731 = tpu.vector_load %arg18[%swap3A_729, %swap3A_730] {strides = array<i32>} : memref<48x128xf32, #tpu.memory_space<vmem>>, vector<1x16xf32>,
        %swap3A_732 = vector.shape_cast %swap3A_731 : vector<1x16xf32> to vector<16xf32>
        %swap3A_733 = vector.shape_cast %mul3A_728 : vector<16xf32> to vector<1x16xf32>
        tpu.vector_store %arg18[%swap3A_729, %swap3A_730], %swap3A_733 {strides = array<i32>} : memref<48x128xf32, #tpu.memory_space<vmem>>, vector<1x16xf32>,
        %get3A_734 = arith.index_cast %add3A_588 : i32 to index
        %get3A_735 = arith.constant 200 : index
        %get3A_736 = tpu.vector_load %arg16[%get3A_734, %get3A_735] {strides = array<i32>} : memref<48x256xf32, #tpu.memory_space<vmem>>, vector<1x16xf32>,
        %get3A_737 = vector.shape_cast %get3A_736 : vector<1x16xf32> to vector<16xf32>
        %mul3A_738 = arith.mulf %exp3A, %get3A_737 : vector<16xf32>
        %swap3A_739 = arith.index_cast %add3A_588 : i32 to index
        %swap3A_740 = arith.constant 72 : index
        %swap3A_741 = tpu.vector_load %arg18[%swap3A_739, %swap3A_740] {strides = array<i32>} : memref<48x128xf32, #tpu.memory_space<vmem>>, vector<1x16xf32>,
        %swap3A_742 = vector.shape_cast %swap3A_741 : vector<1x16xf32> to vector<16xf32>
        %swap3A_743 = vector.shape_cast %mul3A_738 : vector<16xf32> to vector<1x16xf32>
        tpu.vector_store %arg18[%swap3A_739, %swap3A_740], %swap3A_743 {strides = array<i32>} : memref<48x128xf32, #tpu.memory_space<vmem>>, vector<1x16xf32>,
        %get3A_744 = arith.index_cast %add3A_588 : i32 to index
        %get3A_745 = arith.constant 208 : index
        %get3A_746 = tpu.vector_load %arg16[%get3A_744, %get3A_745] {strides = array<i32>} : memref<48x256xf32, #tpu.memory_space<vmem>>, vector<1x16xf32>,
        %get3A_747 = vector.shape_cast %get3A_746 : vector<1x16xf32> to vector<16xf32>
        %mul3A_748 = arith.mulf %exp3A_673, %get3A_747 : vector<16xf32>
        %swap3A_749 = arith.index_cast %add3A_588 : i32 to index
        %swap3A_750 = arith.constant 80 : index
        %swap3A_751 = tpu.vector_load %arg18[%swap3A_749, %swap3A_750] {strides = array<i32>} : memref<48x128xf32, #tpu.memory_space<vmem>>, vector<1x16xf32>,
        %swap3A_752 = vector.shape_cast %swap3A_751 : vector<1x16xf32> to vector<16xf32>
        %swap3A_753 = vector.shape_cast %mul3A_748 : vector<16xf32> to vector<1x16xf32>
        tpu.vector_store %arg18[%swap3A_749, %swap3A_750], %swap3A_753 {strides = array<i32>} : memref<48x128xf32, #tpu.memory_space<vmem>>, vector<1x16xf32>,
        %swap3A_754 = arith.index_cast %add3A_588 : i32 to index
        %swap3A_755 = arith.constant 96 : index
        %swap3A_756 = tpu.vector_load %arg18[%swap3A_754, %swap3A_755] {strides = array<i32>} : memref<48x128xf32, #tpu.memory_space<vmem>>, vector<1x16xf32>,
        %swap3A_757 = vector.shape_cast %swap3A_756 : vector<1x16xf32> to vector<16xf32>
        %swap3A_758 = vector.shape_cast %exp3A : vector<16xf32> to vector<1x16xf32>
        tpu.vector_store %arg18[%swap3A_754, %swap3A_755], %swap3A_758 {strides = array<i32>} : memref<48x128xf32, #tpu.memory_space<vmem>>, vector<1x16xf32>,
        %swap3A_759 = arith.index_cast %add3A_588 : i32 to index
        %swap3A_760 = arith.constant 104 : index
        %swap3A_761 = tpu.vector_load %arg18[%swap3A_759, %swap3A_760] {strides = array<i32>} : memref<48x128xf32, #tpu.memory_space<vmem>>, vector<1x16xf32>,
        %swap3A_762 = vector.shape_cast %swap3A_761 : vector<1x16xf32> to vector<16xf32>
        %swap3A_763 = vector.shape_cast %exp3A_673 : vector<16xf32> to vector<1x16xf32>
        tpu.vector_store %arg18[%swap3A_759, %swap3A_760], %swap3A_763 {strides = array<i32>} : memref<48x128xf32, #tpu.memory_space<vmem>>, vector<1x16xf32>,
        %mul3A_764 = arith.constant 2 : i32
        %mul3A_765 = arith.muli %scan3A_584, %mul3A_764 : i32
        %add3A_766 = arith.constant 1 : i32
        %add3A_767 = arith.addi %mul3A_765, %add3A_766 : i32
        %get3A_768 = arith.index_cast %add3A_767 : i32 to index
        %get3A_769 = tpu.vector_load %arg12[%get3A_768] {strides = array<i32>} : memref<64xf32, #tpu.memory_space<vmem>>, vector<16xf32>,
        %get3A_770 = vector.shape_cast %get3A_769 : vector<16xf32> to vector<16xf32>
        %slice3A_771 = vector.extract_strided_slice %get3A_770 {offsets = [0], sizes = [1], strides = [1]} : vector<16xf32> to vector<1xf32>
        %squeeze3A_772 = vector.extract %slice3A_771[0] : f32 from vector<1xf32>
        %get3A_773 = arith.index_cast %add3A_767 : i32 to index
        %get3A_774 = arith.constant 0 : index
        %get3A_775 = tpu.vector_load %arg14[%get3A_773, %get3A_774] {strides = array<i32>} : memref<48x128xf32, #tpu.memory_space<vmem>>, vector<1x16xf32>,
        %get3A_776 = vector.shape_cast %get3A_775 : vector<1x16xf32> to vector<16xf32>
        %get3A_777 = arith.index_cast %add3A_767 : i32 to index
        %get3A_778 = arith.constant 0 : index
        %get3A_779 = tpu.vector_load %arg16[%get3A_777, %get3A_778] {strides = array<i32>} : memref<48x256xf32, #tpu.memory_space<vmem>>, vector<1x16xf32>,
        %get3A_780 = vector.shape_cast %get3A_779 : vector<1x16xf32> to vector<16xf32>
        %mul3A_781 = arith.mulf %get3A_776, %get3A_780 : vector<16xf32>
        %get3A_782 = arith.index_cast %add3A_767 : i32 to index
        %get3A_783 = arith.constant 8 : index
        %get3A_784 = tpu.vector_load %arg14[%get3A_782, %get3A_783] {strides = array<i32>} : memref<48x128xf32, #tpu.memory_space<vmem>>, vector<1x16xf32>,
        %get3A_785 = vector.shape_cast %get3A_784 : vector<1x16xf32> to vector<16xf32>
        %get3A_786 = arith.index_cast %add3A_767 : i32 to index
        %get3A_787 = arith.constant 8 : index
        %get3A_788 = tpu.vector_load %arg16[%get3A_786, %get3A_787] {strides = array<i32>} : memref<48x256xf32, #tpu.memory_space<vmem>>, vector<1x16xf32>,
        %get3A_789 = vector.shape_cast %get3A_788 : vector<1x16xf32> to vector<16xf32>
        %mul3A_790 = arith.mulf %get3A_785, %get3A_789 : vector<16xf32>
        %get3A_791 = arith.index_cast %add3A_767 : i32 to index
        %get3A_792 = arith.constant 24 : index
        %get3A_793 = tpu.vector_load %arg14[%get3A_791, %get3A_792] {strides = array<i32>} : memref<48x128xf32, #tpu.memory_space<vmem>>, vector<1x16xf32>,
        %get3A_794 = vector.shape_cast %get3A_793 : vector<1x16xf32> to vector<16xf32>
        %get3A_795 = arith.index_cast %add3A_767 : i32 to index
        %get3A_796 = arith.constant 24 : index
        %get3A_797 = tpu.vector_load %arg16[%get3A_795, %get3A_796] {strides = array<i32>} : memref<48x256xf32, #tpu.memory_space<vmem>>, vector<1x16xf32>,
        %get3A_798 = vector.shape_cast %get3A_797 : vector<1x16xf32> to vector<16xf32>
        %mul3A_799 = arith.mulf %get3A_794, %get3A_798 : vector<16xf32>
        %add3A_800 = arith.addf %mul3A_781, %mul3A_799 : vector<16xf32>
        %get3A_801 = arith.index_cast %add3A_767 : i32 to index
        %get3A_802 = arith.constant 32 : index
        %get3A_803 = tpu.vector_load %arg14[%get3A_801, %get3A_802] {strides = array<i32>} : memref<48x128xf32, #tpu.memory_space<vmem>>, vector<1x16xf32>,
        %get3A_804 = vector.shape_cast %get3A_803 : vector<1x16xf32> to vector<16xf32>
        %get3A_805 = arith.index_cast %add3A_767 : i32 to index
        %get3A_806 = arith.constant 32 : index
        %get3A_807 = tpu.vector_load %arg16[%get3A_805, %get3A_806] {strides = array<i32>} : memref<48x256xf32, #tpu.memory_space<vmem>>, vector<1x16xf32>,
        %get3A_808 = vector.shape_cast %get3A_807 : vector<1x16xf32> to vector<16xf32>
        %mul3A_809 = arith.mulf %get3A_804, %get3A_808 : vector<16xf32>
        %add3A_810 = arith.addf %mul3A_790, %mul3A_809 : vector<16xf32>
        %get3A_811 = arith.index_cast %add3A_767 : i32 to index
        %get3A_812 = arith.constant 48 : index
        %get3A_813 = tpu.vector_load %arg14[%get3A_811, %get3A_812] {strides = array<i32>} : memref<48x128xf32, #tpu.memory_space<vmem>>, vector<1x16xf32>,
        %get3A_814 = vector.shape_cast %get3A_813 : vector<1x16xf32> to vector<16xf32>
        %get3A_815 = arith.index_cast %add3A_767 : i32 to index
        %get3A_816 = arith.constant 48 : index
        %get3A_817 = tpu.vector_load %arg16[%get3A_815, %get3A_816] {strides = array<i32>} : memref<48x256xf32, #tpu.memory_space<vmem>>, vector<1x16xf32>,
        %get3A_818 = vector.shape_cast %get3A_817 : vector<1x16xf32> to vector<16xf32>
        %mul3A_819 = arith.mulf %get3A_814, %get3A_818 : vector<16xf32>
        %add3A_820 = arith.addf %add3A_800, %mul3A_819 : vector<16xf32>
        %get3A_821 = arith.index_cast %add3A_767 : i32 to index
        %get3A_822 = arith.constant 56 : index
        %get3A_823 = tpu.vector_load %arg14[%get3A_821, %get3A_822] {strides = array<i32>} : memref<48x128xf32, #tpu.memory_space<vmem>>, vector<1x16xf32>,
        %get3A_824 = vector.shape_cast %get3A_823 : vector<1x16xf32> to vector<16xf32>
        %get3A_825 = arith.index_cast %add3A_767 : i32 to index
        %get3A_826 = arith.constant 56 : index
        %get3A_827 = tpu.vector_load %arg16[%get3A_825, %get3A_826] {strides = array<i32>} : memref<48x256xf32, #tpu.memory_space<vmem>>, vector<1x16xf32>,
        %get3A_828 = vector.shape_cast %get3A_827 : vector<1x16xf32> to vector<16xf32>
        %mul3A_829 = arith.mulf %get3A_824, %get3A_828 : vector<16xf32>
        %add3A_830 = arith.addf %add3A_810, %mul3A_829 : vector<16xf32>
        %get3A_831 = arith.index_cast %add3A_767 : i32 to index
        %get3A_832 = arith.constant 72 : index
        %get3A_833 = tpu.vector_load %arg14[%get3A_831, %get3A_832] {strides = array<i32>} : memref<48x128xf32, #tpu.memory_space<vmem>>, vector<1x16xf32>,
        %get3A_834 = vector.shape_cast %get3A_833 : vector<1x16xf32> to vector<16xf32>
        %get3A_835 = arith.index_cast %add3A_767 : i32 to index
        %get3A_836 = arith.constant 72 : index
        %get3A_837 = tpu.vector_load %arg16[%get3A_835, %get3A_836] {strides = array<i32>} : memref<48x256xf32, #tpu.memory_space<vmem>>, vector<1x16xf32>,
        %get3A_838 = vector.shape_cast %get3A_837 : vector<1x16xf32> to vector<16xf32>
        %mul3A_839 = arith.mulf %get3A_834, %get3A_838 : vector<16xf32>
        %add3A_840 = arith.addf %add3A_820, %mul3A_839 : vector<16xf32>
        %get3A_841 = arith.index_cast %add3A_767 : i32 to index
        %get3A_842 = arith.constant 80 : index
        %get3A_843 = tpu.vector_load %arg14[%get3A_841, %get3A_842] {strides = array<i32>} : memref<48x128xf32, #tpu.memory_space<vmem>>, vector<1x16xf32>,
        %get3A_844 = vector.shape_cast %get3A_843 : vector<1x16xf32> to vector<16xf32>
        %get3A_845 = arith.index_cast %add3A_767 : i32 to index
        %get3A_846 = arith.constant 80 : index
        %get3A_847 = tpu.vector_load %arg16[%get3A_845, %get3A_846] {strides = array<i32>} : memref<48x256xf32, #tpu.memory_space<vmem>>, vector<1x16xf32>,
        %get3A_848 = vector.shape_cast %get3A_847 : vector<1x16xf32> to vector<16xf32>
        %mul3A_849 = arith.mulf %get3A_844, %get3A_848 : vector<16xf32>
        %add3A_850 = arith.addf %add3A_830, %mul3A_849 : vector<16xf32>
        %mul3A_851 = vector.broadcast %squeeze3A_772 : f32 to vector<16xf32>
        %mul3A_852 = arith.mulf %add3A_840, %mul3A_851 : vector<16xf32>
        %exp3A_853 = math.exp %mul3A_852 : vector<16xf32>
        %mul3A_854 = vector.broadcast %squeeze3A_772 : f32 to vector<16xf32>
        %mul3A_855 = arith.mulf %add3A_850, %mul3A_854 : vector<16xf32>
        %exp3A_856 = math.exp %mul3A_855 : vector<16xf32>
        %get3A_857 = arith.index_cast %add3A_767 : i32 to index
        %get3A_858 = arith.constant 128 : index
        %get3A_859 = tpu.vector_load %arg16[%get3A_857, %get3A_858] {strides = array<i32>} : memref<48x256xf32, #tpu.memory_space<vmem>>, vector<1x16xf32>,
        %get3A_860 = vector.shape_cast %get3A_859 : vector<1x16xf32> to vector<16xf32>
        %mul3A_861 = arith.mulf %exp3A_853, %get3A_860 : vector<16xf32>
        %swap3A_862 = arith.index_cast %add3A_767 : i32 to index
        %swap3A_863 = arith.constant 0 : index
        %swap3A_864 = tpu.vector_load %arg18[%swap3A_862, %swap3A_863] {strides = array<i32>} : memref<48x128xf32, #tpu.memory_space<vmem>>, vector<1x16xf32>,
        %swap3A_865 = vector.shape_cast %swap3A_864 : vector<1x16xf32> to vector<16xf32>
        %swap3A_866 = vector.shape_cast %mul3A_861 : vector<16xf32> to vector<1x16xf32>
        tpu.vector_store %arg18[%swap3A_862, %swap3A_863], %swap3A_866 {strides = array<i32>} : memref<48x128xf32, #tpu.memory_space<vmem>>, vector<1x16xf32>,
        %get3A_867 = arith.index_cast %add3A_767 : i32 to index
        %get3A_868 = arith.constant 136 : index
        %get3A_869 = tpu.vector_load %arg16[%get3A_867, %get3A_868] {strides = array<i32>} : memref<48x256xf32, #tpu.memory_space<vmem>>, vector<1x16xf32>,
        %get3A_870 = vector.shape_cast %get3A_869 : vector<1x16xf32> to vector<16xf32>
        %mul3A_871 = arith.mulf %exp3A_856, %get3A_870 : vector<16xf32>
        %swap3A_872 = arith.index_cast %add3A_767 : i32 to index
        %swap3A_873 = arith.constant 8 : index
        %swap3A_874 = tpu.vector_load %arg18[%swap3A_872, %swap3A_873] {strides = array<i32>} : memref<48x128xf32, #tpu.memory_space<vmem>>, vector<1x16xf32>,
        %swap3A_875 = vector.shape_cast %swap3A_874 : vector<1x16xf32> to vector<16xf32>
        %swap3A_876 = vector.shape_cast %mul3A_871 : vector<16xf32> to vector<1x16xf32>
        tpu.vector_store %arg18[%swap3A_872, %swap3A_873], %swap3A_876 {strides = array<i32>} : memref<48x128xf32, #tpu.memory_space<vmem>>, vector<1x16xf32>,
        %get3A_877 = arith.index_cast %add3A_767 : i32 to index
        %get3A_878 = arith.constant 152 : index
        %get3A_879 = tpu.vector_load %arg16[%get3A_877, %get3A_878] {strides = array<i32>} : memref<48x256xf32, #tpu.memory_space<vmem>>, vector<1x16xf32>,
        %get3A_880 = vector.shape_cast %get3A_879 : vector<1x16xf32> to vector<16xf32>
        %mul3A_881 = arith.mulf %exp3A_853, %get3A_880 : vector<16xf32>
        %swap3A_882 = arith.index_cast %add3A_767 : i32 to index
        %swap3A_883 = arith.constant 24 : index
        %swap3A_884 = tpu.vector_load %arg18[%swap3A_882, %swap3A_883] {strides = array<i32>} : memref<48x128xf32, #tpu.memory_space<vmem>>, vector<1x16xf32>,
        %swap3A_885 = vector.shape_cast %swap3A_884 : vector<1x16xf32> to vector<16xf32>
        %swap3A_886 = vector.shape_cast %mul3A_881 : vector<16xf32> to vector<1x16xf32>
        tpu.vector_store %arg18[%swap3A_882, %swap3A_883], %swap3A_886 {strides = array<i32>} : memref<48x128xf32, #tpu.memory_space<vmem>>, vector<1x16xf32>,
        %get3A_887 = arith.index_cast %add3A_767 : i32 to index
        %get3A_888 = arith.constant 160 : index
        %get3A_889 = tpu.vector_load %arg16[%get3A_887, %get3A_888] {strides = array<i32>} : memref<48x256xf32, #tpu.memory_space<vmem>>, vector<1x16xf32>,
        %get3A_890 = vector.shape_cast %get3A_889 : vector<1x16xf32> to vector<16xf32>
        %mul3A_891 = arith.mulf %exp3A_856, %get3A_890 : vector<16xf32>
        %swap3A_892 = arith.index_cast %add3A_767 : i32 to index
        %swap3A_893 = arith.constant 32 : index
        %swap3A_894 = tpu.vector_load %arg18[%swap3A_892, %swap3A_893] {strides = array<i32>} : memref<48x128xf32, #tpu.memory_space<vmem>>, vector<1x16xf32>,
        %swap3A_895 = vector.shape_cast %swap3A_894 : vector<1x16xf32> to vector<16xf32>
        %swap3A_896 = vector.shape_cast %mul3A_891 : vector<16xf32> to vector<1x16xf32>
        tpu.vector_store %arg18[%swap3A_892, %swap3A_893], %swap3A_896 {strides = array<i32>} : memref<48x128xf32, #tpu.memory_space<vmem>>, vector<1x16xf32>,
        %get3A_897 = arith.index_cast %add3A_767 : i32 to index
        %get3A_898 = arith.constant 176 : index
        %get3A_899 = tpu.vector_load %arg16[%get3A_897, %get3A_898] {strides = array<i32>} : memref<48x256xf32, #tpu.memory_space<vmem>>, vector<1x16xf32>,
        %get3A_900 = vector.shape_cast %get3A_899 : vector<1x16xf32> to vector<16xf32>
        %mul3A_901 = arith.mulf %exp3A_853, %get3A_900 : vector<16xf32>
        %swap3A_902 = arith.index_cast %add3A_767 : i32 to index
        %swap3A_903 = arith.constant 48 : index
        %swap3A_904 = tpu.vector_load %arg18[%swap3A_902, %swap3A_903] {strides = array<i32>} : memref<48x128xf32, #tpu.memory_space<vmem>>, vector<1x16xf32>,
        %swap3A_905 = vector.shape_cast %swap3A_904 : vector<1x16xf32> to vector<16xf32>
        %swap3A_906 = vector.shape_cast %mul3A_901 : vector<16xf32> to vector<1x16xf32>
        tpu.vector_store %arg18[%swap3A_902, %swap3A_903], %swap3A_906 {strides = array<i32>} : memref<48x128xf32, #tpu.memory_space<vmem>>, vector<1x16xf32>,
        %get3A_907 = arith.index_cast %add3A_767 : i32 to index
        %get3A_908 = arith.constant 184 : index
        %get3A_909 = tpu.vector_load %arg16[%get3A_907, %get3A_908] {strides = array<i32>} : memref<48x256xf32, #tpu.memory_space<vmem>>, vector<1x16xf32>,
        %get3A_910 = vector.shape_cast %get3A_909 : vector<1x16xf32> to vector<16xf32>
        %mul3A_911 = arith.mulf %exp3A_856, %get3A_910 : vector<16xf32>
        %swap3A_912 = arith.index_cast %add3A_767 : i32 to index
        %swap3A_913 = arith.constant 56 : index
        %swap3A_914 = tpu.vector_load %arg18[%swap3A_912, %swap3A_913] {strides = array<i32>} : memref<48x128xf32, #tpu.memory_space<vmem>>, vector<1x16xf32>,
        %swap3A_915 = vector.shape_cast %swap3A_914 : vector<1x16xf32> to vector<16xf32>
        %swap3A_916 = vector.shape_cast %mul3A_911 : vector<16xf32> to vector<1x16xf32>
        tpu.vector_store %arg18[%swap3A_912, %swap3A_913], %swap3A_916 {strides = array<i32>} : memref<48x128xf32, #tpu.memory_space<vmem>>, vector<1x16xf32>,
        %get3A_917 = arith.index_cast %add3A_767 : i32 to index
        %get3A_918 = arith.constant 200 : index
        %get3A_919 = tpu.vector_load %arg16[%get3A_917, %get3A_918] {strides = array<i32>} : memref<48x256xf32, #tpu.memory_space<vmem>>, vector<1x16xf32>,
        %get3A_920 = vector.shape_cast %get3A_919 : vector<1x16xf32> to vector<16xf32>
        %mul3A_921 = arith.mulf %exp3A_853, %get3A_920 : vector<16xf32>
        %swap3A_922 = arith.index_cast %add3A_767 : i32 to index
        %swap3A_923 = arith.constant 72 : index
        %swap3A_924 = tpu.vector_load %arg18[%swap3A_922, %swap3A_923] {strides = array<i32>} : memref<48x128xf32, #tpu.memory_space<vmem>>, vector<1x16xf32>,
        %swap3A_925 = vector.shape_cast %swap3A_924 : vector<1x16xf32> to vector<16xf32>
        %swap3A_926 = vector.shape_cast %mul3A_921 : vector<16xf32> to vector<1x16xf32>
        tpu.vector_store %arg18[%swap3A_922, %swap3A_923], %swap3A_926 {strides = array<i32>} : memref<48x128xf32, #tpu.memory_space<vmem>>, vector<1x16xf32>,
        %get3A_927 = arith.index_cast %add3A_767 : i32 to index
        %get3A_928 = arith.constant 208 : index
        %get3A_929 = tpu.vector_load %arg16[%get3A_927, %get3A_928] {strides = array<i32>} : memref<48x256xf32, #tpu.memory_space<vmem>>, vector<1x16xf32>,
        %get3A_930 = vector.shape_cast %get3A_929 : vector<1x16xf32> to vector<16xf32>
        %mul3A_931 = arith.mulf %exp3A_856, %get3A_930 : vector<16xf32>
        %swap3A_932 = arith.index_cast %add3A_767 : i32 to index
        %swap3A_933 = arith.constant 80 : index
        %swap3A_934 = tpu.vector_load %arg18[%swap3A_932, %swap3A_933] {strides = array<i32>} : memref<48x128xf32, #tpu.memory_space<vmem>>, vector<1x16xf32>,
        %swap3A_935 = vector.shape_cast %swap3A_934 : vector<1x16xf32> to vector<16xf32>
        %swap3A_936 = vector.shape_cast %mul3A_931 : vector<16xf32> to vector<1x16xf32>
        tpu.vector_store %arg18[%swap3A_932, %swap3A_933], %swap3A_936 {strides = array<i32>} : memref<48x128xf32, #tpu.memory_space<vmem>>, vector<1x16xf32>,
        %swap3A_937 = arith.index_cast %add3A_767 : i32 to index
        %swap3A_938 = arith.constant 96 : index
        %swap3A_939 = tpu.vector_load %arg18[%swap3A_937, %swap3A_938] {strides = array<i32>} : memref<48x128xf32, #tpu.memory_space<vmem>>, vector<1x16xf32>,
        %swap3A_940 = vector.shape_cast %swap3A_939 : vector<1x16xf32> to vector<16xf32>
        %swap3A_941 = vector.shape_cast %exp3A_853 : vector<16xf32> to vector<1x16xf32>
        tpu.vector_store %arg18[%swap3A_937, %swap3A_938], %swap3A_941 {strides = array<i32>} : memref<48x128xf32, #tpu.memory_space<vmem>>, vector<1x16xf32>,
        %swap3A_942 = arith.index_cast %add3A_767 : i32 to index
        %swap3A_943 = arith.constant 104 : index
        %swap3A_944 = tpu.vector_load %arg18[%swap3A_942, %swap3A_943] {strides = array<i32>} : memref<48x128xf32, #tpu.memory_space<vmem>>, vector<1x16xf32>,
        %swap3A_945 = vector.shape_cast %swap3A_944 : vector<1x16xf32> to vector<16xf32>
        %swap3A_946 = vector.shape_cast %exp3A_856 : vector<16xf32> to vector<1x16xf32>
        tpu.vector_store %arg18[%swap3A_942, %swap3A_943], %swap3A_946 {strides = array<i32>} : memref<48x128xf32, #tpu.memory_space<vmem>>, vector<1x16xf32>,
      }
      %scan3A_564 = arith.constant 24 : i32
      "tpu.region"() ({
        %run_scoped3A = tpu.sem_alloc : memref<!tpu.dma_semaphore, #tpu.memory_space<semaphore_mem>>
        %dma_start3A_584 = arith.constant 0 : i32
        %dma_start3A_585 = arith.constant 0 : i32
        %dma_start3A_586 = tpu.memref_slice %arg20[%dma_start3A_584, %dma_start3A_585] : memref<10112x128xf32, #tpu.memory_space<vmem_shared>> -> memref<10112x128xf32, #tpu.memory_space<vmem_shared>>
        tpu.enqueue_indirect_dma source(%arg18 : memref<48x128xf32, #tpu.memory_space<vmem>>) target(%dma_start3A_586 : memref<10112x128xf32, #tpu.memory_space<vmem_shared>>) offsets(%arg10 : memref<48xi32, #tpu.memory_space<vmem>>) semaphore(%run_scoped3A : memref<!tpu.dma_semaphore, #tpu.memory_space<semaphore_mem>>) {add = true}
        %dma_wait3A_587 = arith.constant 0 : i32
        %dma_wait3A_588 = arith.constant 0 : i32
        %dma_wait3A_589 = tpu.memref_slice %arg20[%dma_wait3A_587, %dma_wait3A_588] : memref<10112x128xf32, #tpu.memory_space<vmem_shared>> -> memref<10112x128xf32, #tpu.memory_space<vmem_shared>>
        tpu.wait_indirect_dma semaphore(%run_scoped3A : memref<!tpu.dma_semaphore, #tpu.memory_space<semaphore_mem>>) src(%arg18 : memref<48x128xf32, #tpu.memory_space<vmem>>) dst(%dma_wait3A_589 : memref<10112x128xf32, #tpu.memory_space<vmem_shared>>)
        tpu.yield
      }) : () -> ()
      %add3A_565 = arith.constant 1 : i32
      %add3A_566 = arith.addi %scan3A_540, %add3A_565 : i32
      %lt3A_567 = arith.constant 53 : i32
      %lt3A_568 = arith.cmpi slt, %add3A_566, %lt3A_567 : i32
      %convert_element_type3A_569 = arith.extui %lt3A_568 : i1 to i32
      %cond3A_570 = arith.constant 0 : i32
      %cond3A_571 = arith.cmpi ne, %convert_element_type3A_569, %cond3A_570 : i32
      scf.if %cond3A_571 {
        %mul3A_584 = arith.constant 2 : i32
        %mul3A_585 = arith.muli %scan3A_540, %mul3A_584 : i32
        %add3A_586 = arith.constant 2 : i32
        %add3A_587 = arith.addi %mul3A_585, %add3A_586 : i32
        %mul3A_588 = arith.constant 48 : i32
        %mul3A_589 = arith.muli %add3A_587, %mul3A_588 : i32
        %add3A_590 = arith.addi %mul3A_523, %mul3A_589 : i32
        "tpu.region"() ({
          %run_scoped3A = tpu.sem_alloc : memref<!tpu.dma_semaphore, #tpu.memory_space<semaphore_mem>>
          %dma_start3A_597 = tpu.memref_slice %arg4[%add3A_590] : memref<162816xi32, #tpu.memory_space<hbm>> -> memref<48xi32, #tpu.memory_space<hbm>>
          %dma_start3A_598 = tpu.memref_slice %arg4[%add3A_590] : memref<162816xi32, #tpu.memory_space<hbm>> -> memref<48xi32, #tpu.memory_space<hbm>>
          tpu.enqueue_dma source(%dma_start3A_598 : memref<48xi32, #tpu.memory_space<hbm>>) target(%arg8 : memref<48xi32, #tpu.memory_space<vmem>>) target_semaphore(%run_scoped3A : memref<!tpu.dma_semaphore, #tpu.memory_space<semaphore_mem>>)
          %dma_wait3A_599 = tpu.memref_slice %arg4[%add3A_590] : memref<162816xi32, #tpu.memory_space<hbm>> -> memref<48xi32, #tpu.memory_space<hbm>>
          %dma_wait3A_600 = tpu.memref_slice %arg4[%add3A_590] : memref<162816xi32, #tpu.memory_space<hbm>> -> memref<48xi32, #tpu.memory_space<hbm>>
          tpu.wait_dma2 semaphore(%run_scoped3A : memref<!tpu.dma_semaphore, #tpu.memory_space<semaphore_mem>>) src(%dma_wait3A_600 : memref<48xi32, #tpu.memory_space<hbm>>) dst(%arg8 : memref<48xi32, #tpu.memory_space<vmem>>)
          tpu.yield
        }) : () -> ()
        "tpu.region"() ({
          %run_scoped3A = tpu.sem_alloc : memref<!tpu.dma_semaphore, #tpu.memory_space<semaphore_mem>>
          %dma_start3A_597 = tpu.memref_slice %arg5[%add3A_590] : memref<162816xi32, #tpu.memory_space<hbm>> -> memref<48xi32, #tpu.memory_space<hbm>>
          %dma_start3A_598 = tpu.memref_slice %arg5[%add3A_590] : memref<162816xi32, #tpu.memory_space<hbm>> -> memref<48xi32, #tpu.memory_space<hbm>>
          tpu.enqueue_dma source(%dma_start3A_598 : memref<48xi32, #tpu.memory_space<hbm>>) target(%arg10 : memref<48xi32, #tpu.memory_space<vmem>>) target_semaphore(%run_scoped3A : memref<!tpu.dma_semaphore, #tpu.memory_space<semaphore_mem>>)
          %dma_wait3A_599 = tpu.memref_slice %arg5[%add3A_590] : memref<162816xi32, #tpu.memory_space<hbm>> -> memref<48xi32, #tpu.memory_space<hbm>>
          %dma_wait3A_600 = tpu.memref_slice %arg5[%add3A_590] : memref<162816xi32, #tpu.memory_space<hbm>> -> memref<48xi32, #tpu.memory_space<hbm>>
          tpu.wait_dma2 semaphore(%run_scoped3A : memref<!tpu.dma_semaphore, #tpu.memory_space<semaphore_mem>>) src(%dma_wait3A_600 : memref<48xi32, #tpu.memory_space<hbm>>) dst(%arg10 : memref<48xi32, #tpu.memory_space<vmem>>)
          tpu.yield
        }) : () -> ()
        "tpu.region"() ({
          %run_scoped3A = tpu.sem_alloc : memref<!tpu.dma_semaphore, #tpu.memory_space<semaphore_mem>>
          %dma_start3A_597 = arith.constant 0 : i32
          %dma_start3A_598 = tpu.memref_slice %arg12[%dma_start3A_597] : memref<64xf32, #tpu.memory_space<vmem>> -> memref<48xf32, #tpu.memory_space<vmem>>
          %dma_start3A_599 = tpu.memref_slice %arg6[%add3A_590] : memref<162816xf32, #tpu.memory_space<hbm>> -> memref<48xf32, #tpu.memory_space<hbm>>
          %dma_start3A_600 = arith.constant 0 : i32
          %dma_start3A_601 = tpu.memref_slice %arg12[%dma_start3A_600] : memref<64xf32, #tpu.memory_space<vmem>> -> memref<48xf32, #tpu.memory_space<vmem>>
          %dma_start3A_602 = tpu.memref_slice %arg6[%add3A_590] : memref<162816xf32, #tpu.memory_space<hbm>> -> memref<48xf32, #tpu.memory_space<hbm>>
          tpu.enqueue_dma source(%dma_start3A_602 : memref<48xf32, #tpu.memory_space<hbm>>) target(%dma_start3A_601 : memref<48xf32, #tpu.memory_space<vmem>>) target_semaphore(%run_scoped3A : memref<!tpu.dma_semaphore, #tpu.memory_space<semaphore_mem>>)
          %dma_wait3A_603 = arith.constant 0 : i32
          %dma_wait3A_604 = tpu.memref_slice %arg12[%dma_wait3A_603] : memref<64xf32, #tpu.memory_space<vmem>> -> memref<48xf32, #tpu.memory_space<vmem>>
          %dma_wait3A_605 = tpu.memref_slice %arg6[%add3A_590] : memref<162816xf32, #tpu.memory_space<hbm>> -> memref<48xf32, #tpu.memory_space<hbm>>
          %dma_wait3A_606 = arith.constant 0 : i32
          %dma_wait3A_607 = tpu.memref_slice %arg12[%dma_wait3A_606] : memref<64xf32, #tpu.memory_space<vmem>> -> memref<48xf32, #tpu.memory_space<vmem>>
          %dma_wait3A_608 = tpu.memref_slice %arg6[%add3A_590] : memref<162816xf32, #tpu.memory_space<hbm>> -> memref<48xf32, #tpu.memory_space<hbm>>
          tpu.wait_dma2 semaphore(%run_scoped3A : memref<!tpu.dma_semaphore, #tpu.memory_space<semaphore_mem>>) src(%dma_wait3A_608 : memref<48xf32, #tpu.memory_space<hbm>>) dst(%dma_wait3A_607 : memref<48xf32, #tpu.memory_space<vmem>>)
          tpu.yield
        }) : () -> ()
        %dma_start3A_591 = arith.constant 0 : i32
        %dma_start3A_592 = arith.constant 0 : i32
        %dma_start3A_593 = tpu.memref_slice %arg2[%dma_start3A_591, %dma_start3A_592] : memref<10008x128xf32, #tpu.memory_space<hbm>> -> memref<10008x128xf32, #tpu.memory_space<hbm>>
        tpu.enqueue_indirect_dma source(%dma_start3A_593 : memref<10008x128xf32, #tpu.memory_space<hbm>>) target(%arg14 : memref<48x128xf32, #tpu.memory_space<vmem>>) offsets(%arg10 : memref<48xi32, #tpu.memory_space<vmem>>) semaphore(%arg21 : memref<!tpu.dma_semaphore, #tpu.memory_space<semaphore_mem>>)
        %dma_start3A_594 = arith.constant 0 : i32
        %dma_start3A_595 = arith.constant 0 : i32
        %dma_start3A_596 = tpu.memref_slice %arg3[%dma_start3A_594, %dma_start3A_595] : memref<10008x256xf32, #tpu.memory_space<hbm>> -> memref<10008x256xf32, #tpu.memory_space<hbm>>
        tpu.enqueue_indirect_dma source(%dma_start3A_596 : memref<10008x256xf32, #tpu.memory_space<hbm>>) target(%arg16 : memref<48x256xf32, #tpu.memory_space<vmem>>) offsets(%arg8 : memref<48xi32, #tpu.memory_space<vmem>>) semaphore(%arg21 : memref<!tpu.dma_semaphore, #tpu.memory_space<semaphore_mem>>)
      } else {
      }
      %dma_wait3A_572 = arith.constant 0 : i32
      %dma_wait3A_573 = arith.constant 0 : i32
      %dma_wait3A_574 = tpu.memref_slice %arg2[%dma_wait3A_572, %dma_wait3A_573] : memref<10008x128xf32, #tpu.memory_space<hbm>> -> memref<10008x128xf32, #tpu.memory_space<hbm>>
      tpu.wait_indirect_dma semaphore(%arg22 : memref<!tpu.dma_semaphore, #tpu.memory_space<semaphore_mem>>) src(%dma_wait3A_574 : memref<10008x128xf32, #tpu.memory_space<hbm>>) dst(%arg15 : memref<48x128xf32, #tpu.memory_space<vmem>>)
      %dma_wait3A_575 = arith.constant 0 : i32
      %dma_wait3A_576 = arith.constant 0 : i32
      %dma_wait3A_577 = tpu.memref_slice %arg3[%dma_wait3A_575, %dma_wait3A_576] : memref<10008x256xf32, #tpu.memory_space<hbm>> -> memref<10008x256xf32, #tpu.memory_space<hbm>>
      tpu.wait_indirect_dma semaphore(%arg22 : memref<!tpu.dma_semaphore, #tpu.memory_space<semaphore_mem>>) src(%dma_wait3A_577 : memref<10008x256xf32, #tpu.memory_space<hbm>>) dst(%arg17 : memref<48x256xf32, #tpu.memory_space<vmem>>)
      %scan3A_578 = arith.constant 0 : i32
      %scan3A_579 = arith.constant 0 : i32
      %scan3A_580 = arith.constant 24 : i32
      %scan3A_581 = arith.addi %scan3A_579, %scan3A_580 : i32
      %scan3A_582 = arith.constant 1 : i32
      scf.for %scan3A_584 = %scan3A_579 to %scan3A_581 step %scan3A_582  : i32 {
        %mul3A_585 = arith.constant 2 : i32
        %mul3A_586 = arith.muli %scan3A_584, %mul3A_585 : i32
        %add3A_587 = arith.constant 0 : i32
        %add3A_588 = arith.addi %mul3A_586, %add3A_587 : i32
        %get3A = arith.index_cast %add3A_588 : i32 to index
        %get3A_589 = tpu.vector_load %arg13[%get3A] {strides = array<i32>} : memref<64xf32, #tpu.memory_space<vmem>>, vector<16xf32>,
        %get3A_590 = vector.shape_cast %get3A_589 : vector<16xf32> to vector<16xf32>
        %slice3A = vector.extract_strided_slice %get3A_590 {offsets = [0], sizes = [1], strides = [1]} : vector<16xf32> to vector<1xf32>
        %squeeze3A = vector.extract %slice3A[0] : f32 from vector<1xf32>
        %get3A_591 = arith.index_cast %add3A_588 : i32 to index
        %get3A_592 = arith.constant 0 : index
        %get3A_593 = tpu.vector_load %arg15[%get3A_591, %get3A_592] {strides = array<i32>} : memref<48x128xf32, #tpu.memory_space<vmem>>, vector<1x16xf32>,
        %get3A_594 = vector.shape_cast %get3A_593 : vector<1x16xf32> to vector<16xf32>
        %get3A_595 = arith.index_cast %add3A_588 : i32 to index
        %get3A_596 = arith.constant 0 : index
        %get3A_597 = tpu.vector_load %arg17[%get3A_595, %get3A_596] {strides = array<i32>} : memref<48x256xf32, #tpu.memory_space<vmem>>, vector<1x16xf32>,
        %get3A_598 = vector.shape_cast %get3A_597 : vector<1x16xf32> to vector<16xf32>
        %mul3A_599 = arith.mulf %get3A_594, %get3A_598 : vector<16xf32>
        %get3A_600 = arith.index_cast %add3A_588 : i32 to index
        %get3A_601 = arith.constant 8 : index
        %get3A_602 = tpu.vector_load %arg15[%get3A_600, %get3A_601] {strides = array<i32>} : memref<48x128xf32, #tpu.memory_space<vmem>>, vector<1x16xf32>,
        %get3A_603 = vector.shape_cast %get3A_602 : vector<1x16xf32> to vector<16xf32>
        %get3A_604 = arith.index_cast %add3A_588 : i32 to index
        %get3A_605 = arith.constant 8 : index
        %get3A_606 = tpu.vector_load %arg17[%get3A_604, %get3A_605] {strides = array<i32>} : memref<48x256xf32, #tpu.memory_space<vmem>>, vector<1x16xf32>,
        %get3A_607 = vector.shape_cast %get3A_606 : vector<1x16xf32> to vector<16xf32>
        %mul3A_608 = arith.mulf %get3A_603, %get3A_607 : vector<16xf32>
        %get3A_609 = arith.index_cast %add3A_588 : i32 to index
        %get3A_610 = arith.constant 24 : index
        %get3A_611 = tpu.vector_load %arg15[%get3A_609, %get3A_610] {strides = array<i32>} : memref<48x128xf32, #tpu.memory_space<vmem>>, vector<1x16xf32>,
        %get3A_612 = vector.shape_cast %get3A_611 : vector<1x16xf32> to vector<16xf32>
        %get3A_613 = arith.index_cast %add3A_588 : i32 to index
        %get3A_614 = arith.constant 24 : index
        %get3A_615 = tpu.vector_load %arg17[%get3A_613, %get3A_614] {strides = array<i32>} : memref<48x256xf32, #tpu.memory_space<vmem>>, vector<1x16xf32>,
        %get3A_616 = vector.shape_cast %get3A_615 : vector<1x16xf32> to vector<16xf32>
        %mul3A_617 = arith.mulf %get3A_612, %get3A_616 : vector<16xf32>
        %add3A_618 = arith.addf %mul3A_599, %mul3A_617 : vector<16xf32>
        %get3A_619 = arith.index_cast %add3A_588 : i32 to index
        %get3A_620 = arith.constant 32 : index
        %get3A_621 = tpu.vector_load %arg15[%get3A_619, %get3A_620] {strides = array<i32>} : memref<48x128xf32, #tpu.memory_space<vmem>>, vector<1x16xf32>,
        %get3A_622 = vector.shape_cast %get3A_621 : vector<1x16xf32> to vector<16xf32>
        %get3A_623 = arith.index_cast %add3A_588 : i32 to index
        %get3A_624 = arith.constant 32 : index
        %get3A_625 = tpu.vector_load %arg17[%get3A_623, %get3A_624] {strides = array<i32>} : memref<48x256xf32, #tpu.memory_space<vmem>>, vector<1x16xf32>,
        %get3A_626 = vector.shape_cast %get3A_625 : vector<1x16xf32> to vector<16xf32>
        %mul3A_627 = arith.mulf %get3A_622, %get3A_626 : vector<16xf32>
        %add3A_628 = arith.addf %mul3A_608, %mul3A_627 : vector<16xf32>
        %get3A_629 = arith.index_cast %add3A_588 : i32 to index
        %get3A_630 = arith.constant 48 : index
        %get3A_631 = tpu.vector_load %arg15[%get3A_629, %get3A_630] {strides = array<i32>} : memref<48x128xf32, #tpu.memory_space<vmem>>, vector<1x16xf32>,
        %get3A_632 = vector.shape_cast %get3A_631 : vector<1x16xf32> to vector<16xf32>
        %get3A_633 = arith.index_cast %add3A_588 : i32 to index
        %get3A_634 = arith.constant 48 : index
        %get3A_635 = tpu.vector_load %arg17[%get3A_633, %get3A_634] {strides = array<i32>} : memref<48x256xf32, #tpu.memory_space<vmem>>, vector<1x16xf32>,
        %get3A_636 = vector.shape_cast %get3A_635 : vector<1x16xf32> to vector<16xf32>
        %mul3A_637 = arith.mulf %get3A_632, %get3A_636 : vector<16xf32>
        %add3A_638 = arith.addf %add3A_618, %mul3A_637 : vector<16xf32>
        %get3A_639 = arith.index_cast %add3A_588 : i32 to index
        %get3A_640 = arith.constant 56 : index
        %get3A_641 = tpu.vector_load %arg15[%get3A_639, %get3A_640] {strides = array<i32>} : memref<48x128xf32, #tpu.memory_space<vmem>>, vector<1x16xf32>,
        %get3A_642 = vector.shape_cast %get3A_641 : vector<1x16xf32> to vector<16xf32>
        %get3A_643 = arith.index_cast %add3A_588 : i32 to index
        %get3A_644 = arith.constant 56 : index
        %get3A_645 = tpu.vector_load %arg17[%get3A_643, %get3A_644] {strides = array<i32>} : memref<48x256xf32, #tpu.memory_space<vmem>>, vector<1x16xf32>,
        %get3A_646 = vector.shape_cast %get3A_645 : vector<1x16xf32> to vector<16xf32>
        %mul3A_647 = arith.mulf %get3A_642, %get3A_646 : vector<16xf32>
        %add3A_648 = arith.addf %add3A_628, %mul3A_647 : vector<16xf32>
        %get3A_649 = arith.index_cast %add3A_588 : i32 to index
        %get3A_650 = arith.constant 72 : index
        %get3A_651 = tpu.vector_load %arg15[%get3A_649, %get3A_650] {strides = array<i32>} : memref<48x128xf32, #tpu.memory_space<vmem>>, vector<1x16xf32>,
        %get3A_652 = vector.shape_cast %get3A_651 : vector<1x16xf32> to vector<16xf32>
        %get3A_653 = arith.index_cast %add3A_588 : i32 to index
        %get3A_654 = arith.constant 72 : index
        %get3A_655 = tpu.vector_load %arg17[%get3A_653, %get3A_654] {strides = array<i32>} : memref<48x256xf32, #tpu.memory_space<vmem>>, vector<1x16xf32>,
        %get3A_656 = vector.shape_cast %get3A_655 : vector<1x16xf32> to vector<16xf32>
        %mul3A_657 = arith.mulf %get3A_652, %get3A_656 : vector<16xf32>
        %add3A_658 = arith.addf %add3A_638, %mul3A_657 : vector<16xf32>
        %get3A_659 = arith.index_cast %add3A_588 : i32 to index
        %get3A_660 = arith.constant 80 : index
        %get3A_661 = tpu.vector_load %arg15[%get3A_659, %get3A_660] {strides = array<i32>} : memref<48x128xf32, #tpu.memory_space<vmem>>, vector<1x16xf32>,
        %get3A_662 = vector.shape_cast %get3A_661 : vector<1x16xf32> to vector<16xf32>
        %get3A_663 = arith.index_cast %add3A_588 : i32 to index
        %get3A_664 = arith.constant 80 : index
        %get3A_665 = tpu.vector_load %arg17[%get3A_663, %get3A_664] {strides = array<i32>} : memref<48x256xf32, #tpu.memory_space<vmem>>, vector<1x16xf32>,
        %get3A_666 = vector.shape_cast %get3A_665 : vector<1x16xf32> to vector<16xf32>
        %mul3A_667 = arith.mulf %get3A_662, %get3A_666 : vector<16xf32>
        %add3A_668 = arith.addf %add3A_648, %mul3A_667 : vector<16xf32>
        %mul3A_669 = vector.broadcast %squeeze3A : f32 to vector<16xf32>
        %mul3A_670 = arith.mulf %add3A_658, %mul3A_669 : vector<16xf32>
        %exp3A = math.exp %mul3A_670 : vector<16xf32>
        %mul3A_671 = vector.broadcast %squeeze3A : f32 to vector<16xf32>
        %mul3A_672 = arith.mulf %add3A_668, %mul3A_671 : vector<16xf32>
        %exp3A_673 = math.exp %mul3A_672 : vector<16xf32>
        %get3A_674 = arith.index_cast %add3A_588 : i32 to index
        %get3A_675 = arith.constant 128 : index
        %get3A_676 = tpu.vector_load %arg17[%get3A_674, %get3A_675] {strides = array<i32>} : memref<48x256xf32, #tpu.memory_space<vmem>>, vector<1x16xf32>,
        %get3A_677 = vector.shape_cast %get3A_676 : vector<1x16xf32> to vector<16xf32>
        %mul3A_678 = arith.mulf %exp3A, %get3A_677 : vector<16xf32>
        %swap3A_679 = arith.index_cast %add3A_588 : i32 to index
        %swap3A_680 = arith.constant 0 : index
        %swap3A_681 = tpu.vector_load %arg18[%swap3A_679, %swap3A_680] {strides = array<i32>} : memref<48x128xf32, #tpu.memory_space<vmem>>, vector<1x16xf32>,
        %swap3A_682 = vector.shape_cast %swap3A_681 : vector<1x16xf32> to vector<16xf32>
        %swap3A_683 = vector.shape_cast %mul3A_678 : vector<16xf32> to vector<1x16xf32>
        tpu.vector_store %arg18[%swap3A_679, %swap3A_680], %swap3A_683 {strides = array<i32>} : memref<48x128xf32, #tpu.memory_space<vmem>>, vector<1x16xf32>,
        %get3A_684 = arith.index_cast %add3A_588 : i32 to index
        %get3A_685 = arith.constant 136 : index
        %get3A_686 = tpu.vector_load %arg17[%get3A_684, %get3A_685] {strides = array<i32>} : memref<48x256xf32, #tpu.memory_space<vmem>>, vector<1x16xf32>,
        %get3A_687 = vector.shape_cast %get3A_686 : vector<1x16xf32> to vector<16xf32>
        %mul3A_688 = arith.mulf %exp3A_673, %get3A_687 : vector<16xf32>
        %swap3A_689 = arith.index_cast %add3A_588 : i32 to index
        %swap3A_690 = arith.constant 8 : index
        %swap3A_691 = tpu.vector_load %arg18[%swap3A_689, %swap3A_690] {strides = array<i32>} : memref<48x128xf32, #tpu.memory_space<vmem>>, vector<1x16xf32>,
        %swap3A_692 = vector.shape_cast %swap3A_691 : vector<1x16xf32> to vector<16xf32>
        %swap3A_693 = vector.shape_cast %mul3A_688 : vector<16xf32> to vector<1x16xf32>
        tpu.vector_store %arg18[%swap3A_689, %swap3A_690], %swap3A_693 {strides = array<i32>} : memref<48x128xf32, #tpu.memory_space<vmem>>, vector<1x16xf32>,
        %get3A_694 = arith.index_cast %add3A_588 : i32 to index
        %get3A_695 = arith.constant 152 : index
        %get3A_696 = tpu.vector_load %arg17[%get3A_694, %get3A_695] {strides = array<i32>} : memref<48x256xf32, #tpu.memory_space<vmem>>, vector<1x16xf32>,
        %get3A_697 = vector.shape_cast %get3A_696 : vector<1x16xf32> to vector<16xf32>
        %mul3A_698 = arith.mulf %exp3A, %get3A_697 : vector<16xf32>
        %swap3A_699 = arith.index_cast %add3A_588 : i32 to index
        %swap3A_700 = arith.constant 24 : index
        %swap3A_701 = tpu.vector_load %arg18[%swap3A_699, %swap3A_700] {strides = array<i32>} : memref<48x128xf32, #tpu.memory_space<vmem>>, vector<1x16xf32>,
        %swap3A_702 = vector.shape_cast %swap3A_701 : vector<1x16xf32> to vector<16xf32>
        %swap3A_703 = vector.shape_cast %mul3A_698 : vector<16xf32> to vector<1x16xf32>
        tpu.vector_store %arg18[%swap3A_699, %swap3A_700], %swap3A_703 {strides = array<i32>} : memref<48x128xf32, #tpu.memory_space<vmem>>, vector<1x16xf32>,
        %get3A_704 = arith.index_cast %add3A_588 : i32 to index
        %get3A_705 = arith.constant 160 : index
        %get3A_706 = tpu.vector_load %arg17[%get3A_704, %get3A_705] {strides = array<i32>} : memref<48x256xf32, #tpu.memory_space<vmem>>, vector<1x16xf32>,
        %get3A_707 = vector.shape_cast %get3A_706 : vector<1x16xf32> to vector<16xf32>
        %mul3A_708 = arith.mulf %exp3A_673, %get3A_707 : vector<16xf32>
        %swap3A_709 = arith.index_cast %add3A_588 : i32 to index
        %swap3A_710 = arith.constant 32 : index
        %swap3A_711 = tpu.vector_load %arg18[%swap3A_709, %swap3A_710] {strides = array<i32>} : memref<48x128xf32, #tpu.memory_space<vmem>>, vector<1x16xf32>,
        %swap3A_712 = vector.shape_cast %swap3A_711 : vector<1x16xf32> to vector<16xf32>
        %swap3A_713 = vector.shape_cast %mul3A_708 : vector<16xf32> to vector<1x16xf32>
        tpu.vector_store %arg18[%swap3A_709, %swap3A_710], %swap3A_713 {strides = array<i32>} : memref<48x128xf32, #tpu.memory_space<vmem>>, vector<1x16xf32>,
        %get3A_714 = arith.index_cast %add3A_588 : i32 to index
        %get3A_715 = arith.constant 176 : index
        %get3A_716 = tpu.vector_load %arg17[%get3A_714, %get3A_715] {strides = array<i32>} : memref<48x256xf32, #tpu.memory_space<vmem>>, vector<1x16xf32>,
        %get3A_717 = vector.shape_cast %get3A_716 : vector<1x16xf32> to vector<16xf32>
        %mul3A_718 = arith.mulf %exp3A, %get3A_717 : vector<16xf32>
        %swap3A_719 = arith.index_cast %add3A_588 : i32 to index
        %swap3A_720 = arith.constant 48 : index
        %swap3A_721 = tpu.vector_load %arg18[%swap3A_719, %swap3A_720] {strides = array<i32>} : memref<48x128xf32, #tpu.memory_space<vmem>>, vector<1x16xf32>,
        %swap3A_722 = vector.shape_cast %swap3A_721 : vector<1x16xf32> to vector<16xf32>
        %swap3A_723 = vector.shape_cast %mul3A_718 : vector<16xf32> to vector<1x16xf32>
        tpu.vector_store %arg18[%swap3A_719, %swap3A_720], %swap3A_723 {strides = array<i32>} : memref<48x128xf32, #tpu.memory_space<vmem>>, vector<1x16xf32>,
        %get3A_724 = arith.index_cast %add3A_588 : i32 to index
        %get3A_725 = arith.constant 184 : index
        %get3A_726 = tpu.vector_load %arg17[%get3A_724, %get3A_725] {strides = array<i32>} : memref<48x256xf32, #tpu.memory_space<vmem>>, vector<1x16xf32>,
        %get3A_727 = vector.shape_cast %get3A_726 : vector<1x16xf32> to vector<16xf32>
        %mul3A_728 = arith.mulf %exp3A_673, %get3A_727 : vector<16xf32>
        %swap3A_729 = arith.index_cast %add3A_588 : i32 to index
        %swap3A_730 = arith.constant 56 : index
        %swap3A_731 = tpu.vector_load %arg18[%swap3A_729, %swap3A_730] {strides = array<i32>} : memref<48x128xf32, #tpu.memory_space<vmem>>, vector<1x16xf32>,
        %swap3A_732 = vector.shape_cast %swap3A_731 : vector<1x16xf32> to vector<16xf32>
        %swap3A_733 = vector.shape_cast %mul3A_728 : vector<16xf32> to vector<1x16xf32>
        tpu.vector_store %arg18[%swap3A_729, %swap3A_730], %swap3A_733 {strides = array<i32>} : memref<48x128xf32, #tpu.memory_space<vmem>>, vector<1x16xf32>,
        %get3A_734 = arith.index_cast %add3A_588 : i32 to index
        %get3A_735 = arith.constant 200 : index
        %get3A_736 = tpu.vector_load %arg17[%get3A_734, %get3A_735] {strides = array<i32>} : memref<48x256xf32, #tpu.memory_space<vmem>>, vector<1x16xf32>,
        %get3A_737 = vector.shape_cast %get3A_736 : vector<1x16xf32> to vector<16xf32>
        %mul3A_738 = arith.mulf %exp3A, %get3A_737 : vector<16xf32>
        %swap3A_739 = arith.index_cast %add3A_588 : i32 to index
        %swap3A_740 = arith.constant 72 : index
        %swap3A_741 = tpu.vector_load %arg18[%swap3A_739, %swap3A_740] {strides = array<i32>} : memref<48x128xf32, #tpu.memory_space<vmem>>, vector<1x16xf32>,
        %swap3A_742 = vector.shape_cast %swap3A_741 : vector<1x16xf32> to vector<16xf32>
        %swap3A_743 = vector.shape_cast %mul3A_738 : vector<16xf32> to vector<1x16xf32>
        tpu.vector_store %arg18[%swap3A_739, %swap3A_740], %swap3A_743 {strides = array<i32>} : memref<48x128xf32, #tpu.memory_space<vmem>>, vector<1x16xf32>,
        %get3A_744 = arith.index_cast %add3A_588 : i32 to index
        %get3A_745 = arith.constant 208 : index
        %get3A_746 = tpu.vector_load %arg17[%get3A_744, %get3A_745] {strides = array<i32>} : memref<48x256xf32, #tpu.memory_space<vmem>>, vector<1x16xf32>,
        %get3A_747 = vector.shape_cast %get3A_746 : vector<1x16xf32> to vector<16xf32>
        %mul3A_748 = arith.mulf %exp3A_673, %get3A_747 : vector<16xf32>
        %swap3A_749 = arith.index_cast %add3A_588 : i32 to index
        %swap3A_750 = arith.constant 80 : index
        %swap3A_751 = tpu.vector_load %arg18[%swap3A_749, %swap3A_750] {strides = array<i32>} : memref<48x128xf32, #tpu.memory_space<vmem>>, vector<1x16xf32>,
        %swap3A_752 = vector.shape_cast %swap3A_751 : vector<1x16xf32> to vector<16xf32>
        %swap3A_753 = vector.shape_cast %mul3A_748 : vector<16xf32> to vector<1x16xf32>
        tpu.vector_store %arg18[%swap3A_749, %swap3A_750], %swap3A_753 {strides = array<i32>} : memref<48x128xf32, #tpu.memory_space<vmem>>, vector<1x16xf32>,
        %swap3A_754 = arith.index_cast %add3A_588 : i32 to index
        %swap3A_755 = arith.constant 96 : index
        %swap3A_756 = tpu.vector_load %arg18[%swap3A_754, %swap3A_755] {strides = array<i32>} : memref<48x128xf32, #tpu.memory_space<vmem>>, vector<1x16xf32>,
        %swap3A_757 = vector.shape_cast %swap3A_756 : vector<1x16xf32> to vector<16xf32>
        %swap3A_758 = vector.shape_cast %exp3A : vector<16xf32> to vector<1x16xf32>
        tpu.vector_store %arg18[%swap3A_754, %swap3A_755], %swap3A_758 {strides = array<i32>} : memref<48x128xf32, #tpu.memory_space<vmem>>, vector<1x16xf32>,
        %swap3A_759 = arith.index_cast %add3A_588 : i32 to index
        %swap3A_760 = arith.constant 104 : index
        %swap3A_761 = tpu.vector_load %arg18[%swap3A_759, %swap3A_760] {strides = array<i32>} : memref<48x128xf32, #tpu.memory_space<vmem>>, vector<1x16xf32>,
        %swap3A_762 = vector.shape_cast %swap3A_761 : vector<1x16xf32> to vector<16xf32>
        %swap3A_763 = vector.shape_cast %exp3A_673 : vector<16xf32> to vector<1x16xf32>
        tpu.vector_store %arg18[%swap3A_759, %swap3A_760], %swap3A_763 {strides = array<i32>} : memref<48x128xf32, #tpu.memory_space<vmem>>, vector<1x16xf32>,
        %mul3A_764 = arith.constant 2 : i32
        %mul3A_765 = arith.muli %scan3A_584, %mul3A_764 : i32
        %add3A_766 = arith.constant 1 : i32
        %add3A_767 = arith.addi %mul3A_765, %add3A_766 : i32
        %get3A_768 = arith.index_cast %add3A_767 : i32 to index
        %get3A_769 = tpu.vector_load %arg13[%get3A_768] {strides = array<i32>} : memref<64xf32, #tpu.memory_space<vmem>>, vector<16xf32>,
        %get3A_770 = vector.shape_cast %get3A_769 : vector<16xf32> to vector<16xf32>
        %slice3A_771 = vector.extract_strided_slice %get3A_770 {offsets = [0], sizes = [1], strides = [1]} : vector<16xf32> to vector<1xf32>
        %squeeze3A_772 = vector.extract %slice3A_771[0] : f32 from vector<1xf32>
        %get3A_773 = arith.index_cast %add3A_767 : i32 to index
        %get3A_774 = arith.constant 0 : index
        %get3A_775 = tpu.vector_load %arg15[%get3A_773, %get3A_774] {strides = array<i32>} : memref<48x128xf32, #tpu.memory_space<vmem>>, vector<1x16xf32>,
        %get3A_776 = vector.shape_cast %get3A_775 : vector<1x16xf32> to vector<16xf32>
        %get3A_777 = arith.index_cast %add3A_767 : i32 to index
        %get3A_778 = arith.constant 0 : index
        %get3A_779 = tpu.vector_load %arg17[%get3A_777, %get3A_778] {strides = array<i32>} : memref<48x256xf32, #tpu.memory_space<vmem>>, vector<1x16xf32>,
        %get3A_780 = vector.shape_cast %get3A_779 : vector<1x16xf32> to vector<16xf32>
        %mul3A_781 = arith.mulf %get3A_776, %get3A_780 : vector<16xf32>
        %get3A_782 = arith.index_cast %add3A_767 : i32 to index
        %get3A_783 = arith.constant 8 : index
        %get3A_784 = tpu.vector_load %arg15[%get3A_782, %get3A_783] {strides = array<i32>} : memref<48x128xf32, #tpu.memory_space<vmem>>, vector<1x16xf32>,
        %get3A_785 = vector.shape_cast %get3A_784 : vector<1x16xf32> to vector<16xf32>
        %get3A_786 = arith.index_cast %add3A_767 : i32 to index
        %get3A_787 = arith.constant 8 : index
        %get3A_788 = tpu.vector_load %arg17[%get3A_786, %get3A_787] {strides = array<i32>} : memref<48x256xf32, #tpu.memory_space<vmem>>, vector<1x16xf32>,
        %get3A_789 = vector.shape_cast %get3A_788 : vector<1x16xf32> to vector<16xf32>
        %mul3A_790 = arith.mulf %get3A_785, %get3A_789 : vector<16xf32>
        %get3A_791 = arith.index_cast %add3A_767 : i32 to index
        %get3A_792 = arith.constant 24 : index
        %get3A_793 = tpu.vector_load %arg15[%get3A_791, %get3A_792] {strides = array<i32>} : memref<48x128xf32, #tpu.memory_space<vmem>>, vector<1x16xf32>,
        %get3A_794 = vector.shape_cast %get3A_793 : vector<1x16xf32> to vector<16xf32>
        %get3A_795 = arith.index_cast %add3A_767 : i32 to index
        %get3A_796 = arith.constant 24 : index
        %get3A_797 = tpu.vector_load %arg17[%get3A_795, %get3A_796] {strides = array<i32>} : memref<48x256xf32, #tpu.memory_space<vmem>>, vector<1x16xf32>,
        %get3A_798 = vector.shape_cast %get3A_797 : vector<1x16xf32> to vector<16xf32>
        %mul3A_799 = arith.mulf %get3A_794, %get3A_798 : vector<16xf32>
        %add3A_800 = arith.addf %mul3A_781, %mul3A_799 : vector<16xf32>
        %get3A_801 = arith.index_cast %add3A_767 : i32 to index
        %get3A_802 = arith.constant 32 : index
        %get3A_803 = tpu.vector_load %arg15[%get3A_801, %get3A_802] {strides = array<i32>} : memref<48x128xf32, #tpu.memory_space<vmem>>, vector<1x16xf32>,
        %get3A_804 = vector.shape_cast %get3A_803 : vector<1x16xf32> to vector<16xf32>
        %get3A_805 = arith.index_cast %add3A_767 : i32 to index
        %get3A_806 = arith.constant 32 : index
        %get3A_807 = tpu.vector_load %arg17[%get3A_805, %get3A_806] {strides = array<i32>} : memref<48x256xf32, #tpu.memory_space<vmem>>, vector<1x16xf32>,
        %get3A_808 = vector.shape_cast %get3A_807 : vector<1x16xf32> to vector<16xf32>
        %mul3A_809 = arith.mulf %get3A_804, %get3A_808 : vector<16xf32>
        %add3A_810 = arith.addf %mul3A_790, %mul3A_809 : vector<16xf32>
        %get3A_811 = arith.index_cast %add3A_767 : i32 to index
        %get3A_812 = arith.constant 48 : index
        %get3A_813 = tpu.vector_load %arg15[%get3A_811, %get3A_812] {strides = array<i32>} : memref<48x128xf32, #tpu.memory_space<vmem>>, vector<1x16xf32>,
        %get3A_814 = vector.shape_cast %get3A_813 : vector<1x16xf32> to vector<16xf32>
        %get3A_815 = arith.index_cast %add3A_767 : i32 to index
        %get3A_816 = arith.constant 48 : index
        %get3A_817 = tpu.vector_load %arg17[%get3A_815, %get3A_816] {strides = array<i32>} : memref<48x256xf32, #tpu.memory_space<vmem>>, vector<1x16xf32>,
        %get3A_818 = vector.shape_cast %get3A_817 : vector<1x16xf32> to vector<16xf32>
        %mul3A_819 = arith.mulf %get3A_814, %get3A_818 : vector<16xf32>
        %add3A_820 = arith.addf %add3A_800, %mul3A_819 : vector<16xf32>
        %get3A_821 = arith.index_cast %add3A_767 : i32 to index
        %get3A_822 = arith.constant 56 : index
        %get3A_823 = tpu.vector_load %arg15[%get3A_821, %get3A_822] {strides = array<i32>} : memref<48x128xf32, #tpu.memory_space<vmem>>, vector<1x16xf32>,
        %get3A_824 = vector.shape_cast %get3A_823 : vector<1x16xf32> to vector<16xf32>
        %get3A_825 = arith.index_cast %add3A_767 : i32 to index
        %get3A_826 = arith.constant 56 : index
        %get3A_827 = tpu.vector_load %arg17[%get3A_825, %get3A_826] {strides = array<i32>} : memref<48x256xf32, #tpu.memory_space<vmem>>, vector<1x16xf32>,
        %get3A_828 = vector.shape_cast %get3A_827 : vector<1x16xf32> to vector<16xf32>
        %mul3A_829 = arith.mulf %get3A_824, %get3A_828 : vector<16xf32>
        %add3A_830 = arith.addf %add3A_810, %mul3A_829 : vector<16xf32>
        %get3A_831 = arith.index_cast %add3A_767 : i32 to index
        %get3A_832 = arith.constant 72 : index
        %get3A_833 = tpu.vector_load %arg15[%get3A_831, %get3A_832] {strides = array<i32>} : memref<48x128xf32, #tpu.memory_space<vmem>>, vector<1x16xf32>,
        %get3A_834 = vector.shape_cast %get3A_833 : vector<1x16xf32> to vector<16xf32>
        %get3A_835 = arith.index_cast %add3A_767 : i32 to index
        %get3A_836 = arith.constant 72 : index
        %get3A_837 = tpu.vector_load %arg17[%get3A_835, %get3A_836] {strides = array<i32>} : memref<48x256xf32, #tpu.memory_space<vmem>>, vector<1x16xf32>,
        %get3A_838 = vector.shape_cast %get3A_837 : vector<1x16xf32> to vector<16xf32>
        %mul3A_839 = arith.mulf %get3A_834, %get3A_838 : vector<16xf32>
        %add3A_840 = arith.addf %add3A_820, %mul3A_839 : vector<16xf32>
        %get3A_841 = arith.index_cast %add3A_767 : i32 to index
        %get3A_842 = arith.constant 80 : index
        %get3A_843 = tpu.vector_load %arg15[%get3A_841, %get3A_842] {strides = array<i32>} : memref<48x128xf32, #tpu.memory_space<vmem>>, vector<1x16xf32>,
        %get3A_844 = vector.shape_cast %get3A_843 : vector<1x16xf32> to vector<16xf32>
        %get3A_845 = arith.index_cast %add3A_767 : i32 to index
        %get3A_846 = arith.constant 80 : index
        %get3A_847 = tpu.vector_load %arg17[%get3A_845, %get3A_846] {strides = array<i32>} : memref<48x256xf32, #tpu.memory_space<vmem>>, vector<1x16xf32>,
        %get3A_848 = vector.shape_cast %get3A_847 : vector<1x16xf32> to vector<16xf32>
        %mul3A_849 = arith.mulf %get3A_844, %get3A_848 : vector<16xf32>
        %add3A_850 = arith.addf %add3A_830, %mul3A_849 : vector<16xf32>
        %mul3A_851 = vector.broadcast %squeeze3A_772 : f32 to vector<16xf32>
        %mul3A_852 = arith.mulf %add3A_840, %mul3A_851 : vector<16xf32>
        %exp3A_853 = math.exp %mul3A_852 : vector<16xf32>
        %mul3A_854 = vector.broadcast %squeeze3A_772 : f32 to vector<16xf32>
        %mul3A_855 = arith.mulf %add3A_850, %mul3A_854 : vector<16xf32>
        %exp3A_856 = math.exp %mul3A_855 : vector<16xf32>
        %get3A_857 = arith.index_cast %add3A_767 : i32 to index
        %get3A_858 = arith.constant 128 : index
        %get3A_859 = tpu.vector_load %arg17[%get3A_857, %get3A_858] {strides = array<i32>} : memref<48x256xf32, #tpu.memory_space<vmem>>, vector<1x16xf32>,
        %get3A_860 = vector.shape_cast %get3A_859 : vector<1x16xf32> to vector<16xf32>
        %mul3A_861 = arith.mulf %exp3A_853, %get3A_860 : vector<16xf32>
        %swap3A_862 = arith.index_cast %add3A_767 : i32 to index
        %swap3A_863 = arith.constant 0 : index
        %swap3A_864 = tpu.vector_load %arg18[%swap3A_862, %swap3A_863] {strides = array<i32>} : memref<48x128xf32, #tpu.memory_space<vmem>>, vector<1x16xf32>,
        %swap3A_865 = vector.shape_cast %swap3A_864 : vector<1x16xf32> to vector<16xf32>
        %swap3A_866 = vector.shape_cast %mul3A_861 : vector<16xf32> to vector<1x16xf32>
        tpu.vector_store %arg18[%swap3A_862, %swap3A_863], %swap3A_866 {strides = array<i32>} : memref<48x128xf32, #tpu.memory_space<vmem>>, vector<1x16xf32>,
        %get3A_867 = arith.index_cast %add3A_767 : i32 to index
        %get3A_868 = arith.constant 136 : index
        %get3A_869 = tpu.vector_load %arg17[%get3A_867, %get3A_868] {strides = array<i32>} : memref<48x256xf32, #tpu.memory_space<vmem>>, vector<1x16xf32>,
        %get3A_870 = vector.shape_cast %get3A_869 : vector<1x16xf32> to vector<16xf32>
        %mul3A_871 = arith.mulf %exp3A_856, %get3A_870 : vector<16xf32>
        %swap3A_872 = arith.index_cast %add3A_767 : i32 to index
        %swap3A_873 = arith.constant 8 : index
        %swap3A_874 = tpu.vector_load %arg18[%swap3A_872, %swap3A_873] {strides = array<i32>} : memref<48x128xf32, #tpu.memory_space<vmem>>, vector<1x16xf32>,
        %swap3A_875 = vector.shape_cast %swap3A_874 : vector<1x16xf32> to vector<16xf32>
        %swap3A_876 = vector.shape_cast %mul3A_871 : vector<16xf32> to vector<1x16xf32>
        tpu.vector_store %arg18[%swap3A_872, %swap3A_873], %swap3A_876 {strides = array<i32>} : memref<48x128xf32, #tpu.memory_space<vmem>>, vector<1x16xf32>,
        %get3A_877 = arith.index_cast %add3A_767 : i32 to index
        %get3A_878 = arith.constant 152 : index
        %get3A_879 = tpu.vector_load %arg17[%get3A_877, %get3A_878] {strides = array<i32>} : memref<48x256xf32, #tpu.memory_space<vmem>>, vector<1x16xf32>,
        %get3A_880 = vector.shape_cast %get3A_879 : vector<1x16xf32> to vector<16xf32>
        %mul3A_881 = arith.mulf %exp3A_853, %get3A_880 : vector<16xf32>
        %swap3A_882 = arith.index_cast %add3A_767 : i32 to index
        %swap3A_883 = arith.constant 24 : index
        %swap3A_884 = tpu.vector_load %arg18[%swap3A_882, %swap3A_883] {strides = array<i32>} : memref<48x128xf32, #tpu.memory_space<vmem>>, vector<1x16xf32>,
        %swap3A_885 = vector.shape_cast %swap3A_884 : vector<1x16xf32> to vector<16xf32>
        %swap3A_886 = vector.shape_cast %mul3A_881 : vector<16xf32> to vector<1x16xf32>
        tpu.vector_store %arg18[%swap3A_882, %swap3A_883], %swap3A_886 {strides = array<i32>} : memref<48x128xf32, #tpu.memory_space<vmem>>, vector<1x16xf32>,
        %get3A_887 = arith.index_cast %add3A_767 : i32 to index
        %get3A_888 = arith.constant 160 : index
        %get3A_889 = tpu.vector_load %arg17[%get3A_887, %get3A_888] {strides = array<i32>} : memref<48x256xf32, #tpu.memory_space<vmem>>, vector<1x16xf32>,
        %get3A_890 = vector.shape_cast %get3A_889 : vector<1x16xf32> to vector<16xf32>
        %mul3A_891 = arith.mulf %exp3A_856, %get3A_890 : vector<16xf32>
        %swap3A_892 = arith.index_cast %add3A_767 : i32 to index
        %swap3A_893 = arith.constant 32 : index
        %swap3A_894 = tpu.vector_load %arg18[%swap3A_892, %swap3A_893] {strides = array<i32>} : memref<48x128xf32, #tpu.memory_space<vmem>>, vector<1x16xf32>,
        %swap3A_895 = vector.shape_cast %swap3A_894 : vector<1x16xf32> to vector<16xf32>
        %swap3A_896 = vector.shape_cast %mul3A_891 : vector<16xf32> to vector<1x16xf32>
        tpu.vector_store %arg18[%swap3A_892, %swap3A_893], %swap3A_896 {strides = array<i32>} : memref<48x128xf32, #tpu.memory_space<vmem>>, vector<1x16xf32>,
        %get3A_897 = arith.index_cast %add3A_767 : i32 to index
        %get3A_898 = arith.constant 176 : index
        %get3A_899 = tpu.vector_load %arg17[%get3A_897, %get3A_898] {strides = array<i32>} : memref<48x256xf32, #tpu.memory_space<vmem>>, vector<1x16xf32>,
        %get3A_900 = vector.shape_cast %get3A_899 : vector<1x16xf32> to vector<16xf32>
        %mul3A_901 = arith.mulf %exp3A_853, %get3A_900 : vector<16xf32>
        %swap3A_902 = arith.index_cast %add3A_767 : i32 to index
        %swap3A_903 = arith.constant 48 : index
        %swap3A_904 = tpu.vector_load %arg18[%swap3A_902, %swap3A_903] {strides = array<i32>} : memref<48x128xf32, #tpu.memory_space<vmem>>, vector<1x16xf32>,
        %swap3A_905 = vector.shape_cast %swap3A_904 : vector<1x16xf32> to vector<16xf32>
        %swap3A_906 = vector.shape_cast %mul3A_901 : vector<16xf32> to vector<1x16xf32>
        tpu.vector_store %arg18[%swap3A_902, %swap3A_903], %swap3A_906 {strides = array<i32>} : memref<48x128xf32, #tpu.memory_space<vmem>>, vector<1x16xf32>,
        %get3A_907 = arith.index_cast %add3A_767 : i32 to index
        %get3A_908 = arith.constant 184 : index
        %get3A_909 = tpu.vector_load %arg17[%get3A_907, %get3A_908] {strides = array<i32>} : memref<48x256xf32, #tpu.memory_space<vmem>>, vector<1x16xf32>,
        %get3A_910 = vector.shape_cast %get3A_909 : vector<1x16xf32> to vector<16xf32>
        %mul3A_911 = arith.mulf %exp3A_856, %get3A_910 : vector<16xf32>
        %swap3A_912 = arith.index_cast %add3A_767 : i32 to index
        %swap3A_913 = arith.constant 56 : index
        %swap3A_914 = tpu.vector_load %arg18[%swap3A_912, %swap3A_913] {strides = array<i32>} : memref<48x128xf32, #tpu.memory_space<vmem>>, vector<1x16xf32>,
        %swap3A_915 = vector.shape_cast %swap3A_914 : vector<1x16xf32> to vector<16xf32>
        %swap3A_916 = vector.shape_cast %mul3A_911 : vector<16xf32> to vector<1x16xf32>
        tpu.vector_store %arg18[%swap3A_912, %swap3A_913], %swap3A_916 {strides = array<i32>} : memref<48x128xf32, #tpu.memory_space<vmem>>, vector<1x16xf32>,
        %get3A_917 = arith.index_cast %add3A_767 : i32 to index
        %get3A_918 = arith.constant 200 : index
        %get3A_919 = tpu.vector_load %arg17[%get3A_917, %get3A_918] {strides = array<i32>} : memref<48x256xf32, #tpu.memory_space<vmem>>, vector<1x16xf32>,
        %get3A_920 = vector.shape_cast %get3A_919 : vector<1x16xf32> to vector<16xf32>
        %mul3A_921 = arith.mulf %exp3A_853, %get3A_920 : vector<16xf32>
        %swap3A_922 = arith.index_cast %add3A_767 : i32 to index
        %swap3A_923 = arith.constant 72 : index
        %swap3A_924 = tpu.vector_load %arg18[%swap3A_922, %swap3A_923] {strides = array<i32>} : memref<48x128xf32, #tpu.memory_space<vmem>>, vector<1x16xf32>,
        %swap3A_925 = vector.shape_cast %swap3A_924 : vector<1x16xf32> to vector<16xf32>
        %swap3A_926 = vector.shape_cast %mul3A_921 : vector<16xf32> to vector<1x16xf32>
        tpu.vector_store %arg18[%swap3A_922, %swap3A_923], %swap3A_926 {strides = array<i32>} : memref<48x128xf32, #tpu.memory_space<vmem>>, vector<1x16xf32>,
        %get3A_927 = arith.index_cast %add3A_767 : i32 to index
        %get3A_928 = arith.constant 208 : index
        %get3A_929 = tpu.vector_load %arg17[%get3A_927, %get3A_928] {strides = array<i32>} : memref<48x256xf32, #tpu.memory_space<vmem>>, vector<1x16xf32>,
        %get3A_930 = vector.shape_cast %get3A_929 : vector<1x16xf32> to vector<16xf32>
        %mul3A_931 = arith.mulf %exp3A_856, %get3A_930 : vector<16xf32>
        %swap3A_932 = arith.index_cast %add3A_767 : i32 to index
        %swap3A_933 = arith.constant 80 : index
        %swap3A_934 = tpu.vector_load %arg18[%swap3A_932, %swap3A_933] {strides = array<i32>} : memref<48x128xf32, #tpu.memory_space<vmem>>, vector<1x16xf32>,
        %swap3A_935 = vector.shape_cast %swap3A_934 : vector<1x16xf32> to vector<16xf32>
        %swap3A_936 = vector.shape_cast %mul3A_931 : vector<16xf32> to vector<1x16xf32>
        tpu.vector_store %arg18[%swap3A_932, %swap3A_933], %swap3A_936 {strides = array<i32>} : memref<48x128xf32, #tpu.memory_space<vmem>>, vector<1x16xf32>,
        %swap3A_937 = arith.index_cast %add3A_767 : i32 to index
        %swap3A_938 = arith.constant 96 : index
        %swap3A_939 = tpu.vector_load %arg18[%swap3A_937, %swap3A_938] {strides = array<i32>} : memref<48x128xf32, #tpu.memory_space<vmem>>, vector<1x16xf32>,
        %swap3A_940 = vector.shape_cast %swap3A_939 : vector<1x16xf32> to vector<16xf32>
        %swap3A_941 = vector.shape_cast %exp3A_853 : vector<16xf32> to vector<1x16xf32>
        tpu.vector_store %arg18[%swap3A_937, %swap3A_938], %swap3A_941 {strides = array<i32>} : memref<48x128xf32, #tpu.memory_space<vmem>>, vector<1x16xf32>,
        %swap3A_942 = arith.index_cast %add3A_767 : i32 to index
        %swap3A_943 = arith.constant 104 : index
        %swap3A_944 = tpu.vector_load %arg18[%swap3A_942, %swap3A_943] {strides = array<i32>} : memref<48x128xf32, #tpu.memory_space<vmem>>, vector<1x16xf32>,
        %swap3A_945 = vector.shape_cast %swap3A_944 : vector<1x16xf32> to vector<16xf32>
        %swap3A_946 = vector.shape_cast %exp3A_856 : vector<16xf32> to vector<1x16xf32>
        tpu.vector_store %arg18[%swap3A_942, %swap3A_943], %swap3A_946 {strides = array<i32>} : memref<48x128xf32, #tpu.memory_space<vmem>>, vector<1x16xf32>,
      }
      %scan3A_583 = arith.constant 24 : i32
      "tpu.region"() ({
        %run_scoped3A = tpu.sem_alloc : memref<!tpu.dma_semaphore, #tpu.memory_space<semaphore_mem>>
        %dma_start3A_584 = arith.constant 0 : i32
        %dma_start3A_585 = arith.constant 0 : i32
        %dma_start3A_586 = tpu.memref_slice %arg20[%dma_start3A_584, %dma_start3A_585] : memref<10112x128xf32, #tpu.memory_space<vmem_shared>> -> memref<10112x128xf32, #tpu.memory_space<vmem_shared>>
        tpu.enqueue_indirect_dma source(%arg18 : memref<48x128xf32, #tpu.memory_space<vmem>>) target(%dma_start3A_586 : memref<10112x128xf32, #tpu.memory_space<vmem_shared>>) offsets(%arg11 : memref<48xi32, #tpu.memory_space<vmem>>) semaphore(%run_scoped3A : memref<!tpu.dma_semaphore, #tpu.memory_space<semaphore_mem>>) {add = true}
        %dma_wait3A_587 = arith.constant 0 : i32
        %dma_wait3A_588 = arith.constant 0 : i32
        %dma_wait3A_589 = tpu.memref_slice %arg20[%dma_wait3A_587, %dma_wait3A_588] : memref<10112x128xf32, #tpu.memory_space<vmem_shared>> -> memref<10112x128xf32, #tpu.memory_space<vmem_shared>>
        tpu.wait_indirect_dma semaphore(%run_scoped3A : memref<!tpu.dma_semaphore, #tpu.memory_space<semaphore_mem>>) src(%arg18 : memref<48x128xf32, #tpu.memory_space<vmem>>) dst(%dma_wait3A_589 : memref<10112x128xf32, #tpu.memory_space<vmem_shared>>)
        tpu.yield
      }) : () -> ()
    }
    %scan3A_536 = arith.constant 53 : i32
    %barrier3A_537 = arith.constant 0 : index
    tpu.barrier barrier_id(%barrier3A_537)
    %lt3A = arith.constant 10 : i32
    %lt3A_538 = arith.cmpi slt, %arg1, %lt3A : i32
    %convert_element_type3A = arith.extui %lt3A_538 : i1 to i32
    %cond3A = arith.constant 0 : i32
    %cond3A_539 = arith.cmpi ne, %convert_element_type3A, %cond3A : i32
    scf.if %cond3A_539 {
      %mul3A_540 = arith.constant 1000 : i32
      %mul3A_541 = arith.muli %arg1, %mul3A_540 : i32
      %mul3A_542 = arith.constant 1000 : i32
      %mul3A_543 = arith.muli %arg1, %mul3A_542 : i32
      "tpu.region"() ({
        %run_scoped3A = tpu.sem_alloc : memref<!tpu.dma_semaphore, #tpu.memory_space<semaphore_mem>>
        %dma_start3A_544 = arith.constant 0 : i32
        %dma_start3A_545 = tpu.memref_slice %arg7[%arg0, %mul3A_543, %dma_start3A_544] : memref<2x10000x128xf32, #tpu.memory_space<hbm>> -> memref<1x1000x128xf32, #tpu.memory_space<hbm>>
        %dma_start3A_546 = tpu.memref_squeeze %dma_start3A_545 : memref<1x1000x128xf32, #tpu.memory_space<hbm>> -> memref<1000x128xf32, #tpu.memory_space<hbm>>
        %dma_start3A_547 = arith.constant 0 : i32
        %dma_start3A_548 = tpu.memref_slice %arg20[%mul3A_541, %dma_start3A_547] : memref<10112x128xf32, #tpu.memory_space<vmem_shared>> -> memref<1000x128xf32, #tpu.memory_space<vmem_shared>>
        tpu.enqueue_dma source(%dma_start3A_548 : memref<1000x128xf32, #tpu.memory_space<vmem_shared>>) target(%dma_start3A_546 : memref<1000x128xf32, #tpu.memory_space<hbm>>) target_semaphore(%run_scoped3A : memref<!tpu.dma_semaphore, #tpu.memory_space<semaphore_mem>>)
        %dma_wait3A = arith.constant 0 : i32
        %dma_wait3A_549 = tpu.memref_slice %arg7[%arg0, %mul3A_543, %dma_wait3A] : memref<2x10000x128xf32, #tpu.memory_space<hbm>> -> memref<1x1000x128xf32, #tpu.memory_space<hbm>>
        %dma_wait3A_550 = tpu.memref_squeeze %dma_wait3A_549 : memref<1x1000x128xf32, #tpu.memory_space<hbm>> -> memref<1000x128xf32, #tpu.memory_space<hbm>>
        %dma_wait3A_551 = arith.constant 0 : i32
        %dma_wait3A_552 = tpu.memref_slice %arg20[%mul3A_541, %dma_wait3A_551] : memref<10112x128xf32, #tpu.memory_space<vmem_shared>> -> memref<1000x128xf32, #tpu.memory_space<vmem_shared>>
        tpu.wait_dma2 semaphore(%run_scoped3A : memref<!tpu.dma_semaphore, #tpu.memory_space<semaphore_mem>>) src(%dma_wait3A_552 : memref<1000x128xf32, #tpu.memory_space<vmem_shared>>) dst(%dma_wait3A_550 : memref<1000x128xf32, #tpu.memory_space<hbm>>)
        tpu.yield
      }) : () -> ()
    } else {
    }
    return
  }
}

</mosaic_0001>

<sc_bundles>
// kernel: _mp_sc.3.cloned.1.call-start
scs
__scs_entry_jumppad:
0x0: {  	(pc) =	sbr.rel $0x88, $3  }
0x1: {  	(tag) =	ssettag $0x0;
	lr =	simm.s32 $0x1  }
0x2: {  	[smem:$0x3F9C] =	sst lr;
	_ =	strace $0xD0000000  }
0x3: {  	_ = 	snop  }
0x4: {  	_ = 	snop  }
0x5: {  	_ = 	snop  }
0x6: {  	_ = 	snop  }
0x7: {  	_ = 	snop  }
__scs_overlays_trampoline_lowered:
0x8: {  	[smem:$0x3FAB] =	sst s0  }
0x9: {  	[smem:$0x3FAC] =	sst s1  }
0xa: {  	[smem:$0x3FAD] =	sst s2  }
0xb: {  	[smem:$0x3FAE] =	sst s3  }
0xc: {  	[smem:$0x3FAF] =	sst s4  }
0xd: {  	[smem:$0x3FB0] =	sst s5  }
0xe: {  	[smem:$0x3FB1] =	sst s6  }
0xf: {  	[smem:$0x3FB2] =	sst s7  }
0x10: {  	[smem:$0x3FB3] =	sst s8  }
0x11: {  	[smem:$0x3FB4] =	sst s9;
	s0 =	simm.s32 @!p0 $0x0  }
0x12: {  	s1 =	sld [smem:$0x3F9A];
	s0 =	simm.s32 @p0 $0x1  }
0x13: {  	[smem:$0x3FB5] =	sst s0;
	s0 =	simm.s32 @!p1 $0x0  }
0x14: {  	s2 =	sld [smem:$0x3F99];
	s0 =	simm.s32 @p1 $0x1  }
0x15: {  	[smem:$0x3FB6] =	sst s0;
	s0 =	simm.s32 @!p2 $0x0  }
0x16: {  	s3 =	sld [smem:$0x3FDB];
	s0 =	simm.s32 @p2 $0x1  }
0x17: {  	s4 =	simm.s32 $0x1BF5;
	[smem:$0x3FB8] =	sst s0  }
0x18: {  	s0 =	sld [smem:$0x3F9B];
	_ =	swait.ge [sflag:s4], $0x0  }
0x19: {  	s7 =	sld [smem:$0x3F9C]  }
0x1a: {  	s8 =	sadd.s32 $0xFFFFE003, lr  }
0x1b: {  	s9 =	sadd.s32 $0xFFFFFEF7, lr;
	s5 =	simm.s32 $0xFFFFFFFF;
	p2 =	slt.u32 s8, $0xFFFFF086  }
0x1c: {  	p1 =	slt.u32 s9, $0xF7A;
	s5 =	simm.s32 @!p2 $0x0  }
0x1d: {  	s5 =	simm.s32 @p1 $0x1;
	p0 =	seq.s32 s7, s2  }
0x1e: {  	s7 =	smul.u32 @!p0 $0xF7A, s2;
	p2 =	seq.s32 @!p0 s5, $0x0  }
0x1f: {  	s9 =	smul.u32 $0xF7A, s1;
	s8 =	simm.s32 @!p0 $0x1BF5;
	p2 =	por !p2, p0  }
0x20: {  	[sflag:s8] =	ssyncset.s32 @!p0 $0xFFFFF086;
	s6 =	sadd.s32 @!p0 s3, s7;
	s7 =	simm.s32 @!p0 $0x108  }
0x21: {  	s3 =	sadd.s32 s3, s9;
	s6 =	sadd.s32 @!p0 $0x88, s6;
	s7 =	simm.s32 @p2 $0x1082  }
0x22: {  	[simem:s7], [sflag:s8] =	dma.local @!p0 [hbm:s6], $0xF7A  }
0x23: {  	s9 =	sor.u32 $0xD0000000, s2;
	s6 =	simm.s32 $0x108;
	_ =	swait.ge @!p0 [sflag:s8], $0x0  }
0x24: {  	s3 =	sadd.s32 $0x88, s3;
	s6 =	simm.s32 @!p1 $0x1082;
	[sflag:s4] =	ssyncset.s32 $0xFFFFF086  }
0x25: {  	[simem:s6], [sflag:s4] =	dma.local [hbm:s3], $0xF7A  }
0x26: {  	[smem:$0x3F9C] =	sst s1;
	(tag) =	ssettag s2;
	_ =	strace s9  }
0x27: {  	s1 =	sld [smem:$0x3FAC]  }
0x28: {  	s2 =	sld [smem:$0x3FAD]  }
0x29: {  	s4 =	sld [smem:$0x3FAF]  }
0x2a: {  	p0 =	seq.s32 s5, $0x0;
	s5 =	sld [smem:$0x3FB0]  }
0x2b: {  	s6 =	sld [smem:$0x3FB1]  }
0x2c: {  	s7 =	sld [smem:$0x3FB2]  }
0x2d: {  	s3 =	simm.s32 $0x108;
	s8 =	sld [smem:$0x3FB3]  }
0x2e: {  	s3 =	simm.s32 @!p0 $0x1082;
	s9 =	sld [smem:$0x3FB4]  }
0x2f: {  	lr =	sadd.s32 s0, s3;
	s0 =	sld [smem:$0x3FAB]  }
0x30: {  	s3 =	sld [smem:$0x3FAE]  }
0x31: {  	[smem:$0x3FB7] =	sst s10  }
0x32: {  	s10 =	sld [smem:$0x3FB5];
	_ =	sdelay $0x3  }
0x33: {  	p0 =	seq.s32 s10, $0x1;
	s10 =	sld [smem:$0x3FB7];
	_ =	sdelay $0x3  }
0x34: {  	[smem:$0x3FB7] =	sst s10  }
0x35: {  	s10 =	sld [smem:$0x3FB6];
	_ =	sdelay $0x3  }
0x36: {  	p1 =	seq.s32 s10, $0x1;
	s10 =	sld [smem:$0x3FB7];
	_ =	sdelay $0x3  }
0x37: {  	[smem:$0x3FB7] =	sst s10  }
0x38: {  	s10 =	sld [smem:$0x3FB8]  }
0x39: {  	_ = 	snop;
	(pc) =	sbr.ind lr, $3  }
0x3a: {  	_ = 	snop  }
0x3b: {  	_ = 	snop  }
0x3c: {  	p2 =	seq.s32 s10, $0x1;
	s10 =	sld [smem:$0x3FB7]  }
0x3d: {  	_ =	shalt  }
0x3e: {  	_ =	shalt  }
0x3f: {  	_ =	shalt  }
0x40: {  	_ =	shalt  }
0x41: {  	_ =	shalt  }
0x42: {  	_ =	shalt  }
0x43: {  	_ =	shalt  }
0x44: {  	_ =	shalt  }
0x45: {  	_ =	shalt  }
0x46: {  	_ =	shalt  }
0x47: {  	_ =	shalt  }
0x48: {  	_ =	shalt  }
0x49: {  	_ =	shalt  }
0x4a: {  	_ =	shalt  }
0x4b: {  	_ =	shalt  }
0x4c: {  	_ =	shalt  }
0x4d: {  	_ =	shalt  }
0x4e: {  	_ =	shalt  }
0x4f: {  	_ =	shalt  }
0x50: {  	_ =	shalt  }
0x51: {  	_ =	shalt  }
0x52: {  	_ =	shalt  }
0x53: {  	_ =	shalt  }
0x54: {  	_ =	shalt  }
0x55: {  	_ =	shalt  }
0x56: {  	_ =	shalt  }
0x57: {  	_ =	shalt  }
0x58: {  	_ =	shalt  }
0x59: {  	_ =	shalt  }
0x5a: {  	_ =	shalt  }
0x5b: {  	_ =	shalt  }
0x5c: {  	_ =	shalt  }
0x5d: {  	_ =	shalt  }
0x5e: {  	_ =	shalt  }
0x5f: {  	_ =	shalt  }
0x60: {  	_ =	shalt  }
0x61: {  	_ =	shalt  }
0x62: {  	_ =	shalt  }
0x63: {  	_ =	shalt  }
0x64: {  	_ =	shalt  }
0x65: {  	_ =	shalt  }
0x66: {  	_ =	shalt  }
0x67: {  	_ =	shalt  }
0x68: {  	_ =	shalt  }
0x69: {  	_ =	shalt  }
0x6a: {  	_ =	shalt  }
0x6b: {  	_ =	shalt  }
0x6c: {  	_ =	shalt  }
0x6d: {  	_ =	shalt  }
0x6e: {  	_ =	shalt  }
0x6f: {  	_ =	shalt  }
0x70: {  	_ =	shalt  }
0x71: {  	_ =	shalt  }
0x72: {  	_ =	shalt  }
0x73: {  	_ =	shalt  }
0x74: {  	_ =	shalt  }
0x75: {  	_ =	shalt  }
0x76: {  	_ =	shalt  }
0x77: {  	_ =	shalt  }
0x78: {  	_ =	shalt  }
0x79: {  	_ =	shalt  }
0x7a: {  	_ =	shalt  }
0x7b: {  	_ =	shalt  }
0x7c: {  	_ =	shalt  }
0x7d: {  	_ =	shalt  }
0x7e: {  	_ =	shalt  }
0x7f: {  	_ =	shalt  }
0x80: {  	_ =	shalt  }
0x81: {  	_ =	shalt  }
0x82: {  	_ =	shalt  }
0x83: {  	_ =	shalt  }
0x84: {  	_ =	shalt  }
0x85: {  	_ =	shalt  }
0x86: {  	_ =	shalt  }
0x87: {  	_ =	shalt  }
.Lfunc_end0:
.L_simem_size_0:
called_computation_lowered:
.L_overlay_start_0:
0x88: {  	s2 =	sld [smem:$0x3FD9]  }
0x89: {  	s3 =	sld [smem:$0x3FFE];
	_ =	sdelay $0x1  }
0x8a: {  	s1 =	srdreg.scid  }
0x8b: {  	s0 =	sand.u32 $0x1, s1  }
0x8c: {  	s18 =	sshll.u32 s0, $0xA;
	s2 =	sadd.s32 s3, s2  }
0x8d: {  	s2 =	sadd.s32 s2, s18  }
0x8e: {  	[smem:$0x3FC3] =	sst s2  }
0x8f: {  	_ = 	snop  }
0x90: {  	s2 =	sld [smem:$0x3FC9]  }
0x91: {  	s19 =	sld [smem:$0x3FC8]  }
0x92: {  	s4 =	sld [smem:$0x3FC7]  }
0x93: {  	s5 =	sld [smem:$0x3FC6]  }
0x94: {  	s6 =	sld [smem:$0x3FC5]  }
0x95: {  	s7 =	sld [smem:$0x3FD0];
	(tm) =	ssettm $0x1  }
0x96: {  	s8 =	sld [smem:$0x3FFB];
	_ =	sdelay $0x3  }
0x97: {  	_ =	strace s8  }
0x98: {  	s8 =	sld [smem:$0x3FFC];
	_ =	sdelay $0x3  }
0x99: {  	_ =	strace s8  }
0x9a: {  	s8 =	sld [smem:$0x3FFD];
	_ =	sdelay $0x3  }
0x9b: {  	_ =	strace s8  }
0x9c: {  	_ =	strace $0x8FFFFFFF  }
0x9d: {  	s20 =	sld [smem:$0x3FDB];
	_ =	sdelay $0x1  }
0x9e: {  	s9 =	simm.s32 $_scs_section_size  }
0x9f: {  	s10 =	simm.s32 $_size__tile_overlayer_lowered;
	s11 =	simm.s32 $_tile_overlayer_lowered  }
0xa0: {  	s23 =	simm.s32 $0x1BFF;
	s22 =	sshll.u32 s11, $0x1;
	s8 =	sadd.s32 s9, s20  }
0xa1: {  	s12 =	simm.s32 $0x0;
	s21 =	sshll.u32 s10, $0x1;
	s10 =	sadd.s32 s22, s8  }
0xa2: {  	[timem:s12], [sflag:s23] =	dma.local [hbm:s10], s21  }
0xa3: {  	_ =	swait.ge [sflag:s23], s21  }
0xa4: {  	s9 =	ssub.s32 $0x0, s21;
	[sflag:s23] =	ssyncset.done $0x0  }
0xa5: {  	[sflag:s23] =	ssyncadd.s32 s9;
	_ =	sdelay $0x1  }
0xa6: {  	s24 =	simm.s32 $0x1B8B  }
0xa7: {  	_ =	swait.ge [sflag:s24], $0x1  }
0xa8: {  	[sflag:s24] =	ssyncset.done $0x0  }
0xa9: {  	s25 =	simm.s32 $0x1B8E;
	[sflag:s24] =	ssyncadd.s32 $0xFFFFFFFF  }
0xaa: {  	s26 =	simm.s32 $execute0_lowered;
	[smem:$0x3FD2] =	sst s25  }
0xab: {  	s9 =	sshll.u32 s26, $0x1;
	_ =	strace $0x80000046;
	[dreg:$0x1] =	wrdreg $0xFFFFFFFF  }
0xac: {  	s28 =	simm.s32 $_size_execute0_lowered;
	s8 =	sadd.s32 s8, s9;
	[dreg:$0x0] =	wrdreg $0x0  }
0xad: {  	s9 =	sshll.u32 s28, $0x1;
	[dreg:$0x2] =	wrdreg s8  }
0xae: {  	[dreg:$0x3] =	wrdreg s9  }
0xaf: {  	[dreg:$0x4] =	wrdreg $0xC0  }
0xb0: {  	_ =	task [dreg:s12], $0x5FFFF  }
0xb1: {  	[dreg:$0x1] =	wrdreg $0xFFFFFFFF  }
0xb2: {  	[dreg:$0x0] =	wrdreg $0x60  }
0xb3: {  	[dreg:$0x2] =	wrdreg s2  }
0xb4: {  	[dreg:$0x3] =	wrdreg s19  }
0xb5: {  	[dreg:$0x4] =	wrdreg s4  }
0xb6: {  	[dreg:$0x5] =	wrdreg s5  }
0xb7: {  	[dreg:$0x6] =	wrdreg s6  }
0xb8: {  	[dreg:$0x7] =	wrdreg s7  }
0xb9: {  	[dreg:$0x8] =	wrdreg $0xAF000  }
0xba: {  	[dreg:$0x9] =	wrdreg $0x9  }
0xbb: {  	_ =	task.clear_ibuf [dreg:s12], $0xAFFFF;
	_ =	strace $0x90000046  }
0xbc: {  	s29 =	simm.s32 $0x9;
	_ =	strace $0x80000048  }
0xbd: {  	_ =	swait.ge [sflag:s29], $0x1  }
0xbe: {  	[sflag:s29] =	ssyncadd.s32 $0xFFFFFFFF  }
0xbf: {  	_ =	strace $0x90000048  }
0xc0: {  	_ =	sfence  }
0xc1: {  	s30 =	sld [smem:$0x0];
	_ =	sdelay $0x2  }
0xc2: {  	s31 =	sshll.u32 s1, $0xD;
	s1 =	sshrl.u32 s1, $0x2  }
0xc3: {  	s3 =	sand.u32 $0x4000, s31;
	s1 =	sadd.s32 s1, s30  }
0xc4: {  	s0 =	sor.u32 s3, s0;
	s1 =	sshll.u32 s1, $0x11  }
0xc5: {  	s0 =	sor.u32 s1, s0  }
0xc6: {  	s0 =	sadd.s32 $0x8F2B, s0  }
0xc7: {  	[sflag:s0] =	ssyncadd.remote.s32 $0x1  }
0xc8: {  	_ =	sfence.sel $0xFFFF  }
0xc9: {  	[dreg:$0x0] =	wrdreg $0xFFFFFFFF;
	(pc) =	sbr.abs _section_cstart, $3  }
0xca: {  	[dreg:$0x1] =	wrdreg $0xFFFFFFFF  }
0xcb: {  	_ =	task.clear_ibuf [dreg:s12], $0x2FFFF;
	_ =	strace $0x9FFFFFFF  }
0xcc: {  	(tm) =	ssettm $0x7FFFFFFF  }
0xcd: {  	_ =	shalt  }
tec
execute0_lowered:
.L_overlay_start_1:
0x0: {  	(tag) =	ssettag $0x1  }
0x1: {  	s0 =	rddreg [dreg:$0x0]  }
0x2: {  	s1 =	rddreg [dreg:$0x1]  }
0x3: {  	s3 =	rddreg [dreg:$0x2]  }
0x4: {  	s4 =	rddreg [dreg:$0x3]  }
0x5: {  	s5 =	rddreg [dreg:$0x4]  }
0x6: {  	s2 =	rddreg [dreg:$0x5]  }
0x7: {  	s6 =	rddreg [dreg:$0x6];
	s7 =	srdreg.scid  }
0x8: {  	s8 =	simm.s32 $0x0;
	s16 =	stileid.u32;
	s17 =	simm.s32 $0xAB00  }
0x9: {  	s18 =	simm.s32 $0x3;
	s19 =	simm.s32 $0x100;
	s21 =	simm.s32 $0x30  }
0xa: {  	s31 =	simm.s32 $0x180;
	s20 =	simm.s32 $0x1;
	s11 =	smul.u32 $0x4F000, s16  }
0xb: {  	s22 =	simm.s32 $0x9300;
	s7 =	sand.u32 $0x1, s7;
	s25 =	smul.u32 $0x1F400, s16  }
0xc: {  	[smem:$0x7FF] =	sst s8;
	s15 =	smul.u32 $0x7D000, s16;
	p0 =	sgt.u32 s16, $0x9  }
0xd: {  	s9 =	sshll.u32 s7, $0x4;
	s10 =	ssub.s32 $0x2, s7;
	_ =	strace $0x80000047  }
0xe: {  	s7 =	smul.u32 $0x138800, s7;
	s9 =	sor.u32 s16, s9;
	s12 =	sshrl.u32 s10, $0x1  }
0xf: {  	s23 =	sshrl.u32 s11, $0x2;
	s29 =	sshrl.u32 s15, $0x2;
	s15 =	simm.s32 $0x7B00  }
0x10: {  	s16 =	simm.s32 $0x8300;
	s14 =	smul.u32 $0x13E0, s9;
	s10 =	ssub.s32 s10, s12  }
0x11: {  	s9 =	sadd.s32 s23, s6;
	s7 =	sadd.s32 s25, s7;
	s30 =	smax.u32 s10, $0x1  }
0x12: {  	v0 =	vimm.s32 $0xFEDCBA98;
	s7 =	sshrl.u32 s7, $0x3;
	s28 =	sadd.s32 $0x60, s14;
	[dreg:$0xd] =	wrdreg s30  }
0x13: {  	v1 =	vimm.s32 $0x76543210;
	v2 =	vunpack.c.l.s4.s8 v0;
	s24 =	sshrl.u32 s14, $0x3;
	s2 =	sadd.s32 s2, s7;
	[dreg:$0xb] =	wrdreg s28  }
0x14: {  	v3 =	vunpack.c.l.s4.s8 v1;
	s25 =	simm.s32 $0x8B00;
	s13 =	sadd.s32 s3, s24;
	[dreg:$0xc] =	wrdreg s2  }
0x15: {  	v4 =	vlaneseq.u32;
	vm0 =	vmmov $0xffff;
	v5 =	vunpack.c.0.s8.s32 v2;
	s23 =	simm.s32 $0x2;
	s26 =	sadd.s32 s4, s24;
	[dreg:$0x8] =	wrdreg s13  }
0x16: {  	vm1 =	vmmov $0xff;
	v0 =	vimm.f32 $0.0e+00;
	v6 =	vunpack.c.0.s8.s32 v3;
	s11 =	sadd.s32 s5, s24;
	s2 =	sadd.s32 s29, s6;
	[dreg:$0x9] =	wrdreg s26  }
0x17: {  	v1 =	vand.u32 $0x7, v4;
	v2 =	vshrl.u32 v4, $0x3;
	v5 =	vand.u32 $0xF, v5;
	s10 =	simm.s32 $0x0;
	[dreg:$0xa] =	wrdreg s11;
	s2 =	sshrl.u32 @!p0 s2, $0x3  }
0x18: {  	v3 =	vor.u32 $0x8, v4;
	v2 =	vmul.u32 $0x8, v2;
	v4 =	vcombine.low v5, v6;
	s24 =	simm.s32 $0x0;
	s13 =	sadd.s32 $0x30, s14;
	[dreg:$0xe] =	wrdreg s2  }
.LBB2_1:
0x19: {  	[tilespmem:$0xAB00] =	vst v0  }
0x1a: {  	[tilespmem:$0xAB10] =	vst v0  }
0x1b: {  	[tilespmem:$0xAB20] =	vst v0  }
0x1c: {  	[tilespmem:$0xAB30] =	vst v0  }
0x1d: {  	[tilespmem:$0xAB40] =	vst v0  }
0x1e: {  	[tilespmem:$0xAB50] =	vst v0  }
0x1f: {  	[tilespmem:$0xAB60] =	vst v0  }
0x20: {  	[tilespmem:$0xAB70] =	vst v0  }
0x21: {  	[tilespmem:$0xAB80] =	vst v0  }
0x22: {  	[tilespmem:$0xAB90] =	vst v0  }
0x23: {  	[tilespmem:$0xABA0] =	vst v0  }
0x24: {  	[tilespmem:$0xABB0] =	vst v0  }
0x25: {  	[tilespmem:$0xABC0] =	vst v0  }
0x26: {  	[tilespmem:$0xABD0] =	vst v0  }
0x27: {  	[tilespmem:$0xABE0] =	vst v0  }
0x28: {  	[tilespmem:$0xABF0] =	vst v0  }
0x29: {  	[tilespmem:$0xAC00] =	vst v0  }
0x2a: {  	[tilespmem:$0xAC10] =	vst v0  }
0x2b: {  	[tilespmem:$0xAC20] =	vst v0  }
0x2c: {  	[tilespmem:$0xAC30] =	vst v0  }
0x2d: {  	[tilespmem:$0xAC40] =	vst v0  }
0x2e: {  	[tilespmem:$0xAC50] =	vst v0  }
0x2f: {  	[tilespmem:$0xAC60] =	vst v0  }
0x30: {  	[tilespmem:$0xAC70] =	vst v0  }
0x31: {  	[tilespmem:$0xAC80] =	vst v0  }
0x32: {  	[tilespmem:$0xAC90] =	vst v0  }
0x33: {  	[tilespmem:$0xACA0] =	vst v0  }
0x34: {  	[tilespmem:$0xACB0] =	vst v0  }
0x35: {  	[tilespmem:$0xACC0] =	vst v0  }
0x36: {  	[tilespmem:$0xACD0] =	vst v0  }
0x37: {  	[tilespmem:$0xACE0] =	vst v0  }
0x38: {  	[tilespmem:$0xACF0] =	vst v0  }
0x39: {  	[tilespmem:$0xAD00] =	vst v0  }
0x3a: {  	[tilespmem:$0xAD10] =	vst v0  }
0x3b: {  	[tilespmem:$0xAD20] =	vst v0  }
0x3c: {  	[tilespmem:$0xAD30] =	vst v0  }
0x3d: {  	[tilespmem:$0xAD40] =	vst v0  }
0x3e: {  	[tilespmem:$0xAD50] =	vst v0  }
0x3f: {  	[tilespmem:$0xAD60] =	vst v0  }
0x40: {  	[tilespmem:$0xAD70] =	vst v0  }
0x41: {  	[tilespmem:$0xAD80] =	vst v0  }
0x42: {  	[tilespmem:$0xAD90] =	vst v0  }
0x43: {  	[tilespmem:$0xADA0] =	vst v0  }
0x44: {  	[tilespmem:$0xADB0] =	vst v0  }
0x45: {  	[tilespmem:$0xADC0] =	vst v0  }
0x46: {  	[tilespmem:$0xADD0] =	vst v0  }
0x47: {  	[tilespmem:$0xADE0] =	vst v0  }
0x48: {  	[tilespmem:$0xADF0] =	vst v0  }
0x49: {  	[tilespmem:$0xAE00] =	vst v0  }
0x4a: {  	[tilespmem:$0xAE10] =	vst v0  }
0x4b: {  	[tilespmem:$0xAE20] =	vst v0  }
0x4c: {  	[tilespmem:$0xAE30] =	vst v0  }
0x4d: {  	[tilespmem:$0xAE40] =	vst v0  }
0x4e: {  	[tilespmem:$0xAE50] =	vst v0  }
0x4f: {  	[tilespmem:$0xAE60] =	vst v0  }
0x50: {  	[tilespmem:$0xAE70] =	vst v0  }
0x51: {  	[tilespmem:$0xAE80] =	vst v0  }
0x52: {  	[tilespmem:$0xAE90] =	vst v0  }
0x53: {  	[tilespmem:$0xAEA0] =	vst v0  }
0x54: {  	[tilespmem:$0xAEB0] =	vst v0  }
0x55: {  	[tilespmem:$0xAEC0] =	vst v0  }
0x56: {  	[tilespmem:$0xAED0] =	vst v0  }
0x57: {  	[tilespmem:$0xAEE0] =	vst v0  }
0x58: {  	[tilespmem:$0xAEF0] =	vst v0  }
0x59: {  	[tilespmem:$0x9370] =	vst v0  }
0x5a: {  	[tilespmem:$0x93F0] =	vst v0  }
0x5b: {  	[tilespmem:$0x9470] =	vst v0  }
0x5c: {  	[tilespmem:$0x94F0] =	vst v0  }
0x5d: {  	[tilespmem:$0x9570] =	vst v0  }
0x5e: {  	[tilespmem:$0x95F0] =	vst v0  }
0x5f: {  	[tilespmem:$0x9670] =	vst v0  }
0x60: {  	[tilespmem:$0x96F0] =	vst v0  }
0x61: {  	[tilespmem:$0x9770] =	vst v0  }
0x62: {  	[tilespmem:$0x97F0] =	vst v0  }
0x63: {  	[tilespmem:$0x9870] =	vst v0  }
0x64: {  	[tilespmem:$0x98F0] =	vst v0  }
0x65: {  	[tilespmem:$0x9970] =	vst v0  }
0x66: {  	[tilespmem:$0x99F0] =	vst v0  }
0x67: {  	[tilespmem:$0x9A70] =	vst v0  }
0x68: {  	[tilespmem:$0x9AF0] =	vst v0  }
0x69: {  	[tilespmem:$0x9B70] =	vst v0  }
0x6a: {  	[tilespmem:$0x9BF0] =	vst v0  }
0x6b: {  	[tilespmem:$0x9C70] =	vst v0  }
0x6c: {  	[tilespmem:$0x9CF0] =	vst v0  }
0x6d: {  	[tilespmem:$0x9D70] =	vst v0  }
0x6e: {  	[tilespmem:$0x9DF0] =	vst v0  }
0x6f: {  	[tilespmem:$0x9E70] =	vst v0  }
0x70: {  	[tilespmem:$0x9EF0] =	vst v0  }
0x71: {  	[tilespmem:$0x9F70] =	vst v0  }
0x72: {  	[tilespmem:$0x9FF0] =	vst v0  }
0x73: {  	[tilespmem:$0xA070] =	vst v0  }
0x74: {  	[tilespmem:$0xA0F0] =	vst v0  }
0x75: {  	[tilespmem:$0xA170] =	vst v0  }
0x76: {  	[tilespmem:$0xA1F0] =	vst v0  }
0x77: {  	[tilespmem:$0xA270] =	vst v0  }
0x78: {  	[tilespmem:$0xA2F0] =	vst v0  }
0x79: {  	[tilespmem:$0xA370] =	vst v0  }
0x7a: {  	[tilespmem:$0xA3F0] =	vst v0  }
0x7b: {  	[tilespmem:$0xA470] =	vst v0  }
0x7c: {  	[tilespmem:$0xA4F0] =	vst v0  }
0x7d: {  	[tilespmem:$0xA570] =	vst v0  }
0x7e: {  	[tilespmem:$0xA5F0] =	vst v0  }
0x7f: {  	[tilespmem:$0xA670] =	vst v0  }
0x80: {  	[tilespmem:$0xA6F0] =	vst v0  }
0x81: {  	[tilespmem:$0xA770] =	vst v0  }
0x82: {  	[tilespmem:$0xA7F0] =	vst v0  }
0x83: {  	[tilespmem:$0xA870] =	vst v0  }
0x84: {  	[tilespmem:$0xA8F0] =	vst v0  }
0x85: {  	[tilespmem:$0xA970] =	vst v0  }
0x86: {  	[tilespmem:$0xA9F0] =	vst v0  }
0x87: {  	[tilespmem:$0xAA70] =	vst v0  }
0x88: {  	[tilespmem:$0xAAF0] =	vst v0;
	s2 =	sadd.s32 $0x0, s9  }
0x89: {  	[spmem:s2] =	stream.linear.scatter [tilespmem:s17], [sflag:$0x3], $0x400, $0x38;
	[tilespmem:$0x1EB00] =	vst v63  }
0x8a: {  	s2 =	simm.s32 $0x1000;
	_ =	swait.ge [sflag:s18], $0x400  }
.LBB2_2:
0x8b: {  	s7 =	sshra.s32 s2, $0x2;
	[sflag:s18] =	ssyncset.done $0x0;
	p1 =	sne.s32 s2, $0x4E000  }
.Ltmp0:
0x8c: {  	s7 =	sadd.s32 s7, s9;
	[sflag:s18] =	ssyncadd.s32 $0xFFFFFC00;
	(pc) =	sbr.rel @p1 .LBB2_2-.Ltmp0, $3  }
0x8d: {  	[spmem:s7] =	stream.linear.scatter [tilespmem:s17], [sflag:$0x3], $0x400, $0x38;
	[tilespmem:$0x1EB00] =	vst v63  }
0x8e: {  	s2 =	sadd.s32 $0x1000, s2;
	_ =	sdelay $0x1  }
0x8f: {  	_ =	swait.ge [sflag:s18], $0x400  }
0x90: {  	[sflag:s18] =	ssyncset.done $0x0  }
0x91: {  	[dreg:$0xf] =	wrdreg s10;
	[sflag:s18] =	ssyncadd.s32 $0xFFFFFC00  }
0x92: {  	[bflag:$0x0] =	sbarrier.arrive $0xFFFF  }
0x93: {  	s2 =	rddreg [dreg:$0x8]  }
0x94: {  	[tilespmem:s24], [sflag:$0x3] =	stream.linear.gather [hbm4b:s2+s24], $0x30, $0x38;
	[tilespmem:$0x1EB00] =	vst v63  }
0x95: {  	_ =	swait.ge [sflag:s18], $0x30  }
0x96: {  	[sflag:s18] =	ssyncset.done $0x0  }
0x97: {  	s7 =	rddreg [dreg:$0x9];
	[sflag:s18] =	ssyncadd.s32 $0xFFFFFFD0  }
0x98: {  	[tilespmem:s19], [sflag:$0x3] =	stream.linear.gather [hbm4b:s7+s24], $0x30, $0x38;
	[tilespmem:$0x1EB00] =	vst v63  }
0x99: {  	_ =	swait.ge [sflag:s18], $0x30  }
0x9a: {  	[sflag:s18] =	ssyncset.done $0x0  }
0x9b: {  	s7 =	simm.s32 $0x200;
	s10 =	rddreg [dreg:$0xa];
	[sflag:s18] =	ssyncadd.s32 $0xFFFFFFD0  }
0x9c: {  	[tilespmem:s7], [sflag:$0x3] =	stream.linear.gather [hbm4b:s10+s24], $0x30, $0x38;
	[tilespmem:$0x1EB00] =	vst v63  }
0x9d: {  	_ =	swait.ge [sflag:s18], $0x30  }
0x9e: {  	[sflag:s18] =	ssyncset.done $0x0  }
0x9f: {  	s11 =	simm.s32 $0x300;
	[sflag:s18] =	ssyncadd.s32 $0xFFFFFFD0  }
0xa0: {  	[tilespmem:s11], [sflag:$0x1] =	stream.indirect.gather [hbm4b:s0+s21], $0x80, s19, s21, $0xb8;
	[tilespmem:$0x1EB00] =	vst v63  }
0xa1: {  	v5 =	vld [tilespmem:$0x0];
	_ =	sdelay $0x4  }
0xa2: {  	v6 =	vshll.u32 v5, $0x1  }
0xa3: {  	v5 =	vand.u32 $0x7, v5;
	v6 =	vand.u32 $0xFFFFFFF0, v6  }
0xa4: {  	v5 =	vor.u32 v5, v6  }
0xa5: {  	v6 =	vperm.xlane v5, v1;
	_ =	sdelay $0x1  }
0xa6: {  	v5 =	vperm.xlane v5, v3;
	v6 =	vadd.s32 v2, v6;
	_ =	sdelay $0x1  }
0xa7: {  	v5 =	vadd.s32 v2, v5;
	_ =	sdelay $0x1  }
0xa8: {  	s12 =	simm.s32 $0x3300  }
0xa9: {  	[tilespmem:s12], [sflag:$0x1] =	stream.indirect_vreg.gather [hbm4b:s1+s24], $0x80, v6, vm0, $0xb8;
	[tilespmem:$0x1EB00] =	vst v63  }
0xaa: {  	s14 =	simm.s32 $0x3B00  }
0xab: {  	[tilespmem:s14], [sflag:$0x1] =	stream.indirect_vreg.gather [hbm4b:s1+s24], $0x80, v5, vm0, $0xb8;
	[tilespmem:$0x1EB00] =	vst v63  }
0xac: {  	v5 =	vld [tilespmem:$0x10];
	_ =	sdelay $0x4  }
0xad: {  	v6 =	vshll.u32 v5, $0x1  }
0xae: {  	v5 =	vand.u32 $0x7, v5;
	v6 =	vand.u32 $0xFFFFFFF0, v6  }
0xaf: {  	v5 =	vor.u32 v5, v6  }
0xb0: {  	v6 =	vperm.xlane v5, v1;
	_ =	sdelay $0x1  }
0xb1: {  	v5 =	vperm.xlane v5, v3;
	v6 =	vadd.s32 v2, v6;
	_ =	sdelay $0x1  }
0xb2: {  	v5 =	vadd.s32 v2, v5;
	_ =	sdelay $0x1  }
0xb3: {  	s26 =	simm.s32 $0x4300  }
0xb4: {  	[tilespmem:s26], [sflag:$0x1] =	stream.indirect_vreg.gather [hbm4b:s1+s24], $0x80, v6, vm0, $0xb8;
	[tilespmem:$0x1EB00] =	vst v63  }
0xb5: {  	s28 =	simm.s32 $0x4B00  }
0xb6: {  	[tilespmem:s28], [sflag:$0x1] =	stream.indirect_vreg.gather [hbm4b:s1+s24], $0x80, v5, vm0, $0xb8;
	[tilespmem:$0x1EB00] =	vst v63  }
0xb7: {  	v5 =	vld [tilespmem:$0x20];
	_ =	sdelay $0x4  }
0xb8: {  	v6 =	vshll.u32 v5, $0x1  }
0xb9: {  	v5 =	vand.u32 $0x7, v5;
	v6 =	vand.u32 $0xFFFFFFF0, v6  }
0xba: {  	v5 =	vor.u32 v5, v6  }
0xbb: {  	v6 =	vperm.xlane v5, v1;
	_ =	sdelay $0x1  }
0xbc: {  	v5 =	vperm.xlane v5, v3;
	v6 =	vadd.s32 v2, v6;
	_ =	sdelay $0x1  }
0xbd: {  	v5 =	vadd.s32 v2, v5;
	_ =	sdelay $0x1  }
0xbe: {  	s29 =	simm.s32 $0x5300  }
0xbf: {  	[tilespmem:s29], [sflag:$0x1] =	stream.indirect_vreg.gather [hbm4b:s1+s24], $0x80, v6, vm0, $0xb8;
	[tilespmem:$0x1EB00] =	vst v63  }
0xc0: {  	s30 =	simm.s32 $0x5B00;
	s26 =	simm.s32 $0x0  }
0xc1: {  	[tilespmem:s30], [sflag:$0x1] =	stream.indirect_vreg.gather [hbm4b:s1+s24], $0x80, v5, vm0, $0xb8;
	[tilespmem:$0x1EB00] =	vst v63  }
.LBB2_4:
0xc2: {  	s28 =	smul.u32 $0x60, s26;
	_ =	sdelay $0x1  }
0xc3: {  	s2 =	sadd.s32 s28, s13  }
0xc4: {  	s2 =	sshrl.u32 s2, $0x3  }
0xc5: {  	s29 =	simm.s32 $0x80;
	s7 =	sadd.s32 s3, s2  }
0xc6: {  	[tilespmem:s29], [sflag:$0x3] =	stream.linear.gather [hbm4b:s7+s24], $0x30, $0x38;
	[tilespmem:$0x1EB00] =	vst v63  }
0xc7: {  	_ =	swait.ge [sflag:s18], $0x30  }
0xc8: {  	[sflag:s18] =	ssyncset.done $0x0  }
0xc9: {  	s12 =	sadd.s32 s4, s2;
	[sflag:s18] =	ssyncadd.s32 $0xFFFFFFD0  }
0xca: {  	[tilespmem:s31], [sflag:$0x3] =	stream.linear.gather [hbm4b:s12+s24], $0x30, $0x38;
	[tilespmem:$0x1EB00] =	vst v63  }
0xcb: {  	_ =	swait.ge [sflag:s18], $0x30  }
0xcc: {  	[sflag:s18] =	ssyncset.done $0x0  }
0xcd: {  	s14 =	simm.s32 $0x280;
	s2 =	sadd.s32 s5, s2;
	[sflag:s18] =	ssyncadd.s32 $0xFFFFFFD0  }
0xce: {  	[tilespmem:s14], [sflag:$0x3] =	stream.linear.gather [hbm4b:s2+s24], $0x30, $0x38;
	[tilespmem:$0x1EB00] =	vst v63  }
0xcf: {  	_ =	swait.ge [sflag:s18], $0x30  }
0xd0: {  	[sflag:s18] =	ssyncset.done $0x0  }
0xd1: {  	s10 =	simm.s32 $0x1B00;
	[sflag:s18] =	ssyncadd.s32 $0xFFFFFFD0  }
0xd2: {  	[tilespmem:s10], [sflag:$0x2] =	stream.indirect.gather [hbm4b:s0+s21], $0x80, s31, s21, $0xb8;
	[tilespmem:$0x1EB00] =	vst v63  }
0xd3: {  	v5 =	vld [tilespmem:$0x80];
	_ =	sdelay $0x4  }
0xd4: {  	v6 =	vshll.u32 v5, $0x1  }
0xd5: {  	v5 =	vand.u32 $0x7, v5;
	v6 =	vand.u32 $0xFFFFFFF0, v6  }
0xd6: {  	v5 =	vor.u32 v5, v6  }
0xd7: {  	v6 =	vperm.xlane v5, v1;
	_ =	sdelay $0x1  }
0xd8: {  	v5 =	vperm.xlane v5, v3;
	v6 =	vadd.s32 v2, v6;
	_ =	sdelay $0x1  }
0xd9: {  	v5 =	vadd.s32 v2, v5;
	_ =	sdelay $0x1  }
0xda: {  	s11 =	simm.s32 $0x6300  }
0xdb: {  	[tilespmem:s11], [sflag:$0x2] =	stream.indirect_vreg.gather [hbm4b:s1+s24], $0x80, v6, vm0, $0xb8;
	[tilespmem:$0x1EB00] =	vst v63  }
0xdc: {  	s12 =	simm.s32 $0x6B00  }
0xdd: {  	[tilespmem:s12], [sflag:$0x2] =	stream.indirect_vreg.gather [hbm4b:s1+s24], $0x80, v5, vm0, $0xb8;
	[tilespmem:$0x1EB00] =	vst v63  }
0xde: {  	v5 =	vld [tilespmem:$0x90];
	_ =	sdelay $0x4  }
0xdf: {  	v6 =	vshll.u32 v5, $0x1  }
0xe0: {  	v5 =	vand.u32 $0x7, v5;
	v6 =	vand.u32 $0xFFFFFFF0, v6  }
0xe1: {  	v5 =	vor.u32 v5, v6  }
0xe2: {  	v6 =	vperm.xlane v5, v1;
	_ =	sdelay $0x1  }
0xe3: {  	v5 =	vperm.xlane v5, v3;
	v6 =	vadd.s32 v2, v6;
	_ =	sdelay $0x1  }
0xe4: {  	v5 =	vadd.s32 v2, v5;
	_ =	sdelay $0x1  }
0xe5: {  	s14 =	simm.s32 $0x7300  }
0xe6: {  	[tilespmem:s14], [sflag:$0x2] =	stream.indirect_vreg.gather [hbm4b:s1+s24], $0x80, v6, vm0, $0xb8;
	[tilespmem:$0x1EB00] =	vst v63  }
0xe7: {  	_ = 	snop  }
0xe8: {  	[tilespmem:s15], [sflag:$0x2] =	stream.indirect_vreg.gather [hbm4b:s1+s24], $0x80, v5, vm0, $0xb8;
	[tilespmem:$0x1EB00] =	vst v63  }
0xe9: {  	v5 =	vld [tilespmem:$0xA0];
	_ =	sdelay $0x4  }
0xea: {  	v6 =	vshll.u32 v5, $0x1  }
0xeb: {  	v5 =	vand.u32 $0x7, v5;
	v6 =	vand.u32 $0xFFFFFFF0, v6  }
0xec: {  	v5 =	vor.u32 v5, v6  }
0xed: {  	v6 =	vperm.xlane v5, v1;
	_ =	sdelay $0x1  }
0xee: {  	v5 =	vperm.xlane v5, v3;
	v6 =	vadd.s32 v2, v6;
	_ =	sdelay $0x1  }
0xef: {  	v5 =	vadd.s32 v2, v5;
	_ =	sdelay $0x2  }
0xf0: {  	[tilespmem:s16], [sflag:$0x2] =	stream.indirect_vreg.gather [hbm4b:s1+s24], $0x80, v6, vm0, $0xb8;
	[tilespmem:$0x1EB00] =	vst v63  }
0xf1: {  	_ = 	snop  }
0xf2: {  	[tilespmem:s25], [sflag:$0x2] =	stream.indirect_vreg.gather [hbm4b:s1+s24], $0x80, v5, vm0, $0xb8;
	[tilespmem:$0x1EB00] =	vst v63  }
0xf3: {  	_ =	swait.ge [sflag:s20], $0x1800  }
0xf4: {  	[sflag:s20] =	ssyncset.done $0x0  }
0xf5: {  	[sflag:s20] =	ssyncadd.s32 $0xFFFFE800  }
0xf6: {  	_ =	swait.ge [sflag:s20], $0x3000  }
0xf7: {  	s30 =	simm.s32 $0x201;
	s7 =	simm.s32 $0x0;
	[sflag:s20] =	ssyncset.done $0x0  }
0xf8: {  	s2 =	simm.s32 $0x380;
	s14 =	simm.s32 $0x9380;
	[sflag:s20] =	ssyncadd.s32 $0xFFFFD000  }
.LBB2_5:
0xf9: {  	s10 =	sadd.s32 $0xFFFFFF80, s29;
	s11 =	sand.u32 $0x3800, s7  }
0xfa: {  	v5 =	vld [tilespmem:s2+$0xFFFFFF80];
	s12 =	sand.u32 $0x300, s10;
	s10 =	sadd.s32 $0x3300, s11  }
0xfb: {  	v9 =	vld [tilespmem:s2+$0xFFFFFF98];
	s11 =	sadd.s32 s12, s10  }
0xfc: {  	v7 =	vld [tilespmem:s11+$0x10];
	s12 =	sor.u32 $0x20, s11  }
0xfd: {  	v8 =	vld.msk [tilespmem:s12+$0x0], $0xff  }
0xfe: {  	v10 =	vld [tilespmem:s2+$0xFFFFFFB0]  }
0xff: {  	v6 =	vld [tilespmem:s11+$0x0]  }
0x100: {  	v11 =	vld [tilespmem:s11+$0x40];
	s12 =	sor.u32 $0x50, s11  }
0x101: {  	v12 =	vld.msk [tilespmem:s12+$0x0], $0xff  }
0x102: {  	v13 =	vld [tilespmem:s11+$0x30];
	v7 =	vperm.xlane v7, v4;
	v8 =	vperm.xlane v8, v4;
	_ =	sdelay $0x1  }
0x103: {  	v36 =	vld [tilespmem:s2+$0xFFFFFFC8];
	v7 =	vsel vm1, v7, v8  }
0x104: {  	v5 =	vmul.f32 v6, v5;
	v7 =	vmul.f32 v7, v9  }
0x105: {  	s12 =	sor.u32 $0x10, s11;
	v37 =	vperm.xlane v11, v4;
	v38 =	vperm.xlane v12, v4  }
0x106: {  	v39 =	vld.msk [tilespmem:s12+$0x0], $0xff;
	v5 =	vadd.f32 v7, v5;
	v7 =	vmul.f32 v13, v10  }
0x107: {  	v40 =	vld.msk [tilespmem:s30+$0xFFFFFFFF ss:$0x0], $0xffff;
	v9 =	vsel vm1, v37, v38  }
0x108: {  	v42 =	vld [tilespmem:s2+$0xFFFFFFA0];
	v5 =	vadd.f32 v7, v5;
	v7 =	vmul.f32 v9, v36  }
0x109: {  	v44 =	vld [tilespmem:s11+$0x20];
	s12 =	sor.u32 $0x40, s11  }
0x10a: {  	v43 =	vld.msk [tilespmem:s12+$0x0], $0xff;
	v5 =	vadd.f32 v7, v5  }
0x10b: {  	v41 =	vld [tilespmem:s2+$0xFFFFFF88];
	v6 =	vperm.xlane v6, v4;
	v7 =	vperm.xlane v39, v4  }
0x10c: {  	v5 =	vmul.f32 v5, v40  }
0x10d: {  	v6 =	vsel vm1, v6, v7;
	v7 =	vld [tilespmem:s2+$0xFFFFFFB8]  }
0x10e: {  	v45 =	vld [tilespmem:s2+$0xFFFFFFD0];
	v8 =	vmul.f32 v44, v42;
	v5 =	vmul.f32 $1.442695020e+00, v5  }
0x10f: {  	v14 =	vld [tilespmem:s11+$0x50];
	v13 =	vperm.xlane v13, v4;
	v9 =	vperm.xlane v43, v4  }
0x110: {  	v6 =	vmul.f32 v6, v41;
	(erf) = vpow2.f32 v5  }
0x111: {  	v5 =	vsel vm1, v13, v9  }
0x112: {  	v6 =	vadd.f32 v8, v6;
	v5 =	vmul.f32 v5, v7;
	_ =	sdelay $0x1  }
0x113: {  	v5 =	vadd.f32 v5, v6;
	v6 =	vmul.f32 v14, v45  }
0x114: {  	v7 =	vld [tilespmem:s11+$0x400]  }
0x115: {  	v5 =	vadd.f32 v6, v5;
	_ =	sdelay $0x1  }
0x116: {  	v5 =	vmul.f32 v5, v40  }
0x117: {  	v6 =	vpop (erf)  }
0x118: {  	v5 =	vmul.f32 $1.442695020e+00, v5;
	v7 =	vmul.f32 v6, v7;
	_ =	sdelay $0x1  }
0x119: {  	(erf) = vpow2.f32 v5;
	[tilespmem:s14+$0xFFFFFF80] =	vst v7  }
0x11a: {  	v5 =	vld [tilespmem:s11+$0x400]  }
0x11b: {  	v7 =	vld.msk [tilespmem:s11+$0x410], $0xff;
	_ =	sdelay $0x4  }
0x11c: {  	v5 =	vperm.xlane v5, v4;
	v7 =	vperm.xlane v7, v4;
	_ =	sdelay $0x1  }
0x11d: {  	v46 =	vpop (erf);
	v5 =	vsel vm1, v5, v7  }
0x11e: {  	v5 =	vmul.f32 v5, v46;
	_ =	sdelay $0x1  }
0x11f: {  	[tilespmem:s14+$0xFFFFFF88] =	vst v5  }
0x120: {  	v5 =	vld [tilespmem:s11+$0x410]  }
0x121: {  	v7 =	vld.msk [tilespmem:s11+$0x420], $0xff;
	_ =	sdelay $0x4  }
0x122: {  	v5 =	vperm.xlane v5, v4;
	v7 =	vperm.xlane v7, v4;
	_ =	sdelay $0x1  }
0x123: {  	v5 =	vsel vm1, v5, v7  }
0x124: {  	v5 =	vmul.f32 v5, v6;
	_ =	sdelay $0x1  }
0x125: {  	[tilespmem:s14+$0xFFFFFF98] =	vst v5  }
0x126: {  	v5 =	vld [tilespmem:s11+$0x420];
	_ =	sdelay $0x4  }
0x127: {  	v5 =	vmul.f32 v5, v46;
	_ =	sdelay $0x1  }
0x128: {  	[tilespmem:s14+$0xFFFFFFA0] =	vst v5  }
0x129: {  	v5 =	vld [tilespmem:s11+$0x430];
	_ =	sdelay $0x4  }
0x12a: {  	v5 =	vmul.f32 v5, v6;
	_ =	sdelay $0x1  }
0x12b: {  	[tilespmem:s14+$0xFFFFFFB0] =	vst v5  }
0x12c: {  	v5 =	vld [tilespmem:s11+$0x430]  }
0x12d: {  	v7 =	vld.msk [tilespmem:s11+$0x440], $0xff;
	_ =	sdelay $0x4  }
0x12e: {  	v5 =	vperm.xlane v5, v4;
	v7 =	vperm.xlane v7, v4;
	_ =	sdelay $0x1  }
0x12f: {  	v5 =	vsel vm1, v5, v7  }
0x130: {  	v5 =	vmul.f32 v5, v46;
	_ =	sdelay $0x1  }
0x131: {  	[tilespmem:s14+$0xFFFFFFB8] =	vst v5  }
0x132: {  	v5 =	vld [tilespmem:s11+$0x440]  }
0x133: {  	v7 =	vld.msk [tilespmem:s11+$0x450], $0xff;
	_ =	sdelay $0x4  }
0x134: {  	v5 =	vperm.xlane v5, v4;
	v7 =	vperm.xlane v7, v4;
	_ =	sdelay $0x1  }
0x135: {  	v5 =	vsel vm1, v5, v7  }
0x136: {  	v5 =	vmul.f32 v5, v6;
	_ =	sdelay $0x1  }
0x137: {  	[tilespmem:s14+$0xFFFFFFC8] =	vst v5  }
0x138: {  	v5 =	vld [tilespmem:s11+$0x450];
	_ =	sdelay $0x4  }
0x139: {  	[tilespmem:s14+$0xFFFFFFE0] =	vst v6;
	v5 =	vmul.f32 v5, v46  }
0x13a: {  	[tilespmem:s14+$0xFFFFFFE8] =	vst v46  }
0x13b: {  	s12 =	sand.u32 $0x380, s29;
	[tilespmem:s14+$0xFFFFFFD0] =	vst v5  }
0x13c: {  	s10 =	sadd.s32 s12, s10;
	v5 =	vld [tilespmem:s2+$0x0]  }
0x13d: {  	v6 =	vld [tilespmem:s10+$0x0]  }
0x13e: {  	s11 =	sor.u32 $0x20, s10;
	v7 =	vld [tilespmem:s10+$0x10]  }
0x13f: {  	v8 =	vld.msk [tilespmem:s11+$0x0], $0xff  }
0x140: {  	v47 =	vld [tilespmem:s2+$0x18]  }
0x141: {  	v48 =	vld [tilespmem:s2+$0x30]  }
0x142: {  	s12 =	sor.u32 $0x50, s10;
	v49 =	vld [tilespmem:s10+$0x40]  }
0x143: {  	v50 =	vld.msk [tilespmem:s12+$0x0], $0xff  }
0x144: {  	v51 =	vld [tilespmem:s10+$0x30];
	v7 =	vperm.xlane v7, v4;
	v8 =	vperm.xlane v8, v4;
	_ =	sdelay $0x1  }
0x145: {  	v52 =	vld [tilespmem:s2+$0x48];
	v7 =	vsel vm1, v7, v8  }
0x146: {  	v5 =	vmul.f32 v6, v5;
	v7 =	vmul.f32 v7, v47  }
0x147: {  	s12 =	sor.u32 $0x10, s10;
	v53 =	vperm.xlane v49, v4;
	v54 =	vperm.xlane v50, v4  }
0x148: {  	v55 =	vld.msk [tilespmem:s12+$0x0], $0xff;
	v5 =	vadd.f32 v7, v5;
	v7 =	vmul.f32 v51, v48  }
0x149: {  	v56 =	vld.msk [tilespmem:s30+$0x0 ss:$0x0], $0xffff;
	v9 =	vsel vm1, v53, v54  }
0x14a: {  	v58 =	vld [tilespmem:s2+$0x20];
	v5 =	vadd.f32 v7, v5;
	v7 =	vmul.f32 v9, v52  }
0x14b: {  	v60 =	vld [tilespmem:s10+$0x20];
	s12 =	sor.u32 $0x40, s10  }
0x14c: {  	v59 =	vld.msk [tilespmem:s12+$0x0], $0xff;
	v5 =	vadd.f32 v7, v5  }
0x14d: {  	v57 =	vld [tilespmem:s2+$0x8];
	v6 =	vperm.xlane v6, v4;
	v7 =	vperm.xlane v55, v4  }
0x14e: {  	v5 =	vmul.f32 v5, v56  }
0x14f: {  	v6 =	vsel vm1, v6, v7;
	v7 =	vld [tilespmem:s2+$0x38]  }
0x150: {  	v61 =	vld [tilespmem:s2+$0x50];
	v13 =	vperm.xlane v51, v4;
	v5 =	vmul.f32 $1.442695020e+00, v5  }
0x151: {  	v62 =	vld [tilespmem:s10+$0x50];
	v8 =	vmul.f32 v60, v58;
	v9 =	vperm.xlane v59, v4  }
0x152: {  	v6 =	vmul.f32 v6, v57;
	(erf) = vpow2.f32 v5  }
0x153: {  	v5 =	vsel vm1, v13, v9  }
0x154: {  	v6 =	vadd.f32 v8, v6;
	v5 =	vmul.f32 v5, v7;
	_ =	sdelay $0x1  }
0x155: {  	v5 =	vadd.f32 v5, v6;
	v6 =	vmul.f32 v62, v61  }
0x156: {  	v7 =	vld [tilespmem:s10+$0x400]  }
0x157: {  	v5 =	vadd.f32 v6, v5;
	_ =	sdelay $0x1  }
0x158: {  	v5 =	vmul.f32 v5, v56  }
0x159: {  	v6 =	vpop (erf)  }
0x15a: {  	v5 =	vmul.f32 $1.442695020e+00, v5;
	v7 =	vmul.f32 v6, v7;
	_ =	sdelay $0x1  }
0x15b: {  	(erf) = vpow2.f32 v5;
	[tilespmem:s14+$0x0] =	vst v7  }
0x15c: {  	v5 =	vld [tilespmem:s10+$0x400]  }
0x15d: {  	v7 =	vld.msk [tilespmem:s10+$0x410], $0xff;
	_ =	sdelay $0x4  }
0x15e: {  	v5 =	vperm.xlane v5, v4;
	v7 =	vperm.xlane v7, v4;
	_ =	sdelay $0x1  }
0x15f: {  	v63 =	vpop (erf);
	v5 =	vsel vm1, v5, v7  }
0x160: {  	v5 =	vmul.f32 v5, v63;
	_ =	sdelay $0x1  }
0x161: {  	[tilespmem:s14+$0x8] =	vst v5  }
0x162: {  	v5 =	vld [tilespmem:s10+$0x410]  }
0x163: {  	v7 =	vld.msk [tilespmem:s10+$0x420], $0xff;
	_ =	sdelay $0x4  }
0x164: {  	v5 =	vperm.xlane v5, v4;
	v7 =	vperm.xlane v7, v4;
	_ =	sdelay $0x1  }
0x165: {  	v5 =	vsel vm1, v5, v7  }
0x166: {  	v5 =	vmul.f32 v5, v6;
	_ =	sdelay $0x1  }
0x167: {  	[tilespmem:s14+$0x18] =	vst v5  }
0x168: {  	v5 =	vld [tilespmem:s10+$0x420];
	_ =	sdelay $0x4  }
0x169: {  	v5 =	vmul.f32 v5, v63;
	_ =	sdelay $0x1  }
0x16a: {  	[tilespmem:s14+$0x20] =	vst v5  }
0x16b: {  	v5 =	vld [tilespmem:s10+$0x430];
	_ =	sdelay $0x4  }
0x16c: {  	v5 =	vmul.f32 v5, v6;
	_ =	sdelay $0x1  }
0x16d: {  	[tilespmem:s14+$0x30] =	vst v5  }
0x16e: {  	v5 =	vld [tilespmem:s10+$0x430]  }
0x16f: {  	v7 =	vld.msk [tilespmem:s10+$0x440], $0xff;
	_ =	sdelay $0x4  }
0x170: {  	v5 =	vperm.xlane v5, v4;
	v7 =	vperm.xlane v7, v4;
	_ =	sdelay $0x1  }
0x171: {  	v5 =	vsel vm1, v5, v7  }
0x172: {  	v5 =	vmul.f32 v5, v63;
	_ =	sdelay $0x1  }
0x173: {  	[tilespmem:s14+$0x38] =	vst v5  }
0x174: {  	v5 =	vld [tilespmem:s10+$0x440]  }
0x175: {  	v7 =	vld.msk [tilespmem:s10+$0x450], $0xff;
	_ =	sdelay $0x4  }
0x176: {  	v5 =	vperm.xlane v5, v4;
	v7 =	vperm.xlane v7, v4;
	_ =	sdelay $0x1  }
0x177: {  	v5 =	vsel vm1, v5, v7  }
0x178: {  	v5 =	vmul.f32 v5, v6;
	_ =	sdelay $0x1  }
0x179: {  	[tilespmem:s14+$0x48] =	vst v5  }
0x17a: {  	v5 =	vld [tilespmem:s10+$0x450];
	_ =	sdelay $0x1  }
0x17b: {  	p1 =	sne.s32 s29, $0x1780  }
.Ltmp1:
0x17c: {  	_ = 	snop;
	(pc) =	sbr.rel @p1 .LBB2_5-.Ltmp1, $4  }
0x17d: {  	_ = 	snop  }
0x17e: {  	[tilespmem:s14+$0x60] =	vst v6;
	v5 =	vmul.f32 v5, v63  }
0x17f: {  	s7 =	sadd.s32 $0x200, s7;
	s29 =	sadd.s32 $0x100, s29;
	[tilespmem:s14+$0x68] =	vst v63  }
0x180: {  	s30 =	sadd.s32 $0x2, s30;
	s2 =	sadd.s32 $0x100, s2;
	[tilespmem:s14+$0x50] =	vst v5;
	s14 =	sadd.s32 $0x100, s14  }
0x181: {  	p1 =	seq.s32 s26, $0x34  }
.Ltmp2:
0x182: {  	_ = 	snop;
	(pc) =	sbr.rel @p1 .LBB2_8-.Ltmp2, $4  }
0x183: {  	[spmem:s6] =	stream.indirect.scatter.add.f32 [tilespmem:s22], [sflag:$0x3], $0x80, s19, s21, $0xb8;
	[tilespmem:$0x1EB00] =	vst v63  }
0x184: {  	_ =	swait.ge [sflag:s18], $0x1800  }
0x185: {  	[sflag:s18] =	ssyncset.done $0x0  }
0x186: {  	[sflag:s18] =	ssyncadd.s32 $0xFFFFE800  }
0x187: {  	s2 =	rddreg [dreg:$0xb]  }
0x188: {  	s2 =	sadd.s32 s28, s2  }
0x189: {  	s2 =	sshrl.u32 s2, $0x3  }
0x18a: {  	s7 =	sadd.s32 s3, s2  }
0x18b: {  	[tilespmem:s8], [sflag:$0x3] =	stream.linear.gather [hbm4b:s7+s8], $0x30, $0x38;
	[tilespmem:$0x1EB00] =	vst v63  }
0x18c: {  	_ =	swait.ge [sflag:s18], $0x30  }
0x18d: {  	[sflag:s18] =	ssyncset.done $0x0  }
0x18e: {  	s29 =	sadd.s32 s4, s2;
	[sflag:s18] =	ssyncadd.s32 $0xFFFFFFD0  }
0x18f: {  	[tilespmem:s19], [sflag:$0x3] =	stream.linear.gather [hbm4b:s29+s8], $0x30, $0x38;
	[tilespmem:$0x1EB00] =	vst v63  }
0x190: {  	_ =	swait.ge [sflag:s18], $0x30  }
0x191: {  	[sflag:s18] =	ssyncset.done $0x0  }
0x192: {  	s30 =	simm.s32 $0x200;
	s2 =	sadd.s32 s5, s2;
	[sflag:s18] =	ssyncadd.s32 $0xFFFFFFD0  }
0x193: {  	[tilespmem:s30], [sflag:$0x3] =	stream.linear.gather [hbm4b:s2+s8], $0x30, $0x38;
	[tilespmem:$0x1EB00] =	vst v63  }
0x194: {  	_ =	swait.ge [sflag:s18], $0x30  }
0x195: {  	[sflag:s18] =	ssyncset.done $0x0  }
0x196: {  	s10 =	simm.s32 $0x300;
	[sflag:s18] =	ssyncadd.s32 $0xFFFFFFD0  }
0x197: {  	[tilespmem:s10], [sflag:$0x1] =	stream.indirect.gather [hbm4b:s0+s21], $0x80, s19, s21, $0xb8;
	[tilespmem:$0x1EB00] =	vst v63  }
0x198: {  	v5 =	vld [tilespmem:$0x0];
	_ =	sdelay $0x4  }
0x199: {  	v6 =	vshll.u32 v5, $0x1  }
0x19a: {  	v5 =	vand.u32 $0x7, v5;
	v6 =	vand.u32 $0xFFFFFFF0, v6  }
0x19b: {  	v5 =	vor.u32 v5, v6  }
0x19c: {  	v6 =	vperm.xlane v5, v1;
	_ =	sdelay $0x1  }
0x19d: {  	v5 =	vperm.xlane v5, v3;
	v6 =	vadd.s32 v2, v6;
	_ =	sdelay $0x1  }
0x19e: {  	v5 =	vadd.s32 v2, v5;
	_ =	sdelay $0x1  }
0x19f: {  	s11 =	simm.s32 $0x3300  }
0x1a0: {  	[tilespmem:s11], [sflag:$0x1] =	stream.indirect_vreg.gather [hbm4b:s1+s8], $0x80, v6, vm0, $0xb8;
	[tilespmem:$0x1EB00] =	vst v63  }
0x1a1: {  	s12 =	simm.s32 $0x3B00  }
0x1a2: {  	[tilespmem:s12], [sflag:$0x1] =	stream.indirect_vreg.gather [hbm4b:s1+s8], $0x80, v5, vm0, $0xb8;
	[tilespmem:$0x1EB00] =	vst v63  }
0x1a3: {  	v5 =	vld [tilespmem:$0x10];
	_ =	sdelay $0x4  }
0x1a4: {  	v6 =	vshll.u32 v5, $0x1  }
0x1a5: {  	v5 =	vand.u32 $0x7, v5;
	v6 =	vand.u32 $0xFFFFFFF0, v6  }
0x1a6: {  	v5 =	vor.u32 v5, v6  }
0x1a7: {  	v6 =	vperm.xlane v5, v1;
	_ =	sdelay $0x1  }
0x1a8: {  	v5 =	vperm.xlane v5, v3;
	v6 =	vadd.s32 v2, v6;
	_ =	sdelay $0x1  }
0x1a9: {  	v5 =	vadd.s32 v2, v5;
	_ =	sdelay $0x1  }
0x1aa: {  	s14 =	simm.s32 $0x4300  }
0x1ab: {  	[tilespmem:s14], [sflag:$0x1] =	stream.indirect_vreg.gather [hbm4b:s1+s8], $0x80, v6, vm0, $0xb8;
	[tilespmem:$0x1EB00] =	vst v63  }
0x1ac: {  	s28 =	simm.s32 $0x4B00  }
0x1ad: {  	[tilespmem:s28], [sflag:$0x1] =	stream.indirect_vreg.gather [hbm4b:s1+s8], $0x80, v5, vm0, $0xb8;
	[tilespmem:$0x1EB00] =	vst v63  }
0x1ae: {  	v5 =	vld [tilespmem:$0x20];
	_ =	sdelay $0x4  }
0x1af: {  	v6 =	vshll.u32 v5, $0x1  }
0x1b0: {  	v5 =	vand.u32 $0x7, v5;
	v6 =	vand.u32 $0xFFFFFFF0, v6  }
0x1b1: {  	v5 =	vor.u32 v5, v6  }
0x1b2: {  	v6 =	vperm.xlane v5, v1;
	_ =	sdelay $0x1  }
0x1b3: {  	v5 =	vperm.xlane v5, v3;
	v6 =	vadd.s32 v2, v6;
	_ =	sdelay $0x1  }
0x1b4: {  	v5 =	vadd.s32 v2, v5;
	_ =	sdelay $0x1  }
0x1b5: {  	s29 =	simm.s32 $0x5300  }
0x1b6: {  	[tilespmem:s29], [sflag:$0x1] =	stream.indirect_vreg.gather [hbm4b:s1+s8], $0x80, v6, vm0, $0xb8;
	[tilespmem:$0x1EB00] =	vst v63  }
0x1b7: {  	s30 =	simm.s32 $0x5B00  }
0x1b8: {  	[tilespmem:s30], [sflag:$0x1] =	stream.indirect_vreg.gather [hbm4b:s1+s8], $0x80, v5, vm0, $0xb8;
	[tilespmem:$0x1EB00] =	vst v63  }
.LBB2_8:
0x1b9: {  	_ =	swait.ge [sflag:s23], $0x1800  }
0x1ba: {  	[sflag:s23] =	ssyncset.done $0x0  }
0x1bb: {  	[sflag:s23] =	ssyncadd.s32 $0xFFFFE800  }
0x1bc: {  	s26 =	sadd.s32 $0x1, s26;
	s28 =	simm.s32 $0x80;
	_ =	swait.ge [sflag:s23], $0x3000  }
0x1bd: {  	s29 =	simm.s32 $0x0;
	s14 =	simm.s32 $0x281;
	[sflag:s23] =	ssyncset.done $0x0  }
0x1be: {  	s2 =	simm.s32 $0x9380;
	s7 =	simm.s32 $0x1B80;
	[sflag:s23] =	ssyncadd.s32 $0xFFFFD000  }
.LBB2_9:
0x1bf: {  	s10 =	sadd.s32 $0xFFFFFF80, s28;
	s11 =	sand.u32 $0x3800, s29  }
0x1c0: {  	v5 =	vld [tilespmem:s7+$0xFFFFFF80];
	s12 =	sand.u32 $0x300, s10;
	s10 =	sadd.s32 $0x6300, s11  }
0x1c1: {  	v9 =	vld [tilespmem:s7+$0xFFFFFF98];
	s11 =	sadd.s32 s12, s10  }
0x1c2: {  	v7 =	vld [tilespmem:s11+$0x10];
	s12 =	sor.u32 $0x20, s11  }
0x1c3: {  	v8 =	vld.msk [tilespmem:s12+$0x0], $0xff  }
0x1c4: {  	v10 =	vld [tilespmem:s7+$0xFFFFFFB0]  }
0x1c5: {  	v6 =	vld [tilespmem:s11+$0x0]  }
0x1c6: {  	v11 =	vld [tilespmem:s11+$0x40];
	s30 =	sor.u32 $0x50, s11  }
0x1c7: {  	v12 =	vld.msk [tilespmem:s30+$0x0], $0xff  }
0x1c8: {  	v13 =	vld [tilespmem:s11+$0x30];
	v7 =	vperm.xlane v7, v4;
	v8 =	vperm.xlane v8, v4;
	_ =	sdelay $0x1  }
0x1c9: {  	v36 =	vld [tilespmem:s7+$0xFFFFFFC8];
	v7 =	vsel vm1, v7, v8  }
0x1ca: {  	v5 =	vmul.f32 v6, v5;
	v7 =	vmul.f32 v7, v9  }
0x1cb: {  	s30 =	sor.u32 $0x10, s11;
	v37 =	vperm.xlane v11, v4;
	v38 =	vperm.xlane v12, v4  }
0x1cc: {  	v39 =	vld.msk [tilespmem:s30+$0x0], $0xff;
	v5 =	vadd.f32 v7, v5;
	v7 =	vmul.f32 v13, v10  }
0x1cd: {  	v40 =	vld.msk [tilespmem:s14+$0xFFFFFFFF ss:$0x0], $0xffff;
	v9 =	vsel vm1, v37, v38  }
0x1ce: {  	v42 =	vld [tilespmem:s7+$0xFFFFFFA0];
	v5 =	vadd.f32 v7, v5;
	v7 =	vmul.f32 v9, v36  }
0x1cf: {  	v44 =	vld [tilespmem:s11+$0x20];
	s30 =	sor.u32 $0x40, s11  }
0x1d0: {  	v43 =	vld.msk [tilespmem:s30+$0x0], $0xff;
	v5 =	vadd.f32 v7, v5  }
0x1d1: {  	v41 =	vld [tilespmem:s7+$0xFFFFFF88];
	v6 =	vperm.xlane v6, v4;
	v7 =	vperm.xlane v39, v4  }
0x1d2: {  	v5 =	vmul.f32 v5, v40  }
0x1d3: {  	v6 =	vsel vm1, v6, v7;
	v7 =	vld [tilespmem:s7+$0xFFFFFFB8]  }
0x1d4: {  	v45 =	vld [tilespmem:s7+$0xFFFFFFD0];
	v8 =	vmul.f32 v44, v42;
	v5 =	vmul.f32 $1.442695020e+00, v5  }
0x1d5: {  	v14 =	vld [tilespmem:s11+$0x50];
	v13 =	vperm.xlane v13, v4;
	v9 =	vperm.xlane v43, v4  }
0x1d6: {  	v6 =	vmul.f32 v6, v41;
	(erf) = vpow2.f32 v5  }
0x1d7: {  	v5 =	vsel vm1, v13, v9  }
0x1d8: {  	v6 =	vadd.f32 v8, v6;
	v5 =	vmul.f32 v5, v7;
	_ =	sdelay $0x1  }
0x1d9: {  	v5 =	vadd.f32 v5, v6;
	v6 =	vmul.f32 v14, v45  }
0x1da: {  	v7 =	vld [tilespmem:s11+$0x400]  }
0x1db: {  	v5 =	vadd.f32 v6, v5;
	_ =	sdelay $0x1  }
0x1dc: {  	v5 =	vmul.f32 v5, v40  }
0x1dd: {  	v6 =	vpop (erf)  }
0x1de: {  	v5 =	vmul.f32 $1.442695020e+00, v5;
	v7 =	vmul.f32 v6, v7;
	_ =	sdelay $0x1  }
0x1df: {  	(erf) = vpow2.f32 v5;
	[tilespmem:s2+$0xFFFFFF80] =	vst v7  }
0x1e0: {  	v5 =	vld [tilespmem:s11+$0x400]  }
0x1e1: {  	v7 =	vld.msk [tilespmem:s11+$0x410], $0xff;
	_ =	sdelay $0x4  }
0x1e2: {  	v5 =	vperm.xlane v5, v4;
	v7 =	vperm.xlane v7, v4;
	_ =	sdelay $0x1  }
0x1e3: {  	v46 =	vpop (erf);
	v5 =	vsel vm1, v5, v7  }
0x1e4: {  	v5 =	vmul.f32 v5, v46;
	_ =	sdelay $0x1  }
0x1e5: {  	[tilespmem:s2+$0xFFFFFF88] =	vst v5  }
0x1e6: {  	v5 =	vld [tilespmem:s11+$0x410]  }
0x1e7: {  	v7 =	vld.msk [tilespmem:s11+$0x420], $0xff;
	_ =	sdelay $0x4  }
0x1e8: {  	v5 =	vperm.xlane v5, v4;
	v7 =	vperm.xlane v7, v4;
	_ =	sdelay $0x1  }
0x1e9: {  	v5 =	vsel vm1, v5, v7  }
0x1ea: {  	v5 =	vmul.f32 v5, v6;
	_ =	sdelay $0x1  }
0x1eb: {  	[tilespmem:s2+$0xFFFFFF98] =	vst v5  }
0x1ec: {  	v5 =	vld [tilespmem:s11+$0x420];
	_ =	sdelay $0x4  }
0x1ed: {  	v5 =	vmul.f32 v5, v46;
	_ =	sdelay $0x1  }
0x1ee: {  	[tilespmem:s2+$0xFFFFFFA0] =	vst v5  }
0x1ef: {  	v5 =	vld [tilespmem:s11+$0x430];
	_ =	sdelay $0x4  }
0x1f0: {  	v5 =	vmul.f32 v5, v6;
	_ =	sdelay $0x1  }
0x1f1: {  	[tilespmem:s2+$0xFFFFFFB0] =	vst v5  }
0x1f2: {  	v5 =	vld [tilespmem:s11+$0x430]  }
0x1f3: {  	v7 =	vld.msk [tilespmem:s11+$0x440], $0xff;
	_ =	sdelay $0x4  }
0x1f4: {  	v5 =	vperm.xlane v5, v4;
	v7 =	vperm.xlane v7, v4;
	_ =	sdelay $0x1  }
0x1f5: {  	v5 =	vsel vm1, v5, v7  }
0x1f6: {  	v5 =	vmul.f32 v5, v46;
	_ =	sdelay $0x1  }
0x1f7: {  	[tilespmem:s2+$0xFFFFFFB8] =	vst v5  }
0x1f8: {  	v5 =	vld [tilespmem:s11+$0x440]  }
0x1f9: {  	v7 =	vld.msk [tilespmem:s11+$0x450], $0xff;
	_ =	sdelay $0x4  }
0x1fa: {  	v5 =	vperm.xlane v5, v4;
	v7 =	vperm.xlane v7, v4;
	_ =	sdelay $0x1  }
0x1fb: {  	v5 =	vsel vm1, v5, v7  }
0x1fc: {  	v5 =	vmul.f32 v5, v6;
	_ =	sdelay $0x1  }
0x1fd: {  	[tilespmem:s2+$0xFFFFFFC8] =	vst v5  }
0x1fe: {  	v5 =	vld [tilespmem:s11+$0x450];
	_ =	sdelay $0x4  }
0x1ff: {  	[tilespmem:s2+$0xFFFFFFE0] =	vst v6;
	v5 =	vmul.f32 v5, v46  }
0x200: {  	[tilespmem:s2+$0xFFFFFFE8] =	vst v46  }
0x201: {  	s12 =	sand.u32 $0x380, s28;
	[tilespmem:s2+$0xFFFFFFD0] =	vst v5  }
0x202: {  	s10 =	sadd.s32 s12, s10;
	v5 =	vld [tilespmem:s7+$0x0]  }
0x203: {  	v6 =	vld [tilespmem:s10+$0x0]  }
0x204: {  	s11 =	sor.u32 $0x20, s10;
	v7 =	vld [tilespmem:s10+$0x10]  }
0x205: {  	v8 =	vld.msk [tilespmem:s11+$0x0], $0xff  }
0x206: {  	v47 =	vld [tilespmem:s7+$0x18]  }
0x207: {  	v48 =	vld [tilespmem:s7+$0x30]  }
0x208: {  	s30 =	sor.u32 $0x50, s10;
	v49 =	vld [tilespmem:s10+$0x40]  }
0x209: {  	v50 =	vld.msk [tilespmem:s30+$0x0], $0xff  }
0x20a: {  	v51 =	vld [tilespmem:s10+$0x30];
	v7 =	vperm.xlane v7, v4;
	v8 =	vperm.xlane v8, v4;
	_ =	sdelay $0x1  }
0x20b: {  	v52 =	vld [tilespmem:s7+$0x48];
	v7 =	vsel vm1, v7, v8  }
0x20c: {  	v5 =	vmul.f32 v6, v5;
	v7 =	vmul.f32 v7, v47  }
0x20d: {  	s12 =	sor.u32 $0x10, s10;
	v53 =	vperm.xlane v49, v4;
	v54 =	vperm.xlane v50, v4  }
0x20e: {  	v55 =	vld.msk [tilespmem:s12+$0x0], $0xff;
	v5 =	vadd.f32 v7, v5;
	v7 =	vmul.f32 v51, v48  }
0x20f: {  	v56 =	vld.msk [tilespmem:s14+$0x0 ss:$0x0], $0xffff;
	v9 =	vsel vm1, v53, v54  }
0x210: {  	v58 =	vld [tilespmem:s7+$0x20];
	v5 =	vadd.f32 v7, v5;
	v7 =	vmul.f32 v9, v52  }
0x211: {  	s30 =	sor.u32 $0x40, s10;
	v60 =	vld [tilespmem:s10+$0x20]  }
0x212: {  	v59 =	vld.msk [tilespmem:s30+$0x0], $0xff;
	v5 =	vadd.f32 v7, v5  }
0x213: {  	v57 =	vld [tilespmem:s7+$0x8];
	v6 =	vperm.xlane v6, v4;
	v7 =	vperm.xlane v55, v4  }
0x214: {  	v5 =	vmul.f32 v5, v56  }
0x215: {  	v6 =	vsel vm1, v6, v7;
	v7 =	vld [tilespmem:s7+$0x38]  }
0x216: {  	v61 =	vld [tilespmem:s7+$0x50];
	v13 =	vperm.xlane v51, v4;
	v5 =	vmul.f32 $1.442695020e+00, v5  }
0x217: {  	v62 =	vld [tilespmem:s10+$0x50];
	v8 =	vmul.f32 v60, v58;
	v9 =	vperm.xlane v59, v4  }
0x218: {  	v6 =	vmul.f32 v6, v57;
	(erf) = vpow2.f32 v5  }
0x219: {  	v5 =	vsel vm1, v13, v9  }
0x21a: {  	v6 =	vadd.f32 v8, v6;
	v5 =	vmul.f32 v5, v7;
	_ =	sdelay $0x1  }
0x21b: {  	v5 =	vadd.f32 v5, v6;
	v6 =	vmul.f32 v62, v61  }
0x21c: {  	v7 =	vld [tilespmem:s10+$0x400]  }
0x21d: {  	v5 =	vadd.f32 v6, v5;
	_ =	sdelay $0x1  }
0x21e: {  	v5 =	vmul.f32 v5, v56  }
0x21f: {  	v6 =	vpop (erf)  }
0x220: {  	v5 =	vmul.f32 $1.442695020e+00, v5;
	v7 =	vmul.f32 v6, v7;
	_ =	sdelay $0x1  }
0x221: {  	(erf) = vpow2.f32 v5;
	[tilespmem:s2+$0x0] =	vst v7  }
0x222: {  	v5 =	vld [tilespmem:s10+$0x400]  }
0x223: {  	v7 =	vld.msk [tilespmem:s10+$0x410], $0xff;
	_ =	sdelay $0x4  }
0x224: {  	v5 =	vperm.xlane v5, v4;
	v7 =	vperm.xlane v7, v4;
	_ =	sdelay $0x1  }
0x225: {  	v63 =	vpop (erf);
	v5 =	vsel vm1, v5, v7  }
0x226: {  	v5 =	vmul.f32 v5, v63;
	_ =	sdelay $0x1  }
0x227: {  	[tilespmem:s2+$0x8] =	vst v5  }
0x228: {  	v5 =	vld [tilespmem:s10+$0x410]  }
0x229: {  	v7 =	vld.msk [tilespmem:s10+$0x420], $0xff;
	_ =	sdelay $0x4  }
0x22a: {  	v5 =	vperm.xlane v5, v4;
	v7 =	vperm.xlane v7, v4;
	_ =	sdelay $0x1  }
0x22b: {  	v5 =	vsel vm1, v5, v7  }
0x22c: {  	v5 =	vmul.f32 v5, v6;
	_ =	sdelay $0x1  }
0x22d: {  	[tilespmem:s2+$0x18] =	vst v5  }
0x22e: {  	v5 =	vld [tilespmem:s10+$0x420];
	_ =	sdelay $0x4  }
0x22f: {  	v5 =	vmul.f32 v5, v63;
	_ =	sdelay $0x1  }
0x230: {  	[tilespmem:s2+$0x20] =	vst v5  }
0x231: {  	v5 =	vld [tilespmem:s10+$0x430];
	_ =	sdelay $0x4  }
0x232: {  	v5 =	vmul.f32 v5, v6;
	_ =	sdelay $0x1  }
0x233: {  	[tilespmem:s2+$0x30] =	vst v5  }
0x234: {  	v5 =	vld [tilespmem:s10+$0x430]  }
0x235: {  	v7 =	vld.msk [tilespmem:s10+$0x440], $0xff;
	_ =	sdelay $0x4  }
0x236: {  	v5 =	vperm.xlane v5, v4;
	v7 =	vperm.xlane v7, v4;
	_ =	sdelay $0x1  }
0x237: {  	v5 =	vsel vm1, v5, v7  }
0x238: {  	v5 =	vmul.f32 v5, v63;
	_ =	sdelay $0x1  }
0x239: {  	[tilespmem:s2+$0x38] =	vst v5  }
0x23a: {  	v5 =	vld [tilespmem:s10+$0x440]  }
0x23b: {  	v7 =	vld.msk [tilespmem:s10+$0x450], $0xff;
	_ =	sdelay $0x4  }
0x23c: {  	v5 =	vperm.xlane v5, v4;
	v7 =	vperm.xlane v7, v4;
	_ =	sdelay $0x1  }
0x23d: {  	v5 =	vsel vm1, v5, v7  }
0x23e: {  	v5 =	vmul.f32 v5, v6;
	_ =	sdelay $0x1  }
0x23f: {  	[tilespmem:s2+$0x48] =	vst v5  }
0x240: {  	v5 =	vld [tilespmem:s10+$0x450];
	_ =	sdelay $0x1  }
0x241: {  	p1 =	sne.s32 s28, $0x1780  }
.Ltmp3:
0x242: {  	_ = 	snop;
	(pc) =	sbr.rel @p1 .LBB2_9-.Ltmp3, $4  }
0x243: {  	_ = 	snop  }
0x244: {  	[tilespmem:s2+$0x60] =	vst v6;
	v5 =	vmul.f32 v5, v63  }
0x245: {  	s29 =	sadd.s32 $0x200, s29;
	s28 =	sadd.s32 $0x100, s28;
	[tilespmem:s2+$0x68] =	vst v63  }
0x246: {  	s14 =	sadd.s32 $0x2, s14;
	s7 =	sadd.s32 $0x100, s7;
	[tilespmem:s2+$0x50] =	vst v5;
	s2 =	sadd.s32 $0x100, s2  }
0x247: {  	p1 =	sne.s32 s26, $0x35  }
.Ltmp4:
0x248: {  	_ = 	snop;
	(pc) =	sbr.rel @p1 .LBB2_4-.Ltmp4, $4  }
0x249: {  	[spmem:s6] =	stream.indirect.scatter.add.f32 [tilespmem:s22], [sflag:$0x3], $0x80, s31, s21, $0xb8;
	[tilespmem:$0x1EB00] =	vst v63  }
0x24a: {  	_ =	swait.ge [sflag:s18], $0x1800  }
0x24b: {  	[sflag:s18] =	ssyncset.done $0x0  }
0x24c: {  	[sflag:s18] =	ssyncadd.s32 $0xFFFFE800  }
0x24d: {  	s2 =	stileid.u32;
	[bflag:$0x0] =	sbarrier.arrive $0xFFFF  }
0x24e: {  	s2 =	sshll.u32 @!p0 s2, $0x6;
	s7 =	rddreg [dreg:$0xc]  }
0x24f: {  	s10 =	rddreg [dreg:$0xe];
	s2 =	sor.u32 @!p0 $0x1C03, s2  }
0x250: {  	[hbm:s7], [sflag:s2] =	dma.local @!p0 [spmem:s10], $0x3E80  }
0x251: {  	s2 =	simm.s32 @!p0 $0x3  }
0x252: {  	_ =	swait.ge @!p0 [sflag:s2], $0x3E80  }
0x253: {  	s29 =	rddreg [dreg:$0xf]  }
0x254: {  	s30 =	rddreg [dreg:$0xd];
	s10 =	sadd.s32 $0x1, s29  }
0x255: {  	p1 =	sne.s32 s10, s30  }
.Ltmp5:
0x256: {  	_ = 	snop;
	(pc) =	sbr.rel @p1 .LBB2_1-.Ltmp5, $3  }
0x257: {  	_ =	sdelay $0x1  }
0x258: {  	[sflag:s2] =	ssyncset.done @!p0 $0x0  }
0x259: {  	[sflag:s2] =	ssyncadd.s32 @!p0 $0xFFFFC180  }
0x25a: {  	_ =	sfence.sel $0x180000  }
0x25b: {  	[bflag:$0x0] =	sbarrier.arrive $0xFFFF  }
0x25c: {  	_ =	strace $0x90000047  }
0x25d: {  	s0 =	stileid.u32;
	[bflag:$0x2] =	sbarrier.arrive $0xFFFF  }
0x25e: {  	p0 =	sne.s32 s0, $0x0;
	s0 =	rddreg [dreg:$0x7]  }
0x25f: {  	s0 =	sadd.s32 @!p0 $0x100000, s0  }
0x260: {  	[sflag:s0] =	ssyncadd.tile.s32 @!p0 $0x1;
	_ =	shalt  }
.Lfunc_end2:
_tile_overlayer_lowered:
.L_overlay_start_2:
0x261: {  	(tag) =	ssettag $0x2  }
0x262: {  	s0 =	rddreg [dreg:$0x0];
	s2 =	stileid.u32  }
0x263: {  	s1 =	rddreg [dreg:$0x1];
	p0 =	sne.s32 s2, $0x0  }
0x264: {  	s3 =	rddreg [dreg:$0x2];
	[bflag:$0x3] =	sbarrier.arrive $0xFFFF;
	s2 =	simm.s32 @!p0 $0x1C03  }
0x265: {  	[timem:s3], [sflag:s2] =	dma.local @!p0 [hbm:s0], s1  }
0x266: {  	s0 =	simm.s32 @!p0 $0x3  }
0x267: {  	_ =	swait.ge @!p0 [sflag:s0], s1  }
0x268: {  	s1 =	ssub.s32 @!p0 $0x0, s1;
	[sflag:s0] =	ssyncset.done @!p0 $0x0  }
0x269: {  	[sflag:s0] =	ssyncadd.s32 @!p0 s1  }
0x26a: {  	[bflag:$0x3] =	sbarrier.arrive $0xFFFF  }
0x26b: {  	_ =	shalt  }

</sc_bundles>
